<compile_context>
chip_gen: v7x
topology: tpu7x:2x2x1
jax: 0.10.2.dev20260603
libtpu: 0.0.44.dev20260713+nightly
codegen_flags: <defaults>
</compile_context>

<pallas_src>
import jax
import jax.numpy as jnp
from jax import lax
from jax.experimental import pallas as pl
from jax.experimental.pallas import tpu as pltpu
from jax.experimental.pallas import tpu_sc as plsc

_RES = 64
_RV = _RES + 1
_NV = _RV ** 3
_M = 10
_N = 262144
_SDF_BIAS = -1.0 / _RES

_NC, _NS = 2, 16

_Q = 68736
_DUMPQ = _Q
_HACCQ = 69632
_ZCHQ = _HACCQ // _NS

_NVP = 4 * _Q

_CPT = _N // _NS
_CW = 256
_NSW = _CPT // _CW
_NPAIR = _CW // 32

_ZW = 128
_NWQ = 537

_OFF = tuple((c & 1) * _RV * _RV + ((c >> 1) & 1) * _RV + (c >> 2)
             for c in range(8))


def _sc_body(xs_hbm, ys_hbm, zs_hbm, feats_hbm, zeros_hbm,
             sums_hbm, cnt_hbm,
             featbuf0, featbuf1, xsb, ysb, zsb, idxbuf, onesb, zrow,
             sem, acc, cnt):
    cid = lax.axis_index("c")
    sid = lax.axis_index("s")
    iota = lax.iota(jnp.int32, 16)
    zerov = jnp.zeros((16,), jnp.float32)

    pats = [jnp.where(iota < 8, 2 * p, 2 * p + 1) for p in range(8)]
    c8 = iota % 8
    offpat = ((c8 & 1) * (_RV * _RV) + ((c8 >> 1) & 1) * _RV + (c8 >> 2))
    _dnums = lax.GatherDimensionNumbers(
        offset_dims=(), collapsed_slice_dims=(0,), start_index_map=(0,))

    def _vperm(x, pat):
        return lax.gather(x, pat[:, None], dimension_numbers=_dnums,
                          slice_sizes=(1,),
                          mode=lax.GatherScatterMode.PROMISE_IN_BOUNDS)

    for i in range(8):
        onesb[pl.ds(i * 16, 16)] = jnp.ones((16,), jnp.float32)

    cube0 = sid * _CPT
    zbase = sid * _ZCHQ
    nwin = jnp.where(sid < 9, 34, 33)
    wout0 = (sid * 33 + jnp.minimum(sid, 9)) * _ZW

    for t in range(2):
        qi = cid * 2 + t
        qbase = qi * _Q
        hloc_u = lax.convert_element_type(
            jnp.minimum(_NV - qbase, _Q), jnp.uint32)

        def _zrow_fill(i, carry):
            zrow[pl.ds(i * 16, 16)] = zerov
            return carry
        lax.fori_loop(0, _ZW // 16, _zrow_fill, 0)
        pltpu.sync_copy(zeros_hbm, featbuf1)

        def _zacc(k, carry):
            pltpu.sync_copy(featbuf1, acc.at[pl.ds(zbase + k * _ZW, _ZW)])
            pltpu.sync_copy(zrow, cnt.at[pl.ds(zbase + k * _ZW, _ZW)])
            return carry
        lax.fori_loop(0, _ZCHQ // _ZW, _zacc, 0)

        plsc.subcore_barrier()

        def _idx_window(q, par, salt):
            x = xsb[pl.ds(q, 16)]
            y = ysb[pl.ds(q, 16)]
            z = zsb[pl.ds(q, 16)]
            base = (x * (_RV * _RV) + y * _RV + z) - qbase
            for p in range(8):
                bg = _vperm(base, pats[p])
                sel = bg + offpat
                valid = plsc.bitcast(sel, jnp.uint32) < hloc_u
                dvec = (_DUMPQ + ((salt * 8 + p) % 16) * 16) + iota
                sel = jnp.where(valid, sel, dvec)
                idxbuf.at[par][pl.ds(p * 16, 16)] = sel

        def _sw(sw, carry):
            cb0 = cube0 + sw * _CW
            pltpu.sync_copy(xs_hbm.at[pl.ds(cb0, _CW)], xsb)
            pltpu.sync_copy(ys_hbm.at[pl.ds(cb0, _CW)], ysb)
            pltpu.sync_copy(zs_hbm.at[pl.ds(cb0, _CW)], zsb)

            def _pair(jp, c2):
                q0 = jp * 32
                r0 = (cb0 + q0) * 8
                in0 = pltpu.async_copy(feats_hbm.at[pl.ds(r0, 128)],
                                       featbuf0, sem)
                in1 = pltpu.async_copy(feats_hbm.at[pl.ds(r0 + 128, 128)],
                                       featbuf1, sem)
                _idx_window(q0, 0, jp)
                in0.wait()
                s0a = pltpu.async_copy(featbuf0, acc.at[idxbuf.at[0]],
                                       sem, add=True)
                s0b = pltpu.async_copy(onesb, cnt.at[idxbuf.at[0]],
                                       sem, add=True)
                _idx_window(q0 + 16, 1, jp + 1)
                in1.wait()
                s1a = pltpu.async_copy(featbuf1, acc.at[idxbuf.at[1]],
                                       sem, add=True)
                s1b = pltpu.async_copy(onesb, cnt.at[idxbuf.at[1]],
                                       sem, add=True)
                s0a.wait()
                s0b.wait()
                s1a.wait()
                s1b.wait()
                return c2
            lax.fori_loop(0, _NPAIR, _pair, 0)
            return carry
        lax.fori_loop(0, _NSW, _sw, 0)

        plsc.subcore_barrier()

        def _outwin(k, carry):
            @pl.when(k < nwin)
            def _():
                s = wout0 + k * _ZW
                pltpu.sync_copy(acc.at[pl.ds(s, _ZW)], featbuf0)
                pltpu.sync_copy(cnt.at[pl.ds(s, _ZW)], zrow)
                pltpu.sync_copy(featbuf0,
                                sums_hbm.at[pl.ds(qbase + s, _ZW)])
                pltpu.sync_copy(zrow, cnt_hbm.at[pl.ds(qbase + s, _ZW)])
            return carry
        lax.fori_loop(0, 34, _outwin, 0)

        plsc.subcore_barrier()


_DBLK = 2048


def _div_body(s_ref, c_ref, o_ref):
    s = s_ref[...]
    c = c_ref[...]
    cm = jnp.maximum(c, 1.0)
    col = lax.broadcasted_iota(jnp.int32, (_DBLK, _M), 1)
    bias = jnp.where((col == 0) & (c > 0.0), jnp.float32(_SDF_BIAS),
                     jnp.float32(0.0))
    o_ref[...] = s / cm + bias


@jax.jit
def _impl(coords, feats):
    xs = coords[:, 0]
    ys = coords[:, 1]
    zs = coords[:, 2]
    feats2d = feats.reshape(_N * 8, _M)
    zeros = jnp.zeros((_ZW, _M), jnp.float32)
    mesh = plsc.VectorSubcoreMesh(core_axis_name="c", subcore_axis_name="s",
                                  num_cores=_NC, num_subcores=_NS)
    scatter = pl.kernel(
        _sc_body,
        out_type=(jax.ShapeDtypeStruct((_NVP, _M), jnp.float32),
                  jax.ShapeDtypeStruct((_NVP,), jnp.float32)),
        mesh=mesh,
        compiler_params=pltpu.CompilerParams(needs_layout_passes=False,
                                             use_tc_tiling_on_sc=False),
        scratch_types=[
            pltpu.VMEM((_ZW, _M), jnp.float32),
            pltpu.VMEM((_ZW, _M), jnp.float32),
            pltpu.VMEM((_CW,), jnp.int32),
            pltpu.VMEM((_CW,), jnp.int32),
            pltpu.VMEM((_CW,), jnp.int32),
            pltpu.VMEM((2, 128), jnp.int32),
            pltpu.VMEM((128,), jnp.float32),
            pltpu.VMEM((_ZW,), jnp.float32),
            pltpu.SemaphoreType.DMA,
            pltpu.VMEM_SHARED((_HACCQ, _M), jnp.float32),
            pltpu.VMEM_SHARED((_HACCQ,), jnp.float32),
        ],
    )
    sums, counts = scatter(xs, ys, zs, feats2d, zeros)
    counts2d = counts.reshape(_NVP, 1)
    dense = pl.pallas_call(
        _div_body,
        grid=((_NVP + _DBLK - 1) // _DBLK,),
        in_specs=[pl.BlockSpec((_DBLK, _M), lambda i: (i, 0)),
                  pl.BlockSpec((_DBLK, 1), lambda i: (i, 0))],
        out_specs=pl.BlockSpec((_DBLK, _M), lambda i: (i, 0)),
        out_shape=jax.ShapeDtypeStruct((_NVP, _M), jnp.float32),
    )(sums, counts2d)
    return dense[:_NV]


def kernel(coords, feats):
    return _impl(coords, feats)

# --- scband reference (transcript-rebuilt; emitter-appended) ---
"""Pipeline reference for scband-slat-mesh-decoder-18743237280119 (READ-ONLY COPY).

The authoritative reference and input builder live on the scoring server;
editing this copy changes nothing except your own understanding.
"""

import jax, jax.numpy as jnp
import numpy as np

RES = 64
SDF_BIAS = -1.0 / RES
CUBE_CORNERS = np.array([[0, 0, 0], [1, 0, 0], [0, 1, 0], [1, 1, 0], [0, 0, 1], [1, 0, 1], [0, 1, 1], [1, 1, 1]], dtype=np.int64)


def setup_inputs(seed: int = 0) -> dict:
    key = jax.random.key(seed)
    k1, k2 = jax.random.split(key)
    coords = jax.random.randint(k1, (262144, 3), 0, 64, dtype=jnp.int32)
    feats = jax.random.normal(k2, (262144, 8, 10), dtype=jnp.float32)
    return {"coords": coords, "feats": feats}


def reference(coords, feats):
    # sparse_cube2verts: build voxel grid corner verts, group them by shared
    # vertex on the full (res+1)^3 grid, scatter-mean cube corner features onto
    # shared vertices (torch.scatter_reduce reduce='mean', include_self=False),
    # then densify onto the full (res+1)^3 vertex grid.
    corners = jnp.asarray(CUBE_CORNERS.astype(np.int32))
    verts = (corners[None, :, :] + coords[:, None, :].astype(jnp.int32)).reshape(-1, 3)

    res_v = RES + 1
    num_verts = res_v * res_v * res_v
    idx = (verts[:, 0] * res_v + verts[:, 1]) * res_v + verts[:, 2]

    M = feats.shape[2]
    # apply sdf bias to channel 0 (layout: [sdf(1), deform(3), color(6)])
    sdf = feats[:, :, 0:1] + SDF_BIAS
    v_attrs = jnp.concatenate([sdf, feats[:, :, 1:]], axis=-1)

    vals = v_attrs.reshape(-1, M)
    sums = jax.ops.segment_sum(vals, idx, num_segments=num_verts)
    counts = jax.ops.segment_sum(jnp.ones((idx.shape[0],), jnp.float32), idx, num_segments=num_verts)
    dense = sums / jnp.maximum(counts, 1.0)[:, None]
    return dense.reshape(-1, M)

if __name__ == "__main__":
    import jax
    _d = setup_inputs()
    print(jax.jit(kernel)(*tuple(_d.values())))

</pallas_src>

<mosaic_0001>
#map = affine_map<(d0, d1) -> (0)>
#map1 = affine_map<(d0, d1) -> (0, 0)>
module attributes {stable_mosaic.version = 14 : i64} {
  func.func @_sc_body(%arg0: i32, %arg1: i32, %arg2: memref<262144xi32, #tpu.memory_space<hbm>>, %arg3: memref<262144xi32, #tpu.memory_space<hbm>>, %arg4: memref<262144xi32, #tpu.memory_space<hbm>>, %arg5: memref<2097152x10xf32, #tpu.memory_space<hbm>>, %arg6: memref<128x10xf32, #tpu.memory_space<hbm>>, %arg7: memref<274944x10xf32, #tpu.memory_space<hbm>>, %arg8: memref<274944xf32, #tpu.memory_space<hbm>>, %arg9: memref<128x10xf32, #tpu.memory_space<vmem>>, %arg10: memref<128x10xf32, #tpu.memory_space<vmem>>, %arg11: memref<256xi32, #tpu.memory_space<vmem>>, %arg12: memref<256xi32, #tpu.memory_space<vmem>>, %arg13: memref<256xi32, #tpu.memory_space<vmem>>, %arg14: memref<2x128xi32, #tpu.memory_space<vmem>>, %arg15: memref<128xf32, #tpu.memory_space<vmem>>, %arg16: memref<128xf32, #tpu.memory_space<vmem>>, %arg17: memref<!tpu.dma_semaphore, #tpu.memory_space<semaphore_mem>>, %arg18: memref<69632x10xf32, #tpu.memory_space<vmem_shared>>, %arg19: memref<69632xf32, #tpu.memory_space<vmem_shared>>) attributes {dimension_semantics = [#tpu.dimension_semantics<core_parallel>, #tpu.dimension_semantics<subcore_parallel>], iteration_bounds = array<i64: 2, 16>, scalar_prefetch = 0 : i64, scratch_operands = 11 : i64, tpu.core_type = #tpu.core_type<sc_vector_subcore>, window_params = [{transform_indices = #map}, {transform_indices = #map}, {transform_indices = #map}, {transform_indices = #map1}, {transform_indices = #map1}, {transform_indices = #map1}, {transform_indices = #map}]} {
    %iota3A = tpu.iota {dimensions = array<i32: 0>} : vector<16xi32>
    %broadcast_in_dim3A = arith.constant 0.000000e+00 : f32
    %broadcast_in_dim3A_0 = vector.broadcast %broadcast_in_dim3A : f32 to vector<16xf32>
    %lt3A = arith.constant 8 : i32
    %lt3A_1 = vector.broadcast %lt3A : i32 to vector<16xi32>
    %lt3A_2 = arith.cmpi slt, %iota3A, %lt3A_1 : vector<16xi32>
    %jit3A = arith.constant 0 : i32
    %jit3A_3 = arith.constant 1 : i32
    %broadcast_in_dim3A_4 = vector.broadcast %jit3A : i32 to vector<16xi32>
    %broadcast_in_dim3A_5 = vector.broadcast %jit3A_3 : i32 to vector<16xi32>
    %select_n3A = arith.select %lt3A_2, %broadcast_in_dim3A_4, %broadcast_in_dim3A_5 : vector<16xi1>, vector<16xi32>
    %lt3A_6 = arith.constant 8 : i32
    %lt3A_7 = vector.broadcast %lt3A_6 : i32 to vector<16xi32>
    %lt3A_8 = arith.cmpi slt, %iota3A, %lt3A_7 : vector<16xi32>
    %jit3A_9 = arith.constant 2 : i32
    %jit3A_10 = arith.constant 3 : i32
    %broadcast_in_dim3A_11 = vector.broadcast %jit3A_9 : i32 to vector<16xi32>
    %broadcast_in_dim3A_12 = vector.broadcast %jit3A_10 : i32 to vector<16xi32>
    %select_n3A_13 = arith.select %lt3A_8, %broadcast_in_dim3A_11, %broadcast_in_dim3A_12 : vector<16xi1>, vector<16xi32>
    %lt3A_14 = arith.constant 8 : i32
    %lt3A_15 = vector.broadcast %lt3A_14 : i32 to vector<16xi32>
    %lt3A_16 = arith.cmpi slt, %iota3A, %lt3A_15 : vector<16xi32>
    %jit3A_17 = arith.constant 4 : i32
    %jit3A_18 = arith.constant 5 : i32
    %broadcast_in_dim3A_19 = vector.broadcast %jit3A_17 : i32 to vector<16xi32>
    %broadcast_in_dim3A_20 = vector.broadcast %jit3A_18 : i32 to vector<16xi32>
    %select_n3A_21 = arith.select %lt3A_16, %broadcast_in_dim3A_19, %broadcast_in_dim3A_20 : vector<16xi1>, vector<16xi32>
    %lt3A_22 = arith.constant 8 : i32
    %lt3A_23 = vector.broadcast %lt3A_22 : i32 to vector<16xi32>
    %lt3A_24 = arith.cmpi slt, %iota3A, %lt3A_23 : vector<16xi32>
    %jit3A_25 = arith.constant 6 : i32
    %jit3A_26 = arith.constant 7 : i32
    %broadcast_in_dim3A_27 = vector.broadcast %jit3A_25 : i32 to vector<16xi32>
    %broadcast_in_dim3A_28 = vector.broadcast %jit3A_26 : i32 to vector<16xi32>
    %select_n3A_29 = arith.select %lt3A_24, %broadcast_in_dim3A_27, %broadcast_in_dim3A_28 : vector<16xi1>, vector<16xi32>
    %lt3A_30 = arith.constant 8 : i32
    %lt3A_31 = vector.broadcast %lt3A_30 : i32 to vector<16xi32>
    %lt3A_32 = arith.cmpi slt, %iota3A, %lt3A_31 : vector<16xi32>
    %jit3A_33 = arith.constant 8 : i32
    %jit3A_34 = arith.constant 9 : i32
    %broadcast_in_dim3A_35 = vector.broadcast %jit3A_33 : i32 to vector<16xi32>
    %broadcast_in_dim3A_36 = vector.broadcast %jit3A_34 : i32 to vector<16xi32>
    %select_n3A_37 = arith.select %lt3A_32, %broadcast_in_dim3A_35, %broadcast_in_dim3A_36 : vector<16xi1>, vector<16xi32>
    %lt3A_38 = arith.constant 8 : i32
    %lt3A_39 = vector.broadcast %lt3A_38 : i32 to vector<16xi32>
    %lt3A_40 = arith.cmpi slt, %iota3A, %lt3A_39 : vector<16xi32>
    %jit3A_41 = arith.constant 10 : i32
    %jit3A_42 = arith.constant 11 : i32
    %broadcast_in_dim3A_43 = vector.broadcast %jit3A_41 : i32 to vector<16xi32>
    %broadcast_in_dim3A_44 = vector.broadcast %jit3A_42 : i32 to vector<16xi32>
    %select_n3A_45 = arith.select %lt3A_40, %broadcast_in_dim3A_43, %broadcast_in_dim3A_44 : vector<16xi1>, vector<16xi32>
    %lt3A_46 = arith.constant 8 : i32
    %lt3A_47 = vector.broadcast %lt3A_46 : i32 to vector<16xi32>
    %lt3A_48 = arith.cmpi slt, %iota3A, %lt3A_47 : vector<16xi32>
    %jit3A_49 = arith.constant 12 : i32
    %jit3A_50 = arith.constant 13 : i32
    %broadcast_in_dim3A_51 = vector.broadcast %jit3A_49 : i32 to vector<16xi32>
    %broadcast_in_dim3A_52 = vector.broadcast %jit3A_50 : i32 to vector<16xi32>
    %select_n3A_53 = arith.select %lt3A_48, %broadcast_in_dim3A_51, %broadcast_in_dim3A_52 : vector<16xi1>, vector<16xi32>
    %lt3A_54 = arith.constant 8 : i32
    %lt3A_55 = vector.broadcast %lt3A_54 : i32 to vector<16xi32>
    %lt3A_56 = arith.cmpi slt, %iota3A, %lt3A_55 : vector<16xi32>
    %jit3A_57 = arith.constant 14 : i32
    %jit3A_58 = arith.constant 15 : i32
    %broadcast_in_dim3A_59 = vector.broadcast %jit3A_57 : i32 to vector<16xi32>
    %broadcast_in_dim3A_60 = vector.broadcast %jit3A_58 : i32 to vector<16xi32>
    %select_n3A_61 = arith.select %lt3A_56, %broadcast_in_dim3A_59, %broadcast_in_dim3A_60 : vector<16xi1>, vector<16xi32>
    %jit3A_62 = arith.constant 8 : i32
    %eq3A = arith.constant 0 : i32
    %eq3A_63 = arith.cmpi eq, %jit3A_62, %eq3A : i32
    %jit3A_64 = arith.constant 1 : i32
    %select_n3A_65 = arith.select %eq3A_63, %jit3A_64, %jit3A_62 : i32
    %rem3A = vector.broadcast %select_n3A_65 : i32 to vector<16xi32>
    %rem3A_66 = arith.remsi %iota3A, %rem3A : vector<16xi32>
    %ne3A = arith.constant 0 : i32
    %ne3A_67 = vector.broadcast %ne3A : i32 to vector<16xi32>
    %ne3A_68 = arith.cmpi ne, %rem3A_66, %ne3A_67 : vector<16xi32>
    %lt3A_69 = arith.constant 0 : i32
    %lt3A_70 = vector.broadcast %lt3A_69 : i32 to vector<16xi32>
    %lt3A_71 = arith.cmpi slt, %rem3A_66, %lt3A_70 : vector<16xi32>
    %lt3A_72 = arith.constant 0 : i32
    %lt3A_73 = arith.cmpi slt, %select_n3A_65, %lt3A_72 : i32
    %ne3A_74 = vector.broadcast %lt3A_73 : i1 to vector<16xi1>
    %ne3A_75 = vector.broadcast %ne3A_74 : vector<16xi1> to vector<16xi1>
    %ne3A_76 = arith.xori %lt3A_71, %ne3A_75 : vector<16xi1>
    %and3A = arith.andi %ne3A_76, %ne3A_68 : vector<16xi1>
    %add3A = vector.broadcast %select_n3A_65 : i32 to vector<16xi32>
    %add3A_77 = arith.addi %rem3A_66, %add3A : vector<16xi32>
    %select_n3A_78 = arith.select %and3A, %add3A_77, %rem3A_66 : vector<16xi1>, vector<16xi32>
    %and3A_79 = arith.constant 1 : i32
    %and3A_80 = vector.broadcast %and3A_79 : i32 to vector<16xi32>
    %and3A_81 = arith.andi %select_n3A_78, %and3A_80 : vector<16xi32>
    %mul3A = arith.constant 4225 : i32
    %mul3A_82 = vector.broadcast %mul3A : i32 to vector<16xi32>
    %mul3A_83 = arith.muli %and3A_81, %mul3A_82 : vector<16xi32>
    %shift_right_arithmetic3A = arith.constant 1 : i32
    %shift_right_arithmetic3A_84 = vector.broadcast %shift_right_arithmetic3A : i32 to vector<16xi32>
    %shift_right_arithmetic3A_85 = arith.shrsi %select_n3A_78, %shift_right_arithmetic3A_84 : vector<16xi32>
    %and3A_86 = arith.constant 1 : i32
    %and3A_87 = vector.broadcast %and3A_86 : i32 to vector<16xi32>
    %and3A_88 = arith.andi %shift_right_arithmetic3A_85, %and3A_87 : vector<16xi32>
    %mul3A_89 = arith.constant 65 : i32
    %mul3A_90 = vector.broadcast %mul3A_89 : i32 to vector<16xi32>
    %mul3A_91 = arith.muli %and3A_88, %mul3A_90 : vector<16xi32>
    %add3A_92 = arith.addi %mul3A_83, %mul3A_91 : vector<16xi32>
    %shift_right_arithmetic3A_93 = arith.constant 2 : i32
    %shift_right_arithmetic3A_94 = vector.broadcast %shift_right_arithmetic3A_93 : i32 to vector<16xi32>
    %shift_right_arithmetic3A_95 = arith.shrsi %select_n3A_78, %shift_right_arithmetic3A_94 : vector<16xi32>
    %add3A_96 = arith.addi %add3A_92, %shift_right_arithmetic3A_95 : vector<16xi32>
    %broadcast_in_dim3A_97 = arith.constant 1.000000e+00 : f32
    %broadcast_in_dim3A_98 = vector.broadcast %broadcast_in_dim3A_97 : f32 to vector<16xf32>
    %swap3A = arith.constant 0 : index
    %swap3A_99 = tpu.vector_load %arg15[%swap3A] {strides = array<i32>} : memref<128xf32, #tpu.memory_space<vmem>>, vector<16xf32>,
    tpu.vector_store %arg15[%swap3A], %broadcast_in_dim3A_98 {strides = array<i32>} : memref<128xf32, #tpu.memory_space<vmem>>, vector<16xf32>,
    %broadcast_in_dim3A_100 = arith.constant 1.000000e+00 : f32
    %broadcast_in_dim3A_101 = vector.broadcast %broadcast_in_dim3A_100 : f32 to vector<16xf32>
    %swap3A_102 = arith.constant 16 : index
    %swap3A_103 = tpu.vector_load %arg15[%swap3A_102] {strides = array<i32>} : memref<128xf32, #tpu.memory_space<vmem>>, vector<16xf32>,
    tpu.vector_store %arg15[%swap3A_102], %broadcast_in_dim3A_101 {strides = array<i32>} : memref<128xf32, #tpu.memory_space<vmem>>, vector<16xf32>,
    %broadcast_in_dim3A_104 = arith.constant 1.000000e+00 : f32
    %broadcast_in_dim3A_105 = vector.broadcast %broadcast_in_dim3A_104 : f32 to vector<16xf32>
    %swap3A_106 = arith.constant 32 : index
    %swap3A_107 = tpu.vector_load %arg15[%swap3A_106] {strides = array<i32>} : memref<128xf32, #tpu.memory_space<vmem>>, vector<16xf32>,
    tpu.vector_store %arg15[%swap3A_106], %broadcast_in_dim3A_105 {strides = array<i32>} : memref<128xf32, #tpu.memory_space<vmem>>, vector<16xf32>,
    %broadcast_in_dim3A_108 = arith.constant 1.000000e+00 : f32
    %broadcast_in_dim3A_109 = vector.broadcast %broadcast_in_dim3A_108 : f32 to vector<16xf32>
    %swap3A_110 = arith.constant 48 : index
    %swap3A_111 = tpu.vector_load %arg15[%swap3A_110] {strides = array<i32>} : memref<128xf32, #tpu.memory_space<vmem>>, vector<16xf32>,
    tpu.vector_store %arg15[%swap3A_110], %broadcast_in_dim3A_109 {strides = array<i32>} : memref<128xf32, #tpu.memory_space<vmem>>, vector<16xf32>,
    %broadcast_in_dim3A_112 = arith.constant 1.000000e+00 : f32
    %broadcast_in_dim3A_113 = vector.broadcast %broadcast_in_dim3A_112 : f32 to vector<16xf32>
    %swap3A_114 = arith.constant 64 : index
    %swap3A_115 = tpu.vector_load %arg15[%swap3A_114] {strides = array<i32>} : memref<128xf32, #tpu.memory_space<vmem>>, vector<16xf32>,
    tpu.vector_store %arg15[%swap3A_114], %broadcast_in_dim3A_113 {strides = array<i32>} : memref<128xf32, #tpu.memory_space<vmem>>, vector<16xf32>,
    %broadcast_in_dim3A_116 = arith.constant 1.000000e+00 : f32
    %broadcast_in_dim3A_117 = vector.broadcast %broadcast_in_dim3A_116 : f32 to vector<16xf32>
    %swap3A_118 = arith.constant 80 : index
    %swap3A_119 = tpu.vector_load %arg15[%swap3A_118] {strides = array<i32>} : memref<128xf32, #tpu.memory_space<vmem>>, vector<16xf32>,
    tpu.vector_store %arg15[%swap3A_118], %broadcast_in_dim3A_117 {strides = array<i32>} : memref<128xf32, #tpu.memory_space<vmem>>, vector<16xf32>,
    %broadcast_in_dim3A_120 = arith.constant 1.000000e+00 : f32
    %broadcast_in_dim3A_121 = vector.broadcast %broadcast_in_dim3A_120 : f32 to vector<16xf32>
    %swap3A_122 = arith.constant 96 : index
    %swap3A_123 = tpu.vector_load %arg15[%swap3A_122] {strides = array<i32>} : memref<128xf32, #tpu.memory_space<vmem>>, vector<16xf32>,
    tpu.vector_store %arg15[%swap3A_122], %broadcast_in_dim3A_121 {strides = array<i32>} : memref<128xf32, #tpu.memory_space<vmem>>, vector<16xf32>,
    %broadcast_in_dim3A_124 = arith.constant 1.000000e+00 : f32
    %broadcast_in_dim3A_125 = vector.broadcast %broadcast_in_dim3A_124 : f32 to vector<16xf32>
    %swap3A_126 = arith.constant 112 : index
    %swap3A_127 = tpu.vector_load %arg15[%swap3A_126] {strides = array<i32>} : memref<128xf32, #tpu.memory_space<vmem>>, vector<16xf32>,
    tpu.vector_store %arg15[%swap3A_126], %broadcast_in_dim3A_125 {strides = array<i32>} : memref<128xf32, #tpu.memory_space<vmem>>, vector<16xf32>,
    %mul3A_128 = arith.constant 16384 : i32
    %mul3A_129 = arith.muli %arg1, %mul3A_128 : i32
    %mul3A_130 = arith.constant 4352 : i32
    %mul3A_131 = arith.muli %arg1, %mul3A_130 : i32
    %lt3A_132 = arith.constant 9 : i32
    %lt3A_133 = arith.cmpi slt, %arg1, %lt3A_132 : i32
    %jit3A_134 = arith.constant 34 : i32
    %jit3A_135 = arith.constant 33 : i32
    %select_n3A_136 = arith.select %lt3A_133, %jit3A_134, %jit3A_135 : i32
    %mul3A_137 = arith.constant 33 : i32
    %mul3A_138 = arith.muli %arg1, %mul3A_137 : i32
    %min3A = arith.constant 9 : i32
    %min3A_139 = arith.minsi %arg1, %min3A : i32
    %add3A_140 = arith.addi %mul3A_138, %min3A_139 : i32
    %mul3A_141 = arith.constant 128 : i32
    %mul3A_142 = arith.muli %add3A_140, %mul3A_141 : i32
    %mul3A_143 = arith.constant 2 : i32
    %mul3A_144 = arith.muli %arg0, %mul3A_143 : i32
    %add3A_145 = arith.constant 0 : i32
    %add3A_146 = arith.addi %mul3A_144, %add3A_145 : i32
    %mul3A_147 = arith.constant 68736 : i32
    %mul3A_148 = arith.muli %add3A_146, %mul3A_147 : i32
    %sub3A = arith.constant 274625 : i32
    %sub3A_149 = arith.subi %sub3A, %mul3A_148 : i32
    %min3A_150 = arith.constant 68736 : i32
    %min3A_151 = arith.minsi %sub3A_149, %min3A_150 : i32
    %scan3A = arith.constant 0 : i32
    %scan3A_152 = arith.constant 0 : i32
    %scan3A_153 = arith.constant 8 : i32
    %scan3A_154 = arith.addi %scan3A_152, %scan3A_153 : i32
    %scan3A_155 = arith.constant 1 : i32
    scf.for %scan3A_214 = %scan3A_152 to %scan3A_154 step %scan3A_155  : i32 {
      %mul3A_215 = arith.constant 16 : i32
      %mul3A_216 = arith.muli %scan3A_214, %mul3A_215 : i32
      %swap3A_217 = arith.index_cast %mul3A_216 : i32 to index
      %swap3A_218 = tpu.vector_load %arg16[%swap3A_217] {strides = array<i32>} : memref<128xf32, #tpu.memory_space<vmem>>, vector<16xf32>,
      tpu.vector_store %arg16[%swap3A_217], %broadcast_in_dim3A_0 {strides = array<i32>} : memref<128xf32, #tpu.memory_space<vmem>>, vector<16xf32>,
    }
    %scan3A_156 = arith.constant 8 : i32
    "tpu.region"() ({
      %run_scoped3A = tpu.sem_alloc : memref<!tpu.dma_semaphore, #tpu.memory_space<semaphore_mem>>
      tpu.enqueue_dma source(%arg6 : memref<128x10xf32, #tpu.memory_space<hbm>>) target(%arg10 : memref<128x10xf32, #tpu.memory_space<vmem>>) target_semaphore(%run_scoped3A : memref<!tpu.dma_semaphore, #tpu.memory_space<semaphore_mem>>)
      tpu.wait_dma2 semaphore(%run_scoped3A : memref<!tpu.dma_semaphore, #tpu.memory_space<semaphore_mem>>) src(%arg6 : memref<128x10xf32, #tpu.memory_space<hbm>>) dst(%arg10 : memref<128x10xf32, #tpu.memory_space<vmem>>)
      tpu.yield
    }) : () -> ()
    %scan3A_157 = arith.constant 0 : i32
    %scan3A_158 = arith.constant 0 : i32
    %scan3A_159 = arith.constant 34 : i32
    %scan3A_160 = arith.addi %scan3A_158, %scan3A_159 : i32
    %scan3A_161 = arith.constant 1 : i32
    scf.for %scan3A_214 = %scan3A_158 to %scan3A_160 step %scan3A_161  : i32 {
      %mul3A_215 = arith.constant 128 : i32
      %mul3A_216 = arith.muli %scan3A_214, %mul3A_215 : i32
      %add3A_217 = arith.addi %mul3A_131, %mul3A_216 : i32
      "tpu.region"() ({
        %run_scoped3A = tpu.sem_alloc : memref<!tpu.dma_semaphore, #tpu.memory_space<semaphore_mem>>
        %dma_start3A = arith.constant 0 : i32
        %dma_start3A_221 = tpu.memref_slice %arg18[%add3A_217, %dma_start3A] : memref<69632x10xf32, #tpu.memory_space<vmem_shared>> -> memref<128x10xf32, #tpu.memory_space<vmem_shared>>
        %dma_start3A_222 = arith.constant 0 : i32
        %dma_start3A_223 = tpu.memref_slice %arg18[%add3A_217, %dma_start3A_222] : memref<69632x10xf32, #tpu.memory_space<vmem_shared>> -> memref<128x10xf32, #tpu.memory_space<vmem_shared>>
        tpu.enqueue_dma source(%arg10 : memref<128x10xf32, #tpu.memory_space<vmem>>) target(%dma_start3A_223 : memref<128x10xf32, #tpu.memory_space<vmem_shared>>) target_semaphore(%run_scoped3A : memref<!tpu.dma_semaphore, #tpu.memory_space<semaphore_mem>>)
        %dma_wait3A = arith.constant 0 : i32
        %dma_wait3A_224 = tpu.memref_slice %arg18[%add3A_217, %dma_wait3A] : memref<69632x10xf32, #tpu.memory_space<vmem_shared>> -> memref<128x10xf32, #tpu.memory_space<vmem_shared>>
        %dma_wait3A_225 = arith.constant 0 : i32
        %dma_wait3A_226 = tpu.memref_slice %arg18[%add3A_217, %dma_wait3A_225] : memref<69632x10xf32, #tpu.memory_space<vmem_shared>> -> memref<128x10xf32, #tpu.memory_space<vmem_shared>>
        tpu.wait_dma2 semaphore(%run_scoped3A : memref<!tpu.dma_semaphore, #tpu.memory_space<semaphore_mem>>) src(%arg10 : memref<128x10xf32, #tpu.memory_space<vmem>>) dst(%dma_wait3A_226 : memref<128x10xf32, #tpu.memory_space<vmem_shared>>)
        tpu.yield
      }) : () -> ()
      %mul3A_218 = arith.constant 128 : i32
      %mul3A_219 = arith.muli %scan3A_214, %mul3A_218 : i32
      %add3A_220 = arith.addi %mul3A_131, %mul3A_219 : i32
      "tpu.region"() ({
        %run_scoped3A = tpu.sem_alloc : memref<!tpu.dma_semaphore, #tpu.memory_space<semaphore_mem>>
        %dma_start3A = tpu.memref_slice %arg19[%add3A_220] : memref<69632xf32, #tpu.memory_space<vmem_shared>> -> memref<128xf32, #tpu.memory_space<vmem_shared>>
        %dma_start3A_221 = tpu.memref_slice %arg19[%add3A_220] : memref<69632xf32, #tpu.memory_space<vmem_shared>> -> memref<128xf32, #tpu.memory_space<vmem_shared>>
        tpu.enqueue_dma source(%arg16 : memref<128xf32, #tpu.memory_space<vmem>>) target(%dma_start3A_221 : memref<128xf32, #tpu.memory_space<vmem_shared>>) target_semaphore(%run_scoped3A : memref<!tpu.dma_semaphore, #tpu.memory_space<semaphore_mem>>)
        %dma_wait3A = tpu.memref_slice %arg19[%add3A_220] : memref<69632xf32, #tpu.memory_space<vmem_shared>> -> memref<128xf32, #tpu.memory_space<vmem_shared>>
        %dma_wait3A_222 = tpu.memref_slice %arg19[%add3A_220] : memref<69632xf32, #tpu.memory_space<vmem_shared>> -> memref<128xf32, #tpu.memory_space<vmem_shared>>
        tpu.wait_dma2 semaphore(%run_scoped3A : memref<!tpu.dma_semaphore, #tpu.memory_space<semaphore_mem>>) src(%arg16 : memref<128xf32, #tpu.memory_space<vmem>>) dst(%dma_wait3A_222 : memref<128xf32, #tpu.memory_space<vmem_shared>>)
        tpu.yield
      }) : () -> ()
    }
    %scan3A_162 = arith.constant 34 : i32
    %barrier3A = arith.constant 0 : index
    tpu.barrier barrier_id(%barrier3A)
    %scan3A_163 = arith.constant 0 : i32
    %scan3A_164 = arith.constant 0 : i32
    %scan3A_165 = arith.constant 64 : i32
    %scan3A_166 = arith.addi %scan3A_164, %scan3A_165 : i32
    %scan3A_167 = arith.constant 1 : i32
    scf.for %scan3A_214 = %scan3A_164 to %scan3A_166 step %scan3A_167  : i32 {
      %mul3A_215 = arith.constant 256 : i32
      %mul3A_216 = arith.muli %scan3A_214, %mul3A_215 : i32
      %add3A_217 = arith.addi %mul3A_129, %mul3A_216 : i32
      "tpu.region"() ({
        %run_scoped3A = tpu.sem_alloc : memref<!tpu.dma_semaphore, #tpu.memory_space<semaphore_mem>>
        %dma_start3A = tpu.memref_slice %arg2[%add3A_217] : memref<262144xi32, #tpu.memory_space<hbm>> -> memref<256xi32, #tpu.memory_space<hbm>>
        %dma_start3A_224 = tpu.memref_slice %arg2[%add3A_217] : memref<262144xi32, #tpu.memory_space<hbm>> -> memref<256xi32, #tpu.memory_space<hbm>>
        tpu.enqueue_dma source(%dma_start3A_224 : memref<256xi32, #tpu.memory_space<hbm>>) target(%arg11 : memref<256xi32, #tpu.memory_space<vmem>>) target_semaphore(%run_scoped3A : memref<!tpu.dma_semaphore, #tpu.memory_space<semaphore_mem>>)
        %dma_wait3A = tpu.memref_slice %arg2[%add3A_217] : memref<262144xi32, #tpu.memory_space<hbm>> -> memref<256xi32, #tpu.memory_space<hbm>>
        %dma_wait3A_225 = tpu.memref_slice %arg2[%add3A_217] : memref<262144xi32, #tpu.memory_space<hbm>> -> memref<256xi32, #tpu.memory_space<hbm>>
        tpu.wait_dma2 semaphore(%run_scoped3A : memref<!tpu.dma_semaphore, #tpu.memory_space<semaphore_mem>>) src(%dma_wait3A_225 : memref<256xi32, #tpu.memory_space<hbm>>) dst(%arg11 : memref<256xi32, #tpu.memory_space<vmem>>)
        tpu.yield
      }) : () -> ()
      "tpu.region"() ({
        %run_scoped3A = tpu.sem_alloc : memref<!tpu.dma_semaphore, #tpu.memory_space<semaphore_mem>>
        %dma_start3A = tpu.memref_slice %arg3[%add3A_217] : memref<262144xi32, #tpu.memory_space<hbm>> -> memref<256xi32, #tpu.memory_space<hbm>>
        %dma_start3A_224 = tpu.memref_slice %arg3[%add3A_217] : memref<262144xi32, #tpu.memory_space<hbm>> -> memref<256xi32, #tpu.memory_space<hbm>>
        tpu.enqueue_dma source(%dma_start3A_224 : memref<256xi32, #tpu.memory_space<hbm>>) target(%arg12 : memref<256xi32, #tpu.memory_space<vmem>>) target_semaphore(%run_scoped3A : memref<!tpu.dma_semaphore, #tpu.memory_space<semaphore_mem>>)
        %dma_wait3A = tpu.memref_slice %arg3[%add3A_217] : memref<262144xi32, #tpu.memory_space<hbm>> -> memref<256xi32, #tpu.memory_space<hbm>>
        %dma_wait3A_225 = tpu.memref_slice %arg3[%add3A_217] : memref<262144xi32, #tpu.memory_space<hbm>> -> memref<256xi32, #tpu.memory_space<hbm>>
        tpu.wait_dma2 semaphore(%run_scoped3A : memref<!tpu.dma_semaphore, #tpu.memory_space<semaphore_mem>>) src(%dma_wait3A_225 : memref<256xi32, #tpu.memory_space<hbm>>) dst(%arg12 : memref<256xi32, #tpu.memory_space<vmem>>)
        tpu.yield
      }) : () -> ()
      "tpu.region"() ({
        %run_scoped3A = tpu.sem_alloc : memref<!tpu.dma_semaphore, #tpu.memory_space<semaphore_mem>>
        %dma_start3A = tpu.memref_slice %arg4[%add3A_217] : memref<262144xi32, #tpu.memory_space<hbm>> -> memref<256xi32, #tpu.memory_space<hbm>>
        %dma_start3A_224 = tpu.memref_slice %arg4[%add3A_217] : memref<262144xi32, #tpu.memory_space<hbm>> -> memref<256xi32, #tpu.memory_space<hbm>>
        tpu.enqueue_dma source(%dma_start3A_224 : memref<256xi32, #tpu.memory_space<hbm>>) target(%arg13 : memref<256xi32, #tpu.memory_space<vmem>>) target_semaphore(%run_scoped3A : memref<!tpu.dma_semaphore, #tpu.memory_space<semaphore_mem>>)
        %dma_wait3A = tpu.memref_slice %arg4[%add3A_217] : memref<262144xi32, #tpu.memory_space<hbm>> -> memref<256xi32, #tpu.memory_space<hbm>>
        %dma_wait3A_225 = tpu.memref_slice %arg4[%add3A_217] : memref<262144xi32, #tpu.memory_space<hbm>> -> memref<256xi32, #tpu.memory_space<hbm>>
        tpu.wait_dma2 semaphore(%run_scoped3A : memref<!tpu.dma_semaphore, #tpu.memory_space<semaphore_mem>>) src(%dma_wait3A_225 : memref<256xi32, #tpu.memory_space<hbm>>) dst(%arg13 : memref<256xi32, #tpu.memory_space<vmem>>)
        tpu.yield
      }) : () -> ()
      %scan3A_218 = arith.constant 0 : i32
      %scan3A_219 = arith.constant 0 : i32
      %scan3A_220 = arith.constant 8 : i32
      %scan3A_221 = arith.addi %scan3A_219, %scan3A_220 : i32
      %scan3A_222 = arith.constant 1 : i32
      scf.for %scan3A_224 = %scan3A_219 to %scan3A_221 step %scan3A_222  : i32 {
        %mul3A_225 = arith.constant 32 : i32
        %mul3A_226 = arith.muli %scan3A_224, %mul3A_225 : i32
        %add3A_227 = arith.addi %add3A_217, %mul3A_226 : i32
        %mul3A_228 = arith.constant 8 : i32
        %mul3A_229 = arith.muli %add3A_227, %mul3A_228 : i32
        %dma_start3A = arith.constant 0 : i32
        %dma_start3A_230 = tpu.memref_slice %arg5[%mul3A_229, %dma_start3A] : memref<2097152x10xf32, #tpu.memory_space<hbm>> -> memref<128x10xf32, #tpu.memory_space<hbm>>
        %dma_start3A_231 = arith.constant 0 : i32
        %dma_start3A_232 = tpu.memref_slice %arg5[%mul3A_229, %dma_start3A_231] : memref<2097152x10xf32, #tpu.memory_space<hbm>> -> memref<128x10xf32, #tpu.memory_space<hbm>>
        tpu.enqueue_dma source(%dma_start3A_232 : memref<128x10xf32, #tpu.memory_space<hbm>>) target(%arg9 : memref<128x10xf32, #tpu.memory_space<vmem>>) target_semaphore(%arg17 : memref<!tpu.dma_semaphore, #tpu.memory_space<semaphore_mem>>)
        %add3A_233 = arith.constant 128 : i32
        %add3A_234 = arith.addi %mul3A_229, %add3A_233 : i32
        %dma_start3A_235 = arith.constant 0 : i32
        %dma_start3A_236 = tpu.memref_slice %arg5[%add3A_234, %dma_start3A_235] : memref<2097152x10xf32, #tpu.memory_space<hbm>> -> memref<128x10xf32, #tpu.memory_space<hbm>>
        %dma_start3A_237 = arith.constant 0 : i32
        %dma_start3A_238 = tpu.memref_slice %arg5[%add3A_234, %dma_start3A_237] : memref<2097152x10xf32, #tpu.memory_space<hbm>> -> memref<128x10xf32, #tpu.memory_space<hbm>>
        tpu.enqueue_dma source(%dma_start3A_238 : memref<128x10xf32, #tpu.memory_space<hbm>>) target(%arg10 : memref<128x10xf32, #tpu.memory_space<vmem>>) target_semaphore(%arg17 : memref<!tpu.dma_semaphore, #tpu.memory_space<semaphore_mem>>)
        %get3A = arith.index_cast %mul3A_226 : i32 to index
        %get3A_239 = tpu.vector_load %arg11[%get3A] {strides = array<i32>} : memref<256xi32, #tpu.memory_space<vmem>>, vector<16xi32>,
        %get3A_240 = arith.index_cast %mul3A_226 : i32 to index
        %get3A_241 = tpu.vector_load %arg12[%get3A_240] {strides = array<i32>} : memref<256xi32, #tpu.memory_space<vmem>>, vector<16xi32>,
        %get3A_242 = arith.index_cast %mul3A_226 : i32 to index
        %get3A_243 = tpu.vector_load %arg13[%get3A_242] {strides = array<i32>} : memref<256xi32, #tpu.memory_space<vmem>>, vector<16xi32>,
        %mul3A_244 = arith.constant 4225 : i32
        %mul3A_245 = vector.broadcast %mul3A_244 : i32 to vector<16xi32>
        %mul3A_246 = arith.muli %get3A_239, %mul3A_245 : vector<16xi32>
        %mul3A_247 = arith.constant 65 : i32
        %mul3A_248 = vector.broadcast %mul3A_247 : i32 to vector<16xi32>
        %mul3A_249 = arith.muli %get3A_241, %mul3A_248 : vector<16xi32>
        %add3A_250 = arith.addi %mul3A_246, %mul3A_249 : vector<16xi32>
        %add3A_251 = arith.addi %add3A_250, %get3A_243 : vector<16xi32>
        %sub3A_252 = vector.broadcast %mul3A_148 : i32 to vector<16xi32>
        %sub3A_253 = arith.subi %add3A_251, %sub3A_252 : vector<16xi32>
        %broadcast_in_dim3A_254 = vector.shape_cast %select_n3A : vector<16xi32> to vector<16x1xi32>
        %gather3A = vector.shape_cast %broadcast_in_dim3A_254 : vector<16x1xi32> to vector<16xi32>
        %gather3A_255 = tpu.dynamic_gather %sub3A_253[%gather3A] in [0] : vector<16xi32>, vector<16xi32> -> vector<16xi32>
        %add3A_256 = arith.addi %gather3A_255, %add3A_96 : vector<16xi32>
        %bitcast3A = vector.bitcast %add3A_256 : vector<16xi32> to vector<16xi32>
        %lt3A_257 = vector.broadcast %min3A_151 : i32 to vector<16xi32>
        %lt3A_258 = arith.cmpi ult, %bitcast3A, %lt3A_257 : vector<16xi32>
        %mul3A_259 = arith.constant 8 : i32
        %mul3A_260 = arith.muli %scan3A_224, %mul3A_259 : i32
        %add3A_261 = arith.constant 0 : i32
        %add3A_262 = arith.addi %mul3A_260, %add3A_261 : i32
        %jit3A_263 = arith.constant 16 : i32
        %eq3A_264 = arith.constant 0 : i32
        %eq3A_265 = arith.cmpi eq, %jit3A_263, %eq3A_264 : i32
        %jit3A_266 = arith.constant 1 : i32
        %select_n3A_267 = arith.select %eq3A_265, %jit3A_266, %jit3A_263 : i32
        %rem3A_268 = arith.remsi %add3A_262, %select_n3A_267 : i32
        %ne3A_269 = arith.constant 0 : i32
        %ne3A_270 = arith.cmpi ne, %rem3A_268, %ne3A_269 : i32
        %lt3A_271 = arith.constant 0 : i32
        %lt3A_272 = arith.cmpi slt, %rem3A_268, %lt3A_271 : i32
        %lt3A_273 = arith.constant 0 : i32
        %lt3A_274 = arith.cmpi slt, %select_n3A_267, %lt3A_273 : i32
        %ne3A_275 = arith.xori %lt3A_272, %lt3A_274 : i1
        %and3A_276 = arith.andi %ne3A_275, %ne3A_270 : i1
        %add3A_277 = arith.addi %rem3A_268, %select_n3A_267 : i32
        %select_n3A_278 = arith.select %and3A_276, %add3A_277, %rem3A_268 : i32
        %mul3A_279 = arith.constant 16 : i32
        %mul3A_280 = arith.muli %select_n3A_278, %mul3A_279 : i32
        %add3A_281 = arith.constant 68736 : i32
        %add3A_282 = arith.addi %add3A_281, %mul3A_280 : i32
        %add3A_283 = vector.broadcast %add3A_282 : i32 to vector<16xi32>
        %add3A_284 = arith.addi %add3A_283, %iota3A : vector<16xi32>
        %select_n3A_285 = arith.select %lt3A_258, %add3A_256, %add3A_284 : vector<16xi1>, vector<16xi32>
        %swap3A_286 = arith.constant 0 : i32
        %swap3A_287 = arith.constant 0 : i32
        %swap3A_288 = tpu.memref_slice %arg14[%swap3A_286, %swap3A_287] : memref<2x128xi32, #tpu.memory_space<vmem>> -> memref<1x128xi32, #tpu.memory_space<vmem>>
        %swap3A_289 = tpu.memref_squeeze %swap3A_288 : memref<1x128xi32, #tpu.memory_space<vmem>> -> memref<128xi32, #tpu.memory_space<vmem>>
        %swap3A_290 = arith.constant 0 : index
        %swap3A_291 = tpu.vector_load %swap3A_289[%swap3A_290] {strides = array<i32>} : memref<128xi32, #tpu.memory_space<vmem>>, vector<16xi32>,
        tpu.vector_store %swap3A_289[%swap3A_290], %select_n3A_285 {strides = array<i32>} : memref<128xi32, #tpu.memory_space<vmem>>, vector<16xi32>,
        %broadcast_in_dim3A_292 = vector.shape_cast %select_n3A_13 : vector<16xi32> to vector<16x1xi32>
        %gather3A_293 = vector.shape_cast %broadcast_in_dim3A_292 : vector<16x1xi32> to vector<16xi32>
        %gather3A_294 = tpu.dynamic_gather %sub3A_253[%gather3A_293] in [0] : vector<16xi32>, vector<16xi32> -> vector<16xi32>
        %add3A_295 = arith.addi %gather3A_294, %add3A_96 : vector<16xi32>
        %bitcast3A_296 = vector.bitcast %add3A_295 : vector<16xi32> to vector<16xi32>
        %lt3A_297 = vector.broadcast %min3A_151 : i32 to vector<16xi32>
        %lt3A_298 = arith.cmpi ult, %bitcast3A_296, %lt3A_297 : vector<16xi32>
        %mul3A_299 = arith.constant 8 : i32
        %mul3A_300 = arith.muli %scan3A_224, %mul3A_299 : i32
        %add3A_301 = arith.constant 1 : i32
        %add3A_302 = arith.addi %mul3A_300, %add3A_301 : i32
        %jit3A_303 = arith.constant 16 : i32
        %eq3A_304 = arith.constant 0 : i32
        %eq3A_305 = arith.cmpi eq, %jit3A_303, %eq3A_304 : i32
        %jit3A_306 = arith.constant 1 : i32
        %select_n3A_307 = arith.select %eq3A_305, %jit3A_306, %jit3A_303 : i32
        %rem3A_308 = arith.remsi %add3A_302, %select_n3A_307 : i32
        %ne3A_309 = arith.constant 0 : i32
        %ne3A_310 = arith.cmpi ne, %rem3A_308, %ne3A_309 : i32
        %lt3A_311 = arith.constant 0 : i32
        %lt3A_312 = arith.cmpi slt, %rem3A_308, %lt3A_311 : i32
        %lt3A_313 = arith.constant 0 : i32
        %lt3A_314 = arith.cmpi slt, %select_n3A_307, %lt3A_313 : i32
        %ne3A_315 = arith.xori %lt3A_312, %lt3A_314 : i1
        %and3A_316 = arith.andi %ne3A_315, %ne3A_310 : i1
        %add3A_317 = arith.addi %rem3A_308, %select_n3A_307 : i32
        %select_n3A_318 = arith.select %and3A_316, %add3A_317, %rem3A_308 : i32
        %mul3A_319 = arith.constant 16 : i32
        %mul3A_320 = arith.muli %select_n3A_318, %mul3A_319 : i32
        %add3A_321 = arith.constant 68736 : i32
        %add3A_322 = arith.addi %add3A_321, %mul3A_320 : i32
        %add3A_323 = vector.broadcast %add3A_322 : i32 to vector<16xi32>
        %add3A_324 = arith.addi %add3A_323, %iota3A : vector<16xi32>
        %select_n3A_325 = arith.select %lt3A_298, %add3A_295, %add3A_324 : vector<16xi1>, vector<16xi32>
        %swap3A_326 = arith.constant 0 : i32
        %swap3A_327 = arith.constant 0 : i32
        %swap3A_328 = tpu.memref_slice %arg14[%swap3A_326, %swap3A_327] : memref<2x128xi32, #tpu.memory_space<vmem>> -> memref<1x128xi32, #tpu.memory_space<vmem>>
        %swap3A_329 = tpu.memref_squeeze %swap3A_328 : memref<1x128xi32, #tpu.memory_space<vmem>> -> memref<128xi32, #tpu.memory_space<vmem>>
        %swap3A_330 = arith.constant 16 : index
        %swap3A_331 = tpu.vector_load %swap3A_329[%swap3A_330] {strides = array<i32>} : memref<128xi32, #tpu.memory_space<vmem>>, vector<16xi32>,
        tpu.vector_store %swap3A_329[%swap3A_330], %select_n3A_325 {strides = array<i32>} : memref<128xi32, #tpu.memory_space<vmem>>, vector<16xi32>,
        %broadcast_in_dim3A_332 = vector.shape_cast %select_n3A_21 : vector<16xi32> to vector<16x1xi32>
        %gather3A_333 = vector.shape_cast %broadcast_in_dim3A_332 : vector<16x1xi32> to vector<16xi32>
        %gather3A_334 = tpu.dynamic_gather %sub3A_253[%gather3A_333] in [0] : vector<16xi32>, vector<16xi32> -> vector<16xi32>
        %add3A_335 = arith.addi %gather3A_334, %add3A_96 : vector<16xi32>
        %bitcast3A_336 = vector.bitcast %add3A_335 : vector<16xi32> to vector<16xi32>
        %lt3A_337 = vector.broadcast %min3A_151 : i32 to vector<16xi32>
        %lt3A_338 = arith.cmpi ult, %bitcast3A_336, %lt3A_337 : vector<16xi32>
        %mul3A_339 = arith.constant 8 : i32
        %mul3A_340 = arith.muli %scan3A_224, %mul3A_339 : i32
        %add3A_341 = arith.constant 2 : i32
        %add3A_342 = arith.addi %mul3A_340, %add3A_341 : i32
        %jit3A_343 = arith.constant 16 : i32
        %eq3A_344 = arith.constant 0 : i32
        %eq3A_345 = arith.cmpi eq, %jit3A_343, %eq3A_344 : i32
        %jit3A_346 = arith.constant 1 : i32
        %select_n3A_347 = arith.select %eq3A_345, %jit3A_346, %jit3A_343 : i32
        %rem3A_348 = arith.remsi %add3A_342, %select_n3A_347 : i32
        %ne3A_349 = arith.constant 0 : i32
        %ne3A_350 = arith.cmpi ne, %rem3A_348, %ne3A_349 : i32
        %lt3A_351 = arith.constant 0 : i32
        %lt3A_352 = arith.cmpi slt, %rem3A_348, %lt3A_351 : i32
        %lt3A_353 = arith.constant 0 : i32
        %lt3A_354 = arith.cmpi slt, %select_n3A_347, %lt3A_353 : i32
        %ne3A_355 = arith.xori %lt3A_352, %lt3A_354 : i1
        %and3A_356 = arith.andi %ne3A_355, %ne3A_350 : i1
        %add3A_357 = arith.addi %rem3A_348, %select_n3A_347 : i32
        %select_n3A_358 = arith.select %and3A_356, %add3A_357, %rem3A_348 : i32
        %mul3A_359 = arith.constant 16 : i32
        %mul3A_360 = arith.muli %select_n3A_358, %mul3A_359 : i32
        %add3A_361 = arith.constant 68736 : i32
        %add3A_362 = arith.addi %add3A_361, %mul3A_360 : i32
        %add3A_363 = vector.broadcast %add3A_362 : i32 to vector<16xi32>
        %add3A_364 = arith.addi %add3A_363, %iota3A : vector<16xi32>
        %select_n3A_365 = arith.select %lt3A_338, %add3A_335, %add3A_364 : vector<16xi1>, vector<16xi32>
        %swap3A_366 = arith.constant 0 : i32
        %swap3A_367 = arith.constant 0 : i32
        %swap3A_368 = tpu.memref_slice %arg14[%swap3A_366, %swap3A_367] : memref<2x128xi32, #tpu.memory_space<vmem>> -> memref<1x128xi32, #tpu.memory_space<vmem>>
        %swap3A_369 = tpu.memref_squeeze %swap3A_368 : memref<1x128xi32, #tpu.memory_space<vmem>> -> memref<128xi32, #tpu.memory_space<vmem>>
        %swap3A_370 = arith.constant 32 : index
        %swap3A_371 = tpu.vector_load %swap3A_369[%swap3A_370] {strides = array<i32>} : memref<128xi32, #tpu.memory_space<vmem>>, vector<16xi32>,
        tpu.vector_store %swap3A_369[%swap3A_370], %select_n3A_365 {strides = array<i32>} : memref<128xi32, #tpu.memory_space<vmem>>, vector<16xi32>,
        %broadcast_in_dim3A_372 = vector.shape_cast %select_n3A_29 : vector<16xi32> to vector<16x1xi32>
        %gather3A_373 = vector.shape_cast %broadcast_in_dim3A_372 : vector<16x1xi32> to vector<16xi32>
        %gather3A_374 = tpu.dynamic_gather %sub3A_253[%gather3A_373] in [0] : vector<16xi32>, vector<16xi32> -> vector<16xi32>
        %add3A_375 = arith.addi %gather3A_374, %add3A_96 : vector<16xi32>
        %bitcast3A_376 = vector.bitcast %add3A_375 : vector<16xi32> to vector<16xi32>
        %lt3A_377 = vector.broadcast %min3A_151 : i32 to vector<16xi32>
        %lt3A_378 = arith.cmpi ult, %bitcast3A_376, %lt3A_377 : vector<16xi32>
        %mul3A_379 = arith.constant 8 : i32
        %mul3A_380 = arith.muli %scan3A_224, %mul3A_379 : i32
        %add3A_381 = arith.constant 3 : i32
        %add3A_382 = arith.addi %mul3A_380, %add3A_381 : i32
        %jit3A_383 = arith.constant 16 : i32
        %eq3A_384 = arith.constant 0 : i32
        %eq3A_385 = arith.cmpi eq, %jit3A_383, %eq3A_384 : i32
        %jit3A_386 = arith.constant 1 : i32
        %select_n3A_387 = arith.select %eq3A_385, %jit3A_386, %jit3A_383 : i32
        %rem3A_388 = arith.remsi %add3A_382, %select_n3A_387 : i32
        %ne3A_389 = arith.constant 0 : i32
        %ne3A_390 = arith.cmpi ne, %rem3A_388, %ne3A_389 : i32
        %lt3A_391 = arith.constant 0 : i32
        %lt3A_392 = arith.cmpi slt, %rem3A_388, %lt3A_391 : i32
        %lt3A_393 = arith.constant 0 : i32
        %lt3A_394 = arith.cmpi slt, %select_n3A_387, %lt3A_393 : i32
        %ne3A_395 = arith.xori %lt3A_392, %lt3A_394 : i1
        %and3A_396 = arith.andi %ne3A_395, %ne3A_390 : i1
        %add3A_397 = arith.addi %rem3A_388, %select_n3A_387 : i32
        %select_n3A_398 = arith.select %and3A_396, %add3A_397, %rem3A_388 : i32
        %mul3A_399 = arith.constant 16 : i32
        %mul3A_400 = arith.muli %select_n3A_398, %mul3A_399 : i32
        %add3A_401 = arith.constant 68736 : i32
        %add3A_402 = arith.addi %add3A_401, %mul3A_400 : i32
        %add3A_403 = vector.broadcast %add3A_402 : i32 to vector<16xi32>
        %add3A_404 = arith.addi %add3A_403, %iota3A : vector<16xi32>
        %select_n3A_405 = arith.select %lt3A_378, %add3A_375, %add3A_404 : vector<16xi1>, vector<16xi32>
        %swap3A_406 = arith.constant 0 : i32
        %swap3A_407 = arith.constant 0 : i32
        %swap3A_408 = tpu.memref_slice %arg14[%swap3A_406, %swap3A_407] : memref<2x128xi32, #tpu.memory_space<vmem>> -> memref<1x128xi32, #tpu.memory_space<vmem>>
        %swap3A_409 = tpu.memref_squeeze %swap3A_408 : memref<1x128xi32, #tpu.memory_space<vmem>> -> memref<128xi32, #tpu.memory_space<vmem>>
        %swap3A_410 = arith.constant 48 : index
        %swap3A_411 = tpu.vector_load %swap3A_409[%swap3A_410] {strides = array<i32>} : memref<128xi32, #tpu.memory_space<vmem>>, vector<16xi32>,
        tpu.vector_store %swap3A_409[%swap3A_410], %select_n3A_405 {strides = array<i32>} : memref<128xi32, #tpu.memory_space<vmem>>, vector<16xi32>,
        %broadcast_in_dim3A_412 = vector.shape_cast %select_n3A_37 : vector<16xi32> to vector<16x1xi32>
        %gather3A_413 = vector.shape_cast %broadcast_in_dim3A_412 : vector<16x1xi32> to vector<16xi32>
        %gather3A_414 = tpu.dynamic_gather %sub3A_253[%gather3A_413] in [0] : vector<16xi32>, vector<16xi32> -> vector<16xi32>
        %add3A_415 = arith.addi %gather3A_414, %add3A_96 : vector<16xi32>
        %bitcast3A_416 = vector.bitcast %add3A_415 : vector<16xi32> to vector<16xi32>
        %lt3A_417 = vector.broadcast %min3A_151 : i32 to vector<16xi32>
        %lt3A_418 = arith.cmpi ult, %bitcast3A_416, %lt3A_417 : vector<16xi32>
        %mul3A_419 = arith.constant 8 : i32
        %mul3A_420 = arith.muli %scan3A_224, %mul3A_419 : i32
        %add3A_421 = arith.constant 4 : i32
        %add3A_422 = arith.addi %mul3A_420, %add3A_421 : i32
        %jit3A_423 = arith.constant 16 : i32
        %eq3A_424 = arith.constant 0 : i32
        %eq3A_425 = arith.cmpi eq, %jit3A_423, %eq3A_424 : i32
        %jit3A_426 = arith.constant 1 : i32
        %select_n3A_427 = arith.select %eq3A_425, %jit3A_426, %jit3A_423 : i32
        %rem3A_428 = arith.remsi %add3A_422, %select_n3A_427 : i32
        %ne3A_429 = arith.constant 0 : i32
        %ne3A_430 = arith.cmpi ne, %rem3A_428, %ne3A_429 : i32
        %lt3A_431 = arith.constant 0 : i32
        %lt3A_432 = arith.cmpi slt, %rem3A_428, %lt3A_431 : i32
        %lt3A_433 = arith.constant 0 : i32
        %lt3A_434 = arith.cmpi slt, %select_n3A_427, %lt3A_433 : i32
        %ne3A_435 = arith.xori %lt3A_432, %lt3A_434 : i1
        %and3A_436 = arith.andi %ne3A_435, %ne3A_430 : i1
        %add3A_437 = arith.addi %rem3A_428, %select_n3A_427 : i32
        %select_n3A_438 = arith.select %and3A_436, %add3A_437, %rem3A_428 : i32
        %mul3A_439 = arith.constant 16 : i32
        %mul3A_440 = arith.muli %select_n3A_438, %mul3A_439 : i32
        %add3A_441 = arith.constant 68736 : i32
        %add3A_442 = arith.addi %add3A_441, %mul3A_440 : i32
        %add3A_443 = vector.broadcast %add3A_442 : i32 to vector<16xi32>
        %add3A_444 = arith.addi %add3A_443, %iota3A : vector<16xi32>
        %select_n3A_445 = arith.select %lt3A_418, %add3A_415, %add3A_444 : vector<16xi1>, vector<16xi32>
        %swap3A_446 = arith.constant 0 : i32
        %swap3A_447 = arith.constant 0 : i32
        %swap3A_448 = tpu.memref_slice %arg14[%swap3A_446, %swap3A_447] : memref<2x128xi32, #tpu.memory_space<vmem>> -> memref<1x128xi32, #tpu.memory_space<vmem>>
        %swap3A_449 = tpu.memref_squeeze %swap3A_448 : memref<1x128xi32, #tpu.memory_space<vmem>> -> memref<128xi32, #tpu.memory_space<vmem>>
        %swap3A_450 = arith.constant 64 : index
        %swap3A_451 = tpu.vector_load %swap3A_449[%swap3A_450] {strides = array<i32>} : memref<128xi32, #tpu.memory_space<vmem>>, vector<16xi32>,
        tpu.vector_store %swap3A_449[%swap3A_450], %select_n3A_445 {strides = array<i32>} : memref<128xi32, #tpu.memory_space<vmem>>, vector<16xi32>,
        %broadcast_in_dim3A_452 = vector.shape_cast %select_n3A_45 : vector<16xi32> to vector<16x1xi32>
        %gather3A_453 = vector.shape_cast %broadcast_in_dim3A_452 : vector<16x1xi32> to vector<16xi32>
        %gather3A_454 = tpu.dynamic_gather %sub3A_253[%gather3A_453] in [0] : vector<16xi32>, vector<16xi32> -> vector<16xi32>
        %add3A_455 = arith.addi %gather3A_454, %add3A_96 : vector<16xi32>
        %bitcast3A_456 = vector.bitcast %add3A_455 : vector<16xi32> to vector<16xi32>
        %lt3A_457 = vector.broadcast %min3A_151 : i32 to vector<16xi32>
        %lt3A_458 = arith.cmpi ult, %bitcast3A_456, %lt3A_457 : vector<16xi32>
        %mul3A_459 = arith.constant 8 : i32
        %mul3A_460 = arith.muli %scan3A_224, %mul3A_459 : i32
        %add3A_461 = arith.constant 5 : i32
        %add3A_462 = arith.addi %mul3A_460, %add3A_461 : i32
        %jit3A_463 = arith.constant 16 : i32
        %eq3A_464 = arith.constant 0 : i32
        %eq3A_465 = arith.cmpi eq, %jit3A_463, %eq3A_464 : i32
        %jit3A_466 = arith.constant 1 : i32
        %select_n3A_467 = arith.select %eq3A_465, %jit3A_466, %jit3A_463 : i32
        %rem3A_468 = arith.remsi %add3A_462, %select_n3A_467 : i32
        %ne3A_469 = arith.constant 0 : i32
        %ne3A_470 = arith.cmpi ne, %rem3A_468, %ne3A_469 : i32
        %lt3A_471 = arith.constant 0 : i32
        %lt3A_472 = arith.cmpi slt, %rem3A_468, %lt3A_471 : i32
        %lt3A_473 = arith.constant 0 : i32
        %lt3A_474 = arith.cmpi slt, %select_n3A_467, %lt3A_473 : i32
        %ne3A_475 = arith.xori %lt3A_472, %lt3A_474 : i1
        %and3A_476 = arith.andi %ne3A_475, %ne3A_470 : i1
        %add3A_477 = arith.addi %rem3A_468, %select_n3A_467 : i32
        %select_n3A_478 = arith.select %and3A_476, %add3A_477, %rem3A_468 : i32
        %mul3A_479 = arith.constant 16 : i32
        %mul3A_480 = arith.muli %select_n3A_478, %mul3A_479 : i32
        %add3A_481 = arith.constant 68736 : i32
        %add3A_482 = arith.addi %add3A_481, %mul3A_480 : i32
        %add3A_483 = vector.broadcast %add3A_482 : i32 to vector<16xi32>
        %add3A_484 = arith.addi %add3A_483, %iota3A : vector<16xi32>
        %select_n3A_485 = arith.select %lt3A_458, %add3A_455, %add3A_484 : vector<16xi1>, vector<16xi32>
        %swap3A_486 = arith.constant 0 : i32
        %swap3A_487 = arith.constant 0 : i32
        %swap3A_488 = tpu.memref_slice %arg14[%swap3A_486, %swap3A_487] : memref<2x128xi32, #tpu.memory_space<vmem>> -> memref<1x128xi32, #tpu.memory_space<vmem>>
        %swap3A_489 = tpu.memref_squeeze %swap3A_488 : memref<1x128xi32, #tpu.memory_space<vmem>> -> memref<128xi32, #tpu.memory_space<vmem>>
        %swap3A_490 = arith.constant 80 : index
        %swap3A_491 = tpu.vector_load %swap3A_489[%swap3A_490] {strides = array<i32>} : memref<128xi32, #tpu.memory_space<vmem>>, vector<16xi32>,
        tpu.vector_store %swap3A_489[%swap3A_490], %select_n3A_485 {strides = array<i32>} : memref<128xi32, #tpu.memory_space<vmem>>, vector<16xi32>,
        %broadcast_in_dim3A_492 = vector.shape_cast %select_n3A_53 : vector<16xi32> to vector<16x1xi32>
        %gather3A_493 = vector.shape_cast %broadcast_in_dim3A_492 : vector<16x1xi32> to vector<16xi32>
        %gather3A_494 = tpu.dynamic_gather %sub3A_253[%gather3A_493] in [0] : vector<16xi32>, vector<16xi32> -> vector<16xi32>
        %add3A_495 = arith.addi %gather3A_494, %add3A_96 : vector<16xi32>
        %bitcast3A_496 = vector.bitcast %add3A_495 : vector<16xi32> to vector<16xi32>
        %lt3A_497 = vector.broadcast %min3A_151 : i32 to vector<16xi32>
        %lt3A_498 = arith.cmpi ult, %bitcast3A_496, %lt3A_497 : vector<16xi32>
        %mul3A_499 = arith.constant 8 : i32
        %mul3A_500 = arith.muli %scan3A_224, %mul3A_499 : i32
        %add3A_501 = arith.constant 6 : i32
        %add3A_502 = arith.addi %mul3A_500, %add3A_501 : i32
        %jit3A_503 = arith.constant 16 : i32
        %eq3A_504 = arith.constant 0 : i32
        %eq3A_505 = arith.cmpi eq, %jit3A_503, %eq3A_504 : i32
        %jit3A_506 = arith.constant 1 : i32
        %select_n3A_507 = arith.select %eq3A_505, %jit3A_506, %jit3A_503 : i32
        %rem3A_508 = arith.remsi %add3A_502, %select_n3A_507 : i32
        %ne3A_509 = arith.constant 0 : i32
        %ne3A_510 = arith.cmpi ne, %rem3A_508, %ne3A_509 : i32
        %lt3A_511 = arith.constant 0 : i32
        %lt3A_512 = arith.cmpi slt, %rem3A_508, %lt3A_511 : i32
        %lt3A_513 = arith.constant 0 : i32
        %lt3A_514 = arith.cmpi slt, %select_n3A_507, %lt3A_513 : i32
        %ne3A_515 = arith.xori %lt3A_512, %lt3A_514 : i1
        %and3A_516 = arith.andi %ne3A_515, %ne3A_510 : i1
        %add3A_517 = arith.addi %rem3A_508, %select_n3A_507 : i32
        %select_n3A_518 = arith.select %and3A_516, %add3A_517, %rem3A_508 : i32
        %mul3A_519 = arith.constant 16 : i32
        %mul3A_520 = arith.muli %select_n3A_518, %mul3A_519 : i32
        %add3A_521 = arith.constant 68736 : i32
        %add3A_522 = arith.addi %add3A_521, %mul3A_520 : i32
        %add3A_523 = vector.broadcast %add3A_522 : i32 to vector<16xi32>
        %add3A_524 = arith.addi %add3A_523, %iota3A : vector<16xi32>
        %select_n3A_525 = arith.select %lt3A_498, %add3A_495, %add3A_524 : vector<16xi1>, vector<16xi32>
        %swap3A_526 = arith.constant 0 : i32
        %swap3A_527 = arith.constant 0 : i32
        %swap3A_528 = tpu.memref_slice %arg14[%swap3A_526, %swap3A_527] : memref<2x128xi32, #tpu.memory_space<vmem>> -> memref<1x128xi32, #tpu.memory_space<vmem>>
        %swap3A_529 = tpu.memref_squeeze %swap3A_528 : memref<1x128xi32, #tpu.memory_space<vmem>> -> memref<128xi32, #tpu.memory_space<vmem>>
        %swap3A_530 = arith.constant 96 : index
        %swap3A_531 = tpu.vector_load %swap3A_529[%swap3A_530] {strides = array<i32>} : memref<128xi32, #tpu.memory_space<vmem>>, vector<16xi32>,
        tpu.vector_store %swap3A_529[%swap3A_530], %select_n3A_525 {strides = array<i32>} : memref<128xi32, #tpu.memory_space<vmem>>, vector<16xi32>,
        %broadcast_in_dim3A_532 = vector.shape_cast %select_n3A_61 : vector<16xi32> to vector<16x1xi32>
        %gather3A_533 = vector.shape_cast %broadcast_in_dim3A_532 : vector<16x1xi32> to vector<16xi32>
        %gather3A_534 = tpu.dynamic_gather %sub3A_253[%gather3A_533] in [0] : vector<16xi32>, vector<16xi32> -> vector<16xi32>
        %add3A_535 = arith.addi %gather3A_534, %add3A_96 : vector<16xi32>
        %bitcast3A_536 = vector.bitcast %add3A_535 : vector<16xi32> to vector<16xi32>
        %lt3A_537 = vector.broadcast %min3A_151 : i32 to vector<16xi32>
        %lt3A_538 = arith.cmpi ult, %bitcast3A_536, %lt3A_537 : vector<16xi32>
        %mul3A_539 = arith.constant 8 : i32
        %mul3A_540 = arith.muli %scan3A_224, %mul3A_539 : i32
        %add3A_541 = arith.constant 7 : i32
        %add3A_542 = arith.addi %mul3A_540, %add3A_541 : i32
        %jit3A_543 = arith.constant 16 : i32
        %eq3A_544 = arith.constant 0 : i32
        %eq3A_545 = arith.cmpi eq, %jit3A_543, %eq3A_544 : i32
        %jit3A_546 = arith.constant 1 : i32
        %select_n3A_547 = arith.select %eq3A_545, %jit3A_546, %jit3A_543 : i32
        %rem3A_548 = arith.remsi %add3A_542, %select_n3A_547 : i32
        %ne3A_549 = arith.constant 0 : i32
        %ne3A_550 = arith.cmpi ne, %rem3A_548, %ne3A_549 : i32
        %lt3A_551 = arith.constant 0 : i32
        %lt3A_552 = arith.cmpi slt, %rem3A_548, %lt3A_551 : i32
        %lt3A_553 = arith.constant 0 : i32
        %lt3A_554 = arith.cmpi slt, %select_n3A_547, %lt3A_553 : i32
        %ne3A_555 = arith.xori %lt3A_552, %lt3A_554 : i1
        %and3A_556 = arith.andi %ne3A_555, %ne3A_550 : i1
        %add3A_557 = arith.addi %rem3A_548, %select_n3A_547 : i32
        %select_n3A_558 = arith.select %and3A_556, %add3A_557, %rem3A_548 : i32
        %mul3A_559 = arith.constant 16 : i32
        %mul3A_560 = arith.muli %select_n3A_558, %mul3A_559 : i32
        %add3A_561 = arith.constant 68736 : i32
        %add3A_562 = arith.addi %add3A_561, %mul3A_560 : i32
        %add3A_563 = vector.broadcast %add3A_562 : i32 to vector<16xi32>
        %add3A_564 = arith.addi %add3A_563, %iota3A : vector<16xi32>
        %select_n3A_565 = arith.select %lt3A_538, %add3A_535, %add3A_564 : vector<16xi1>, vector<16xi32>
        %swap3A_566 = arith.constant 0 : i32
        %swap3A_567 = arith.constant 0 : i32
        %swap3A_568 = tpu.memref_slice %arg14[%swap3A_566, %swap3A_567] : memref<2x128xi32, #tpu.memory_space<vmem>> -> memref<1x128xi32, #tpu.memory_space<vmem>>
        %swap3A_569 = tpu.memref_squeeze %swap3A_568 : memref<1x128xi32, #tpu.memory_space<vmem>> -> memref<128xi32, #tpu.memory_space<vmem>>
        %swap3A_570 = arith.constant 112 : index
        %swap3A_571 = tpu.vector_load %swap3A_569[%swap3A_570] {strides = array<i32>} : memref<128xi32, #tpu.memory_space<vmem>>, vector<16xi32>,
        tpu.vector_store %swap3A_569[%swap3A_570], %select_n3A_565 {strides = array<i32>} : memref<128xi32, #tpu.memory_space<vmem>>, vector<16xi32>,
        %dma_wait3A = arith.constant 0 : i32
        %dma_wait3A_572 = tpu.memref_slice %arg5[%mul3A_229, %dma_wait3A] : memref<2097152x10xf32, #tpu.memory_space<hbm>> -> memref<128x10xf32, #tpu.memory_space<hbm>>
        %dma_wait3A_573 = arith.constant 0 : i32
        %dma_wait3A_574 = tpu.memref_slice %arg5[%mul3A_229, %dma_wait3A_573] : memref<2097152x10xf32, #tpu.memory_space<hbm>> -> memref<128x10xf32, #tpu.memory_space<hbm>>
        tpu.wait_dma2 semaphore(%arg17 : memref<!tpu.dma_semaphore, #tpu.memory_space<semaphore_mem>>) src(%dma_wait3A_574 : memref<128x10xf32, #tpu.memory_space<hbm>>) dst(%arg9 : memref<128x10xf32, #tpu.memory_space<vmem>>)
        %dma_start3A_575 = arith.constant 0 : i32
        %dma_start3A_576 = arith.constant 0 : i32
        %dma_start3A_577 = tpu.memref_slice %arg14[%dma_start3A_575, %dma_start3A_576] : memref<2x128xi32, #tpu.memory_space<vmem>> -> memref<1x128xi32, #tpu.memory_space<vmem>>
        %dma_start3A_578 = tpu.memref_squeeze %dma_start3A_577 : memref<1x128xi32, #tpu.memory_space<vmem>> -> memref<128xi32, #tpu.memory_space<vmem>>
        %dma_start3A_579 = arith.constant 0 : i32
        %dma_start3A_580 = arith.constant 0 : i32
        %dma_start3A_581 = tpu.memref_slice %arg18[%dma_start3A_579, %dma_start3A_580] : memref<69632x10xf32, #tpu.memory_space<vmem_shared>> -> memref<69632x10xf32, #tpu.memory_space<vmem_shared>>
        tpu.enqueue_indirect_dma source(%arg9 : memref<128x10xf32, #tpu.memory_space<vmem>>) target(%dma_start3A_581 : memref<69632x10xf32, #tpu.memory_space<vmem_shared>>) offsets(%dma_start3A_578 : memref<128xi32, #tpu.memory_space<vmem>>) semaphore(%arg17 : memref<!tpu.dma_semaphore, #tpu.memory_space<semaphore_mem>>) {add = true}
        %dma_start3A_582 = arith.constant 0 : i32
        %dma_start3A_583 = arith.constant 0 : i32
        %dma_start3A_584 = tpu.memref_slice %arg14[%dma_start3A_582, %dma_start3A_583] : memref<2x128xi32, #tpu.memory_space<vmem>> -> memref<1x128xi32, #tpu.memory_space<vmem>>
        %dma_start3A_585 = tpu.memref_squeeze %dma_start3A_584 : memref<1x128xi32, #tpu.memory_space<vmem>> -> memref<128xi32, #tpu.memory_space<vmem>>
        %dma_start3A_586 = arith.constant 0 : i32
        %dma_start3A_587 = tpu.memref_slice %arg19[%dma_start3A_586] : memref<69632xf32, #tpu.memory_space<vmem_shared>> -> memref<69632xf32, #tpu.memory_space<vmem_shared>>
        tpu.enqueue_indirect_dma source(%arg15 : memref<128xf32, #tpu.memory_space<vmem>>) target(%dma_start3A_587 : memref<69632xf32, #tpu.memory_space<vmem_shared>>) offsets(%dma_start3A_585 : memref<128xi32, #tpu.memory_space<vmem>>) semaphore(%arg17 : memref<!tpu.dma_semaphore, #tpu.memory_space<semaphore_mem>>) {add = true}
        %add3A_588 = arith.constant 16 : i32
        %add3A_589 = arith.addi %mul3A_226, %add3A_588 : i32
        %add3A_590 = arith.constant 1 : i32
        %add3A_591 = arith.addi %scan3A_224, %add3A_590 : i32
        %get3A_592 = arith.index_cast %add3A_589 : i32 to index
        %get3A_593 = tpu.vector_load %arg11[%get3A_592] {strides = array<i32>} : memref<256xi32, #tpu.memory_space<vmem>>, vector<16xi32>,
        %get3A_594 = arith.index_cast %add3A_589 : i32 to index
        %get3A_595 = tpu.vector_load %arg12[%get3A_594] {strides = array<i32>} : memref<256xi32, #tpu.memory_space<vmem>>, vector<16xi32>,
        %get3A_596 = arith.index_cast %add3A_589 : i32 to index
        %get3A_597 = tpu.vector_load %arg13[%get3A_596] {strides = array<i32>} : memref<256xi32, #tpu.memory_space<vmem>>, vector<16xi32>,
        %mul3A_598 = arith.constant 4225 : i32
        %mul3A_599 = vector.broadcast %mul3A_598 : i32 to vector<16xi32>
        %mul3A_600 = arith.muli %get3A_593, %mul3A_599 : vector<16xi32>
        %mul3A_601 = arith.constant 65 : i32
        %mul3A_602 = vector.broadcast %mul3A_601 : i32 to vector<16xi32>
        %mul3A_603 = arith.muli %get3A_595, %mul3A_602 : vector<16xi32>
        %add3A_604 = arith.addi %mul3A_600, %mul3A_603 : vector<16xi32>
        %add3A_605 = arith.addi %add3A_604, %get3A_597 : vector<16xi32>
        %sub3A_606 = vector.broadcast %mul3A_148 : i32 to vector<16xi32>
        %sub3A_607 = arith.subi %add3A_605, %sub3A_606 : vector<16xi32>
        %broadcast_in_dim3A_608 = vector.shape_cast %select_n3A : vector<16xi32> to vector<16x1xi32>
        %gather3A_609 = vector.shape_cast %broadcast_in_dim3A_608 : vector<16x1xi32> to vector<16xi32>
        %gather3A_610 = tpu.dynamic_gather %sub3A_607[%gather3A_609] in [0] : vector<16xi32>, vector<16xi32> -> vector<16xi32>
        %add3A_611 = arith.addi %gather3A_610, %add3A_96 : vector<16xi32>
        %bitcast3A_612 = vector.bitcast %add3A_611 : vector<16xi32> to vector<16xi32>
        %lt3A_613 = vector.broadcast %min3A_151 : i32 to vector<16xi32>
        %lt3A_614 = arith.cmpi ult, %bitcast3A_612, %lt3A_613 : vector<16xi32>
        %mul3A_615 = arith.constant 8 : i32
        %mul3A_616 = arith.muli %add3A_591, %mul3A_615 : i32
        %add3A_617 = arith.constant 0 : i32
        %add3A_618 = arith.addi %mul3A_616, %add3A_617 : i32
        %jit3A_619 = arith.constant 16 : i32
        %eq3A_620 = arith.constant 0 : i32
        %eq3A_621 = arith.cmpi eq, %jit3A_619, %eq3A_620 : i32
        %jit3A_622 = arith.constant 1 : i32
        %select_n3A_623 = arith.select %eq3A_621, %jit3A_622, %jit3A_619 : i32
        %rem3A_624 = arith.remsi %add3A_618, %select_n3A_623 : i32
        %ne3A_625 = arith.constant 0 : i32
        %ne3A_626 = arith.cmpi ne, %rem3A_624, %ne3A_625 : i32
        %lt3A_627 = arith.constant 0 : i32
        %lt3A_628 = arith.cmpi slt, %rem3A_624, %lt3A_627 : i32
        %lt3A_629 = arith.constant 0 : i32
        %lt3A_630 = arith.cmpi slt, %select_n3A_623, %lt3A_629 : i32
        %ne3A_631 = arith.xori %lt3A_628, %lt3A_630 : i1
        %and3A_632 = arith.andi %ne3A_631, %ne3A_626 : i1
        %add3A_633 = arith.addi %rem3A_624, %select_n3A_623 : i32
        %select_n3A_634 = arith.select %and3A_632, %add3A_633, %rem3A_624 : i32
        %mul3A_635 = arith.constant 16 : i32
        %mul3A_636 = arith.muli %select_n3A_634, %mul3A_635 : i32
        %add3A_637 = arith.constant 68736 : i32
        %add3A_638 = arith.addi %add3A_637, %mul3A_636 : i32
        %add3A_639 = vector.broadcast %add3A_638 : i32 to vector<16xi32>
        %add3A_640 = arith.addi %add3A_639, %iota3A : vector<16xi32>
        %select_n3A_641 = arith.select %lt3A_614, %add3A_611, %add3A_640 : vector<16xi1>, vector<16xi32>
        %swap3A_642 = arith.constant 1 : i32
        %swap3A_643 = arith.constant 0 : i32
        %swap3A_644 = tpu.memref_slice %arg14[%swap3A_642, %swap3A_643] : memref<2x128xi32, #tpu.memory_space<vmem>> -> memref<1x128xi32, #tpu.memory_space<vmem>>
        %swap3A_645 = tpu.memref_squeeze %swap3A_644 : memref<1x128xi32, #tpu.memory_space<vmem>> -> memref<128xi32, #tpu.memory_space<vmem>>
        %swap3A_646 = arith.constant 0 : index
        %swap3A_647 = tpu.vector_load %swap3A_645[%swap3A_646] {strides = array<i32>} : memref<128xi32, #tpu.memory_space<vmem>>, vector<16xi32>,
        tpu.vector_store %swap3A_645[%swap3A_646], %select_n3A_641 {strides = array<i32>} : memref<128xi32, #tpu.memory_space<vmem>>, vector<16xi32>,
        %broadcast_in_dim3A_648 = vector.shape_cast %select_n3A_13 : vector<16xi32> to vector<16x1xi32>
        %gather3A_649 = vector.shape_cast %broadcast_in_dim3A_648 : vector<16x1xi32> to vector<16xi32>
        %gather3A_650 = tpu.dynamic_gather %sub3A_607[%gather3A_649] in [0] : vector<16xi32>, vector<16xi32> -> vector<16xi32>
        %add3A_651 = arith.addi %gather3A_650, %add3A_96 : vector<16xi32>
        %bitcast3A_652 = vector.bitcast %add3A_651 : vector<16xi32> to vector<16xi32>
        %lt3A_653 = vector.broadcast %min3A_151 : i32 to vector<16xi32>
        %lt3A_654 = arith.cmpi ult, %bitcast3A_652, %lt3A_653 : vector<16xi32>
        %mul3A_655 = arith.constant 8 : i32
        %mul3A_656 = arith.muli %add3A_591, %mul3A_655 : i32
        %add3A_657 = arith.constant 1 : i32
        %add3A_658 = arith.addi %mul3A_656, %add3A_657 : i32
        %jit3A_659 = arith.constant 16 : i32
        %eq3A_660 = arith.constant 0 : i32
        %eq3A_661 = arith.cmpi eq, %jit3A_659, %eq3A_660 : i32
        %jit3A_662 = arith.constant 1 : i32
        %select_n3A_663 = arith.select %eq3A_661, %jit3A_662, %jit3A_659 : i32
        %rem3A_664 = arith.remsi %add3A_658, %select_n3A_663 : i32
        %ne3A_665 = arith.constant 0 : i32
        %ne3A_666 = arith.cmpi ne, %rem3A_664, %ne3A_665 : i32
        %lt3A_667 = arith.constant 0 : i32
        %lt3A_668 = arith.cmpi slt, %rem3A_664, %lt3A_667 : i32
        %lt3A_669 = arith.constant 0 : i32
        %lt3A_670 = arith.cmpi slt, %select_n3A_663, %lt3A_669 : i32
        %ne3A_671 = arith.xori %lt3A_668, %lt3A_670 : i1
        %and3A_672 = arith.andi %ne3A_671, %ne3A_666 : i1
        %add3A_673 = arith.addi %rem3A_664, %select_n3A_663 : i32
        %select_n3A_674 = arith.select %and3A_672, %add3A_673, %rem3A_664 : i32
        %mul3A_675 = arith.constant 16 : i32
        %mul3A_676 = arith.muli %select_n3A_674, %mul3A_675 : i32
        %add3A_677 = arith.constant 68736 : i32
        %add3A_678 = arith.addi %add3A_677, %mul3A_676 : i32
        %add3A_679 = vector.broadcast %add3A_678 : i32 to vector<16xi32>
        %add3A_680 = arith.addi %add3A_679, %iota3A : vector<16xi32>
        %select_n3A_681 = arith.select %lt3A_654, %add3A_651, %add3A_680 : vector<16xi1>, vector<16xi32>
        %swap3A_682 = arith.constant 1 : i32
        %swap3A_683 = arith.constant 0 : i32
        %swap3A_684 = tpu.memref_slice %arg14[%swap3A_682, %swap3A_683] : memref<2x128xi32, #tpu.memory_space<vmem>> -> memref<1x128xi32, #tpu.memory_space<vmem>>
        %swap3A_685 = tpu.memref_squeeze %swap3A_684 : memref<1x128xi32, #tpu.memory_space<vmem>> -> memref<128xi32, #tpu.memory_space<vmem>>
        %swap3A_686 = arith.constant 16 : index
        %swap3A_687 = tpu.vector_load %swap3A_685[%swap3A_686] {strides = array<i32>} : memref<128xi32, #tpu.memory_space<vmem>>, vector<16xi32>,
        tpu.vector_store %swap3A_685[%swap3A_686], %select_n3A_681 {strides = array<i32>} : memref<128xi32, #tpu.memory_space<vmem>>, vector<16xi32>,
        %broadcast_in_dim3A_688 = vector.shape_cast %select_n3A_21 : vector<16xi32> to vector<16x1xi32>
        %gather3A_689 = vector.shape_cast %broadcast_in_dim3A_688 : vector<16x1xi32> to vector<16xi32>
        %gather3A_690 = tpu.dynamic_gather %sub3A_607[%gather3A_689] in [0] : vector<16xi32>, vector<16xi32> -> vector<16xi32>
        %add3A_691 = arith.addi %gather3A_690, %add3A_96 : vector<16xi32>
        %bitcast3A_692 = vector.bitcast %add3A_691 : vector<16xi32> to vector<16xi32>
        %lt3A_693 = vector.broadcast %min3A_151 : i32 to vector<16xi32>
        %lt3A_694 = arith.cmpi ult, %bitcast3A_692, %lt3A_693 : vector<16xi32>
        %mul3A_695 = arith.constant 8 : i32
        %mul3A_696 = arith.muli %add3A_591, %mul3A_695 : i32
        %add3A_697 = arith.constant 2 : i32
        %add3A_698 = arith.addi %mul3A_696, %add3A_697 : i32
        %jit3A_699 = arith.constant 16 : i32
        %eq3A_700 = arith.constant 0 : i32
        %eq3A_701 = arith.cmpi eq, %jit3A_699, %eq3A_700 : i32
        %jit3A_702 = arith.constant 1 : i32
        %select_n3A_703 = arith.select %eq3A_701, %jit3A_702, %jit3A_699 : i32
        %rem3A_704 = arith.remsi %add3A_698, %select_n3A_703 : i32
        %ne3A_705 = arith.constant 0 : i32
        %ne3A_706 = arith.cmpi ne, %rem3A_704, %ne3A_705 : i32
        %lt3A_707 = arith.constant 0 : i32
        %lt3A_708 = arith.cmpi slt, %rem3A_704, %lt3A_707 : i32
        %lt3A_709 = arith.constant 0 : i32
        %lt3A_710 = arith.cmpi slt, %select_n3A_703, %lt3A_709 : i32
        %ne3A_711 = arith.xori %lt3A_708, %lt3A_710 : i1
        %and3A_712 = arith.andi %ne3A_711, %ne3A_706 : i1
        %add3A_713 = arith.addi %rem3A_704, %select_n3A_703 : i32
        %select_n3A_714 = arith.select %and3A_712, %add3A_713, %rem3A_704 : i32
        %mul3A_715 = arith.constant 16 : i32
        %mul3A_716 = arith.muli %select_n3A_714, %mul3A_715 : i32
        %add3A_717 = arith.constant 68736 : i32
        %add3A_718 = arith.addi %add3A_717, %mul3A_716 : i32
        %add3A_719 = vector.broadcast %add3A_718 : i32 to vector<16xi32>
        %add3A_720 = arith.addi %add3A_719, %iota3A : vector<16xi32>
        %select_n3A_721 = arith.select %lt3A_694, %add3A_691, %add3A_720 : vector<16xi1>, vector<16xi32>
        %swap3A_722 = arith.constant 1 : i32
        %swap3A_723 = arith.constant 0 : i32
        %swap3A_724 = tpu.memref_slice %arg14[%swap3A_722, %swap3A_723] : memref<2x128xi32, #tpu.memory_space<vmem>> -> memref<1x128xi32, #tpu.memory_space<vmem>>
        %swap3A_725 = tpu.memref_squeeze %swap3A_724 : memref<1x128xi32, #tpu.memory_space<vmem>> -> memref<128xi32, #tpu.memory_space<vmem>>
        %swap3A_726 = arith.constant 32 : index
        %swap3A_727 = tpu.vector_load %swap3A_725[%swap3A_726] {strides = array<i32>} : memref<128xi32, #tpu.memory_space<vmem>>, vector<16xi32>,
        tpu.vector_store %swap3A_725[%swap3A_726], %select_n3A_721 {strides = array<i32>} : memref<128xi32, #tpu.memory_space<vmem>>, vector<16xi32>,
        %broadcast_in_dim3A_728 = vector.shape_cast %select_n3A_29 : vector<16xi32> to vector<16x1xi32>
        %gather3A_729 = vector.shape_cast %broadcast_in_dim3A_728 : vector<16x1xi32> to vector<16xi32>
        %gather3A_730 = tpu.dynamic_gather %sub3A_607[%gather3A_729] in [0] : vector<16xi32>, vector<16xi32> -> vector<16xi32>
        %add3A_731 = arith.addi %gather3A_730, %add3A_96 : vector<16xi32>
        %bitcast3A_732 = vector.bitcast %add3A_731 : vector<16xi32> to vector<16xi32>
        %lt3A_733 = vector.broadcast %min3A_151 : i32 to vector<16xi32>
        %lt3A_734 = arith.cmpi ult, %bitcast3A_732, %lt3A_733 : vector<16xi32>
        %mul3A_735 = arith.constant 8 : i32
        %mul3A_736 = arith.muli %add3A_591, %mul3A_735 : i32
        %add3A_737 = arith.constant 3 : i32
        %add3A_738 = arith.addi %mul3A_736, %add3A_737 : i32
        %jit3A_739 = arith.constant 16 : i32
        %eq3A_740 = arith.constant 0 : i32
        %eq3A_741 = arith.cmpi eq, %jit3A_739, %eq3A_740 : i32
        %jit3A_742 = arith.constant 1 : i32
        %select_n3A_743 = arith.select %eq3A_741, %jit3A_742, %jit3A_739 : i32
        %rem3A_744 = arith.remsi %add3A_738, %select_n3A_743 : i32
        %ne3A_745 = arith.constant 0 : i32
        %ne3A_746 = arith.cmpi ne, %rem3A_744, %ne3A_745 : i32
        %lt3A_747 = arith.constant 0 : i32
        %lt3A_748 = arith.cmpi slt, %rem3A_744, %lt3A_747 : i32
        %lt3A_749 = arith.constant 0 : i32
        %lt3A_750 = arith.cmpi slt, %select_n3A_743, %lt3A_749 : i32
        %ne3A_751 = arith.xori %lt3A_748, %lt3A_750 : i1
        %and3A_752 = arith.andi %ne3A_751, %ne3A_746 : i1
        %add3A_753 = arith.addi %rem3A_744, %select_n3A_743 : i32
        %select_n3A_754 = arith.select %and3A_752, %add3A_753, %rem3A_744 : i32
        %mul3A_755 = arith.constant 16 : i32
        %mul3A_756 = arith.muli %select_n3A_754, %mul3A_755 : i32
        %add3A_757 = arith.constant 68736 : i32
        %add3A_758 = arith.addi %add3A_757, %mul3A_756 : i32
        %add3A_759 = vector.broadcast %add3A_758 : i32 to vector<16xi32>
        %add3A_760 = arith.addi %add3A_759, %iota3A : vector<16xi32>
        %select_n3A_761 = arith.select %lt3A_734, %add3A_731, %add3A_760 : vector<16xi1>, vector<16xi32>
        %swap3A_762 = arith.constant 1 : i32
        %swap3A_763 = arith.constant 0 : i32
        %swap3A_764 = tpu.memref_slice %arg14[%swap3A_762, %swap3A_763] : memref<2x128xi32, #tpu.memory_space<vmem>> -> memref<1x128xi32, #tpu.memory_space<vmem>>
        %swap3A_765 = tpu.memref_squeeze %swap3A_764 : memref<1x128xi32, #tpu.memory_space<vmem>> -> memref<128xi32, #tpu.memory_space<vmem>>
        %swap3A_766 = arith.constant 48 : index
        %swap3A_767 = tpu.vector_load %swap3A_765[%swap3A_766] {strides = array<i32>} : memref<128xi32, #tpu.memory_space<vmem>>, vector<16xi32>,
        tpu.vector_store %swap3A_765[%swap3A_766], %select_n3A_761 {strides = array<i32>} : memref<128xi32, #tpu.memory_space<vmem>>, vector<16xi32>,
        %broadcast_in_dim3A_768 = vector.shape_cast %select_n3A_37 : vector<16xi32> to vector<16x1xi32>
        %gather3A_769 = vector.shape_cast %broadcast_in_dim3A_768 : vector<16x1xi32> to vector<16xi32>
        %gather3A_770 = tpu.dynamic_gather %sub3A_607[%gather3A_769] in [0] : vector<16xi32>, vector<16xi32> -> vector<16xi32>
        %add3A_771 = arith.addi %gather3A_770, %add3A_96 : vector<16xi32>
        %bitcast3A_772 = vector.bitcast %add3A_771 : vector<16xi32> to vector<16xi32>
        %lt3A_773 = vector.broadcast %min3A_151 : i32 to vector<16xi32>
        %lt3A_774 = arith.cmpi ult, %bitcast3A_772, %lt3A_773 : vector<16xi32>
        %mul3A_775 = arith.constant 8 : i32
        %mul3A_776 = arith.muli %add3A_591, %mul3A_775 : i32
        %add3A_777 = arith.constant 4 : i32
        %add3A_778 = arith.addi %mul3A_776, %add3A_777 : i32
        %jit3A_779 = arith.constant 16 : i32
        %eq3A_780 = arith.constant 0 : i32
        %eq3A_781 = arith.cmpi eq, %jit3A_779, %eq3A_780 : i32
        %jit3A_782 = arith.constant 1 : i32
        %select_n3A_783 = arith.select %eq3A_781, %jit3A_782, %jit3A_779 : i32
        %rem3A_784 = arith.remsi %add3A_778, %select_n3A_783 : i32
        %ne3A_785 = arith.constant 0 : i32
        %ne3A_786 = arith.cmpi ne, %rem3A_784, %ne3A_785 : i32
        %lt3A_787 = arith.constant 0 : i32
        %lt3A_788 = arith.cmpi slt, %rem3A_784, %lt3A_787 : i32
        %lt3A_789 = arith.constant 0 : i32
        %lt3A_790 = arith.cmpi slt, %select_n3A_783, %lt3A_789 : i32
        %ne3A_791 = arith.xori %lt3A_788, %lt3A_790 : i1
        %and3A_792 = arith.andi %ne3A_791, %ne3A_786 : i1
        %add3A_793 = arith.addi %rem3A_784, %select_n3A_783 : i32
        %select_n3A_794 = arith.select %and3A_792, %add3A_793, %rem3A_784 : i32
        %mul3A_795 = arith.constant 16 : i32
        %mul3A_796 = arith.muli %select_n3A_794, %mul3A_795 : i32
        %add3A_797 = arith.constant 68736 : i32
        %add3A_798 = arith.addi %add3A_797, %mul3A_796 : i32
        %add3A_799 = vector.broadcast %add3A_798 : i32 to vector<16xi32>
        %add3A_800 = arith.addi %add3A_799, %iota3A : vector<16xi32>
        %select_n3A_801 = arith.select %lt3A_774, %add3A_771, %add3A_800 : vector<16xi1>, vector<16xi32>
        %swap3A_802 = arith.constant 1 : i32
        %swap3A_803 = arith.constant 0 : i32
        %swap3A_804 = tpu.memref_slice %arg14[%swap3A_802, %swap3A_803] : memref<2x128xi32, #tpu.memory_space<vmem>> -> memref<1x128xi32, #tpu.memory_space<vmem>>
        %swap3A_805 = tpu.memref_squeeze %swap3A_804 : memref<1x128xi32, #tpu.memory_space<vmem>> -> memref<128xi32, #tpu.memory_space<vmem>>
        %swap3A_806 = arith.constant 64 : index
        %swap3A_807 = tpu.vector_load %swap3A_805[%swap3A_806] {strides = array<i32>} : memref<128xi32, #tpu.memory_space<vmem>>, vector<16xi32>,
        tpu.vector_store %swap3A_805[%swap3A_806], %select_n3A_801 {strides = array<i32>} : memref<128xi32, #tpu.memory_space<vmem>>, vector<16xi32>,
        %broadcast_in_dim3A_808 = vector.shape_cast %select_n3A_45 : vector<16xi32> to vector<16x1xi32>
        %gather3A_809 = vector.shape_cast %broadcast_in_dim3A_808 : vector<16x1xi32> to vector<16xi32>
        %gather3A_810 = tpu.dynamic_gather %sub3A_607[%gather3A_809] in [0] : vector<16xi32>, vector<16xi32> -> vector<16xi32>
        %add3A_811 = arith.addi %gather3A_810, %add3A_96 : vector<16xi32>
        %bitcast3A_812 = vector.bitcast %add3A_811 : vector<16xi32> to vector<16xi32>
        %lt3A_813 = vector.broadcast %min3A_151 : i32 to vector<16xi32>
        %lt3A_814 = arith.cmpi ult, %bitcast3A_812, %lt3A_813 : vector<16xi32>
        %mul3A_815 = arith.constant 8 : i32
        %mul3A_816 = arith.muli %add3A_591, %mul3A_815 : i32
        %add3A_817 = arith.constant 5 : i32
        %add3A_818 = arith.addi %mul3A_816, %add3A_817 : i32
        %jit3A_819 = arith.constant 16 : i32
        %eq3A_820 = arith.constant 0 : i32
        %eq3A_821 = arith.cmpi eq, %jit3A_819, %eq3A_820 : i32
        %jit3A_822 = arith.constant 1 : i32
        %select_n3A_823 = arith.select %eq3A_821, %jit3A_822, %jit3A_819 : i32
        %rem3A_824 = arith.remsi %add3A_818, %select_n3A_823 : i32
        %ne3A_825 = arith.constant 0 : i32
        %ne3A_826 = arith.cmpi ne, %rem3A_824, %ne3A_825 : i32
        %lt3A_827 = arith.constant 0 : i32
        %lt3A_828 = arith.cmpi slt, %rem3A_824, %lt3A_827 : i32
        %lt3A_829 = arith.constant 0 : i32
        %lt3A_830 = arith.cmpi slt, %select_n3A_823, %lt3A_829 : i32
        %ne3A_831 = arith.xori %lt3A_828, %lt3A_830 : i1
        %and3A_832 = arith.andi %ne3A_831, %ne3A_826 : i1
        %add3A_833 = arith.addi %rem3A_824, %select_n3A_823 : i32
        %select_n3A_834 = arith.select %and3A_832, %add3A_833, %rem3A_824 : i32
        %mul3A_835 = arith.constant 16 : i32
        %mul3A_836 = arith.muli %select_n3A_834, %mul3A_835 : i32
        %add3A_837 = arith.constant 68736 : i32
        %add3A_838 = arith.addi %add3A_837, %mul3A_836 : i32
        %add3A_839 = vector.broadcast %add3A_838 : i32 to vector<16xi32>
        %add3A_840 = arith.addi %add3A_839, %iota3A : vector<16xi32>
        %select_n3A_841 = arith.select %lt3A_814, %add3A_811, %add3A_840 : vector<16xi1>, vector<16xi32>
        %swap3A_842 = arith.constant 1 : i32
        %swap3A_843 = arith.constant 0 : i32
        %swap3A_844 = tpu.memref_slice %arg14[%swap3A_842, %swap3A_843] : memref<2x128xi32, #tpu.memory_space<vmem>> -> memref<1x128xi32, #tpu.memory_space<vmem>>
        %swap3A_845 = tpu.memref_squeeze %swap3A_844 : memref<1x128xi32, #tpu.memory_space<vmem>> -> memref<128xi32, #tpu.memory_space<vmem>>
        %swap3A_846 = arith.constant 80 : index
        %swap3A_847 = tpu.vector_load %swap3A_845[%swap3A_846] {strides = array<i32>} : memref<128xi32, #tpu.memory_space<vmem>>, vector<16xi32>,
        tpu.vector_store %swap3A_845[%swap3A_846], %select_n3A_841 {strides = array<i32>} : memref<128xi32, #tpu.memory_space<vmem>>, vector<16xi32>,
        %broadcast_in_dim3A_848 = vector.shape_cast %select_n3A_53 : vector<16xi32> to vector<16x1xi32>
        %gather3A_849 = vector.shape_cast %broadcast_in_dim3A_848 : vector<16x1xi32> to vector<16xi32>
        %gather3A_850 = tpu.dynamic_gather %sub3A_607[%gather3A_849] in [0] : vector<16xi32>, vector<16xi32> -> vector<16xi32>
        %add3A_851 = arith.addi %gather3A_850, %add3A_96 : vector<16xi32>
        %bitcast3A_852 = vector.bitcast %add3A_851 : vector<16xi32> to vector<16xi32>
        %lt3A_853 = vector.broadcast %min3A_151 : i32 to vector<16xi32>
        %lt3A_854 = arith.cmpi ult, %bitcast3A_852, %lt3A_853 : vector<16xi32>
        %mul3A_855 = arith.constant 8 : i32
        %mul3A_856 = arith.muli %add3A_591, %mul3A_855 : i32
        %add3A_857 = arith.constant 6 : i32
        %add3A_858 = arith.addi %mul3A_856, %add3A_857 : i32
        %jit3A_859 = arith.constant 16 : i32
        %eq3A_860 = arith.constant 0 : i32
        %eq3A_861 = arith.cmpi eq, %jit3A_859, %eq3A_860 : i32
        %jit3A_862 = arith.constant 1 : i32
        %select_n3A_863 = arith.select %eq3A_861, %jit3A_862, %jit3A_859 : i32
        %rem3A_864 = arith.remsi %add3A_858, %select_n3A_863 : i32
        %ne3A_865 = arith.constant 0 : i32
        %ne3A_866 = arith.cmpi ne, %rem3A_864, %ne3A_865 : i32
        %lt3A_867 = arith.constant 0 : i32
        %lt3A_868 = arith.cmpi slt, %rem3A_864, %lt3A_867 : i32
        %lt3A_869 = arith.constant 0 : i32
        %lt3A_870 = arith.cmpi slt, %select_n3A_863, %lt3A_869 : i32
        %ne3A_871 = arith.xori %lt3A_868, %lt3A_870 : i1
        %and3A_872 = arith.andi %ne3A_871, %ne3A_866 : i1
        %add3A_873 = arith.addi %rem3A_864, %select_n3A_863 : i32
        %select_n3A_874 = arith.select %and3A_872, %add3A_873, %rem3A_864 : i32
        %mul3A_875 = arith.constant 16 : i32
        %mul3A_876 = arith.muli %select_n3A_874, %mul3A_875 : i32
        %add3A_877 = arith.constant 68736 : i32
        %add3A_878 = arith.addi %add3A_877, %mul3A_876 : i32
        %add3A_879 = vector.broadcast %add3A_878 : i32 to vector<16xi32>
        %add3A_880 = arith.addi %add3A_879, %iota3A : vector<16xi32>
        %select_n3A_881 = arith.select %lt3A_854, %add3A_851, %add3A_880 : vector<16xi1>, vector<16xi32>
        %swap3A_882 = arith.constant 1 : i32
        %swap3A_883 = arith.constant 0 : i32
        %swap3A_884 = tpu.memref_slice %arg14[%swap3A_882, %swap3A_883] : memref<2x128xi32, #tpu.memory_space<vmem>> -> memref<1x128xi32, #tpu.memory_space<vmem>>
        %swap3A_885 = tpu.memref_squeeze %swap3A_884 : memref<1x128xi32, #tpu.memory_space<vmem>> -> memref<128xi32, #tpu.memory_space<vmem>>
        %swap3A_886 = arith.constant 96 : index
        %swap3A_887 = tpu.vector_load %swap3A_885[%swap3A_886] {strides = array<i32>} : memref<128xi32, #tpu.memory_space<vmem>>, vector<16xi32>,
        tpu.vector_store %swap3A_885[%swap3A_886], %select_n3A_881 {strides = array<i32>} : memref<128xi32, #tpu.memory_space<vmem>>, vector<16xi32>,
        %broadcast_in_dim3A_888 = vector.shape_cast %select_n3A_61 : vector<16xi32> to vector<16x1xi32>
        %gather3A_889 = vector.shape_cast %broadcast_in_dim3A_888 : vector<16x1xi32> to vector<16xi32>
        %gather3A_890 = tpu.dynamic_gather %sub3A_607[%gather3A_889] in [0] : vector<16xi32>, vector<16xi32> -> vector<16xi32>
        %add3A_891 = arith.addi %gather3A_890, %add3A_96 : vector<16xi32>
        %bitcast3A_892 = vector.bitcast %add3A_891 : vector<16xi32> to vector<16xi32>
        %lt3A_893 = vector.broadcast %min3A_151 : i32 to vector<16xi32>
        %lt3A_894 = arith.cmpi ult, %bitcast3A_892, %lt3A_893 : vector<16xi32>
        %mul3A_895 = arith.constant 8 : i32
        %mul3A_896 = arith.muli %add3A_591, %mul3A_895 : i32
        %add3A_897 = arith.constant 7 : i32
        %add3A_898 = arith.addi %mul3A_896, %add3A_897 : i32
        %jit3A_899 = arith.constant 16 : i32
        %eq3A_900 = arith.constant 0 : i32
        %eq3A_901 = arith.cmpi eq, %jit3A_899, %eq3A_900 : i32
        %jit3A_902 = arith.constant 1 : i32
        %select_n3A_903 = arith.select %eq3A_901, %jit3A_902, %jit3A_899 : i32
        %rem3A_904 = arith.remsi %add3A_898, %select_n3A_903 : i32
        %ne3A_905 = arith.constant 0 : i32
        %ne3A_906 = arith.cmpi ne, %rem3A_904, %ne3A_905 : i32
        %lt3A_907 = arith.constant 0 : i32
        %lt3A_908 = arith.cmpi slt, %rem3A_904, %lt3A_907 : i32
        %lt3A_909 = arith.constant 0 : i32
        %lt3A_910 = arith.cmpi slt, %select_n3A_903, %lt3A_909 : i32
        %ne3A_911 = arith.xori %lt3A_908, %lt3A_910 : i1
        %and3A_912 = arith.andi %ne3A_911, %ne3A_906 : i1
        %add3A_913 = arith.addi %rem3A_904, %select_n3A_903 : i32
        %select_n3A_914 = arith.select %and3A_912, %add3A_913, %rem3A_904 : i32
        %mul3A_915 = arith.constant 16 : i32
        %mul3A_916 = arith.muli %select_n3A_914, %mul3A_915 : i32
        %add3A_917 = arith.constant 68736 : i32
        %add3A_918 = arith.addi %add3A_917, %mul3A_916 : i32
        %add3A_919 = vector.broadcast %add3A_918 : i32 to vector<16xi32>
        %add3A_920 = arith.addi %add3A_919, %iota3A : vector<16xi32>
        %select_n3A_921 = arith.select %lt3A_894, %add3A_891, %add3A_920 : vector<16xi1>, vector<16xi32>
        %swap3A_922 = arith.constant 1 : i32
        %swap3A_923 = arith.constant 0 : i32
        %swap3A_924 = tpu.memref_slice %arg14[%swap3A_922, %swap3A_923] : memref<2x128xi32, #tpu.memory_space<vmem>> -> memref<1x128xi32, #tpu.memory_space<vmem>>
        %swap3A_925 = tpu.memref_squeeze %swap3A_924 : memref<1x128xi32, #tpu.memory_space<vmem>> -> memref<128xi32, #tpu.memory_space<vmem>>
        %swap3A_926 = arith.constant 112 : index
        %swap3A_927 = tpu.vector_load %swap3A_925[%swap3A_926] {strides = array<i32>} : memref<128xi32, #tpu.memory_space<vmem>>, vector<16xi32>,
        tpu.vector_store %swap3A_925[%swap3A_926], %select_n3A_921 {strides = array<i32>} : memref<128xi32, #tpu.memory_space<vmem>>, vector<16xi32>,
        %dma_wait3A_928 = arith.constant 0 : i32
        %dma_wait3A_929 = tpu.memref_slice %arg5[%add3A_234, %dma_wait3A_928] : memref<2097152x10xf32, #tpu.memory_space<hbm>> -> memref<128x10xf32, #tpu.memory_space<hbm>>
        %dma_wait3A_930 = arith.constant 0 : i32
        %dma_wait3A_931 = tpu.memref_slice %arg5[%add3A_234, %dma_wait3A_930] : memref<2097152x10xf32, #tpu.memory_space<hbm>> -> memref<128x10xf32, #tpu.memory_space<hbm>>
        tpu.wait_dma2 semaphore(%arg17 : memref<!tpu.dma_semaphore, #tpu.memory_space<semaphore_mem>>) src(%dma_wait3A_931 : memref<128x10xf32, #tpu.memory_space<hbm>>) dst(%arg10 : memref<128x10xf32, #tpu.memory_space<vmem>>)
        %dma_start3A_932 = arith.constant 1 : i32
        %dma_start3A_933 = arith.constant 0 : i32
        %dma_start3A_934 = tpu.memref_slice %arg14[%dma_start3A_932, %dma_start3A_933] : memref<2x128xi32, #tpu.memory_space<vmem>> -> memref<1x128xi32, #tpu.memory_space<vmem>>
        %dma_start3A_935 = tpu.memref_squeeze %dma_start3A_934 : memref<1x128xi32, #tpu.memory_space<vmem>> -> memref<128xi32, #tpu.memory_space<vmem>>
        %dma_start3A_936 = arith.constant 0 : i32
        %dma_start3A_937 = arith.constant 0 : i32
        %dma_start3A_938 = tpu.memref_slice %arg18[%dma_start3A_936, %dma_start3A_937] : memref<69632x10xf32, #tpu.memory_space<vmem_shared>> -> memref<69632x10xf32, #tpu.memory_space<vmem_shared>>
        tpu.enqueue_indirect_dma source(%arg10 : memref<128x10xf32, #tpu.memory_space<vmem>>) target(%dma_start3A_938 : memref<69632x10xf32, #tpu.memory_space<vmem_shared>>) offsets(%dma_start3A_935 : memref<128xi32, #tpu.memory_space<vmem>>) semaphore(%arg17 : memref<!tpu.dma_semaphore, #tpu.memory_space<semaphore_mem>>) {add = true}
        %dma_start3A_939 = arith.constant 1 : i32
        %dma_start3A_940 = arith.constant 0 : i32
        %dma_start3A_941 = tpu.memref_slice %arg14[%dma_start3A_939, %dma_start3A_940] : memref<2x128xi32, #tpu.memory_space<vmem>> -> memref<1x128xi32, #tpu.memory_space<vmem>>
        %dma_start3A_942 = tpu.memref_squeeze %dma_start3A_941 : memref<1x128xi32, #tpu.memory_space<vmem>> -> memref<128xi32, #tpu.memory_space<vmem>>
        %dma_start3A_943 = arith.constant 0 : i32
        %dma_start3A_944 = tpu.memref_slice %arg19[%dma_start3A_943] : memref<69632xf32, #tpu.memory_space<vmem_shared>> -> memref<69632xf32, #tpu.memory_space<vmem_shared>>
        tpu.enqueue_indirect_dma source(%arg15 : memref<128xf32, #tpu.memory_space<vmem>>) target(%dma_start3A_944 : memref<69632xf32, #tpu.memory_space<vmem_shared>>) offsets(%dma_start3A_942 : memref<128xi32, #tpu.memory_space<vmem>>) semaphore(%arg17 : memref<!tpu.dma_semaphore, #tpu.memory_space<semaphore_mem>>) {add = true}
        %dma_wait3A_945 = arith.constant 0 : i32
        %dma_wait3A_946 = arith.constant 0 : i32
        %dma_wait3A_947 = tpu.memref_slice %arg14[%dma_wait3A_945, %dma_wait3A_946] : memref<2x128xi32, #tpu.memory_space<vmem>> -> memref<1x128xi32, #tpu.memory_space<vmem>>
        %dma_wait3A_948 = tpu.memref_squeeze %dma_wait3A_947 : memref<1x128xi32, #tpu.memory_space<vmem>> -> memref<128xi32, #tpu.memory_space<vmem>>
        %dma_wait3A_949 = arith.constant 0 : i32
        %dma_wait3A_950 = arith.constant 0 : i32
        %dma_wait3A_951 = tpu.memref_slice %arg18[%dma_wait3A_949, %dma_wait3A_950] : memref<69632x10xf32, #tpu.memory_space<vmem_shared>> -> memref<69632x10xf32, #tpu.memory_space<vmem_shared>>
        tpu.wait_indirect_dma semaphore(%arg17 : memref<!tpu.dma_semaphore, #tpu.memory_space<semaphore_mem>>) src(%arg9 : memref<128x10xf32, #tpu.memory_space<vmem>>) dst(%dma_wait3A_951 : memref<69632x10xf32, #tpu.memory_space<vmem_shared>>)
        %dma_wait3A_952 = arith.constant 0 : i32
        %dma_wait3A_953 = arith.constant 0 : i32
        %dma_wait3A_954 = tpu.memref_slice %arg14[%dma_wait3A_952, %dma_wait3A_953] : memref<2x128xi32, #tpu.memory_space<vmem>> -> memref<1x128xi32, #tpu.memory_space<vmem>>
        %dma_wait3A_955 = tpu.memref_squeeze %dma_wait3A_954 : memref<1x128xi32, #tpu.memory_space<vmem>> -> memref<128xi32, #tpu.memory_space<vmem>>
        %dma_wait3A_956 = arith.constant 0 : i32
        %dma_wait3A_957 = tpu.memref_slice %arg19[%dma_wait3A_956] : memref<69632xf32, #tpu.memory_space<vmem_shared>> -> memref<69632xf32, #tpu.memory_space<vmem_shared>>
        tpu.wait_indirect_dma semaphore(%arg17 : memref<!tpu.dma_semaphore, #tpu.memory_space<semaphore_mem>>) src(%arg15 : memref<128xf32, #tpu.memory_space<vmem>>) dst(%dma_wait3A_957 : memref<69632xf32, #tpu.memory_space<vmem_shared>>)
        %dma_wait3A_958 = arith.constant 1 : i32
        %dma_wait3A_959 = arith.constant 0 : i32
        %dma_wait3A_960 = tpu.memref_slice %arg14[%dma_wait3A_958, %dma_wait3A_959] : memref<2x128xi32, #tpu.memory_space<vmem>> -> memref<1x128xi32, #tpu.memory_space<vmem>>
        %dma_wait3A_961 = tpu.memref_squeeze %dma_wait3A_960 : memref<1x128xi32, #tpu.memory_space<vmem>> -> memref<128xi32, #tpu.memory_space<vmem>>
        %dma_wait3A_962 = arith.constant 0 : i32
        %dma_wait3A_963 = arith.constant 0 : i32
        %dma_wait3A_964 = tpu.memref_slice %arg18[%dma_wait3A_962, %dma_wait3A_963] : memref<69632x10xf32, #tpu.memory_space<vmem_shared>> -> memref<69632x10xf32, #tpu.memory_space<vmem_shared>>
        tpu.wait_indirect_dma semaphore(%arg17 : memref<!tpu.dma_semaphore, #tpu.memory_space<semaphore_mem>>) src(%arg10 : memref<128x10xf32, #tpu.memory_space<vmem>>) dst(%dma_wait3A_964 : memref<69632x10xf32, #tpu.memory_space<vmem_shared>>)
        %dma_wait3A_965 = arith.constant 1 : i32
        %dma_wait3A_966 = arith.constant 0 : i32
        %dma_wait3A_967 = tpu.memref_slice %arg14[%dma_wait3A_965, %dma_wait3A_966] : memref<2x128xi32, #tpu.memory_space<vmem>> -> memref<1x128xi32, #tpu.memory_space<vmem>>
        %dma_wait3A_968 = tpu.memref_squeeze %dma_wait3A_967 : memref<1x128xi32, #tpu.memory_space<vmem>> -> memref<128xi32, #tpu.memory_space<vmem>>
        %dma_wait3A_969 = arith.constant 0 : i32
        %dma_wait3A_970 = tpu.memref_slice %arg19[%dma_wait3A_969] : memref<69632xf32, #tpu.memory_space<vmem_shared>> -> memref<69632xf32, #tpu.memory_space<vmem_shared>>
        tpu.wait_indirect_dma semaphore(%arg17 : memref<!tpu.dma_semaphore, #tpu.memory_space<semaphore_mem>>) src(%arg15 : memref<128xf32, #tpu.memory_space<vmem>>) dst(%dma_wait3A_970 : memref<69632xf32, #tpu.memory_space<vmem_shared>>)
      }
      %scan3A_223 = arith.constant 8 : i32
    }
    %scan3A_168 = arith.constant 64 : i32
    %barrier3A_169 = arith.constant 0 : index
    tpu.barrier barrier_id(%barrier3A_169)
    %scan3A_170 = arith.constant 0 : i32
    %scan3A_171 = arith.constant 0 : i32
    %scan3A_172 = arith.constant 34 : i32
    %scan3A_173 = arith.addi %scan3A_171, %scan3A_172 : i32
    %scan3A_174 = arith.constant 1 : i32
    scf.for %scan3A_214 = %scan3A_171 to %scan3A_173 step %scan3A_174  : i32 {
      %lt3A_215 = arith.cmpi slt, %scan3A_214, %select_n3A_136 : i32
      %convert_element_type3A = arith.extui %lt3A_215 : i1 to i32
      %cond3A = arith.constant 0 : i32
      %cond3A_216 = arith.cmpi ne, %convert_element_type3A, %cond3A : i32
      scf.if %cond3A_216 {
        %mul3A_217 = arith.constant 128 : i32
        %mul3A_218 = arith.muli %scan3A_214, %mul3A_217 : i32
        %add3A_219 = arith.addi %mul3A_142, %mul3A_218 : i32
        "tpu.region"() ({
          %run_scoped3A = tpu.sem_alloc : memref<!tpu.dma_semaphore, #tpu.memory_space<semaphore_mem>>
          %dma_start3A = arith.constant 0 : i32
          %dma_start3A_222 = tpu.memref_slice %arg18[%add3A_219, %dma_start3A] : memref<69632x10xf32, #tpu.memory_space<vmem_shared>> -> memref<128x10xf32, #tpu.memory_space<vmem_shared>>
          %dma_start3A_223 = arith.constant 0 : i32
          %dma_start3A_224 = tpu.memref_slice %arg18[%add3A_219, %dma_start3A_223] : memref<69632x10xf32, #tpu.memory_space<vmem_shared>> -> memref<128x10xf32, #tpu.memory_space<vmem_shared>>
          tpu.enqueue_dma source(%dma_start3A_224 : memref<128x10xf32, #tpu.memory_space<vmem_shared>>) target(%arg9 : memref<128x10xf32, #tpu.memory_space<vmem>>) target_semaphore(%run_scoped3A : memref<!tpu.dma_semaphore, #tpu.memory_space<semaphore_mem>>)
          %dma_wait3A = arith.constant 0 : i32
          %dma_wait3A_225 = tpu.memref_slice %arg18[%add3A_219, %dma_wait3A] : memref<69632x10xf32, #tpu.memory_space<vmem_shared>> -> memref<128x10xf32, #tpu.memory_space<vmem_shared>>
          %dma_wait3A_226 = arith.constant 0 : i32
          %dma_wait3A_227 = tpu.memref_slice %arg18[%add3A_219, %dma_wait3A_226] : memref<69632x10xf32, #tpu.memory_space<vmem_shared>> -> memref<128x10xf32, #tpu.memory_space<vmem_shared>>
          tpu.wait_dma2 semaphore(%run_scoped3A : memref<!tpu.dma_semaphore, #tpu.memory_space<semaphore_mem>>) src(%dma_wait3A_227 : memref<128x10xf32, #tpu.memory_space<vmem_shared>>) dst(%arg9 : memref<128x10xf32, #tpu.memory_space<vmem>>)
          tpu.yield
        }) : () -> ()
        "tpu.region"() ({
          %run_scoped3A = tpu.sem_alloc : memref<!tpu.dma_semaphore, #tpu.memory_space<semaphore_mem>>
          %dma_start3A = tpu.memref_slice %arg19[%add3A_219] : memref<69632xf32, #tpu.memory_space<vmem_shared>> -> memref<128xf32, #tpu.memory_space<vmem_shared>>
          %dma_start3A_222 = tpu.memref_slice %arg19[%add3A_219] : memref<69632xf32, #tpu.memory_space<vmem_shared>> -> memref<128xf32, #tpu.memory_space<vmem_shared>>
          tpu.enqueue_dma source(%dma_start3A_222 : memref<128xf32, #tpu.memory_space<vmem_shared>>) target(%arg16 : memref<128xf32, #tpu.memory_space<vmem>>) target_semaphore(%run_scoped3A : memref<!tpu.dma_semaphore, #tpu.memory_space<semaphore_mem>>)
          %dma_wait3A = tpu.memref_slice %arg19[%add3A_219] : memref<69632xf32, #tpu.memory_space<vmem_shared>> -> memref<128xf32, #tpu.memory_space<vmem_shared>>
          %dma_wait3A_223 = tpu.memref_slice %arg19[%add3A_219] : memref<69632xf32, #tpu.memory_space<vmem_shared>> -> memref<128xf32, #tpu.memory_space<vmem_shared>>
          tpu.wait_dma2 semaphore(%run_scoped3A : memref<!tpu.dma_semaphore, #tpu.memory_space<semaphore_mem>>) src(%dma_wait3A_223 : memref<128xf32, #tpu.memory_space<vmem_shared>>) dst(%arg16 : memref<128xf32, #tpu.memory_space<vmem>>)
          tpu.yield
        }) : () -> ()
        %add3A_220 = arith.addi %mul3A_148, %add3A_219 : i32
        "tpu.region"() ({
          %run_scoped3A = tpu.sem_alloc : memref<!tpu.dma_semaphore, #tpu.memory_space<semaphore_mem>>
          %dma_start3A = arith.constant 0 : i32
          %dma_start3A_222 = tpu.memref_slice %arg7[%add3A_220, %dma_start3A] : memref<274944x10xf32, #tpu.memory_space<hbm>> -> memref<128x10xf32, #tpu.memory_space<hbm>>
          %dma_start3A_223 = arith.constant 0 : i32
          %dma_start3A_224 = tpu.memref_slice %arg7[%add3A_220, %dma_start3A_223] : memref<274944x10xf32, #tpu.memory_space<hbm>> -> memref<128x10xf32, #tpu.memory_space<hbm>>
          tpu.enqueue_dma source(%arg9 : memref<128x10xf32, #tpu.memory_space<vmem>>) target(%dma_start3A_224 : memref<128x10xf32, #tpu.memory_space<hbm>>) target_semaphore(%run_scoped3A : memref<!tpu.dma_semaphore, #tpu.memory_space<semaphore_mem>>)
          %dma_wait3A = arith.constant 0 : i32
          %dma_wait3A_225 = tpu.memref_slice %arg7[%add3A_220, %dma_wait3A] : memref<274944x10xf32, #tpu.memory_space<hbm>> -> memref<128x10xf32, #tpu.memory_space<hbm>>
          %dma_wait3A_226 = arith.constant 0 : i32
          %dma_wait3A_227 = tpu.memref_slice %arg7[%add3A_220, %dma_wait3A_226] : memref<274944x10xf32, #tpu.memory_space<hbm>> -> memref<128x10xf32, #tpu.memory_space<hbm>>
          tpu.wait_dma2 semaphore(%run_scoped3A : memref<!tpu.dma_semaphore, #tpu.memory_space<semaphore_mem>>) src(%arg9 : memref<128x10xf32, #tpu.memory_space<vmem>>) dst(%dma_wait3A_227 : memref<128x10xf32, #tpu.memory_space<hbm>>)
          tpu.yield
        }) : () -> ()
        %add3A_221 = arith.addi %mul3A_148, %add3A_219 : i32
        "tpu.region"() ({
          %run_scoped3A = tpu.sem_alloc : memref<!tpu.dma_semaphore, #tpu.memory_space<semaphore_mem>>
          %dma_start3A = tpu.memref_slice %arg8[%add3A_221] : memref<274944xf32, #tpu.memory_space<hbm>> -> memref<128xf32, #tpu.memory_space<hbm>>
          %dma_start3A_222 = tpu.memref_slice %arg8[%add3A_221] : memref<274944xf32, #tpu.memory_space<hbm>> -> memref<128xf32, #tpu.memory_space<hbm>>
          tpu.enqueue_dma source(%arg16 : memref<128xf32, #tpu.memory_space<vmem>>) target(%dma_start3A_222 : memref<128xf32, #tpu.memory_space<hbm>>) target_semaphore(%run_scoped3A : memref<!tpu.dma_semaphore, #tpu.memory_space<semaphore_mem>>)
          %dma_wait3A = tpu.memref_slice %arg8[%add3A_221] : memref<274944xf32, #tpu.memory_space<hbm>> -> memref<128xf32, #tpu.memory_space<hbm>>
          %dma_wait3A_223 = tpu.memref_slice %arg8[%add3A_221] : memref<274944xf32, #tpu.memory_space<hbm>> -> memref<128xf32, #tpu.memory_space<hbm>>
          tpu.wait_dma2 semaphore(%run_scoped3A : memref<!tpu.dma_semaphore, #tpu.memory_space<semaphore_mem>>) src(%arg16 : memref<128xf32, #tpu.memory_space<vmem>>) dst(%dma_wait3A_223 : memref<128xf32, #tpu.memory_space<hbm>>)
          tpu.yield
        }) : () -> ()
      } else {
      }
    }
    %scan3A_175 = arith.constant 34 : i32
    %barrier3A_176 = arith.constant 0 : index
    tpu.barrier barrier_id(%barrier3A_176)
    %mul3A_177 = arith.constant 2 : i32
    %mul3A_178 = arith.muli %arg0, %mul3A_177 : i32
    %add3A_179 = arith.constant 1 : i32
    %add3A_180 = arith.addi %mul3A_178, %add3A_179 : i32
    %mul3A_181 = arith.constant 68736 : i32
    %mul3A_182 = arith.muli %add3A_180, %mul3A_181 : i32
    %sub3A_183 = arith.constant 274625 : i32
    %sub3A_184 = arith.subi %sub3A_183, %mul3A_182 : i32
    %min3A_185 = arith.constant 68736 : i32
    %min3A_186 = arith.minsi %sub3A_184, %min3A_185 : i32
    %scan3A_187 = arith.constant 0 : i32
    %scan3A_188 = arith.constant 0 : i32
    %scan3A_189 = arith.constant 8 : i32
    %scan3A_190 = arith.addi %scan3A_188, %scan3A_189 : i32
    %scan3A_191 = arith.constant 1 : i32
    scf.for %scan3A_214 = %scan3A_188 to %scan3A_190 step %scan3A_191  : i32 {
      %mul3A_215 = arith.constant 16 : i32
      %mul3A_216 = arith.muli %scan3A_214, %mul3A_215 : i32
      %swap3A_217 = arith.index_cast %mul3A_216 : i32 to index
      %swap3A_218 = tpu.vector_load %arg16[%swap3A_217] {strides = array<i32>} : memref<128xf32, #tpu.memory_space<vmem>>, vector<16xf32>,
      tpu.vector_store %arg16[%swap3A_217], %broadcast_in_dim3A_0 {strides = array<i32>} : memref<128xf32, #tpu.memory_space<vmem>>, vector<16xf32>,
    }
    %scan3A_192 = arith.constant 8 : i32
    "tpu.region"() ({
      %run_scoped3A = tpu.sem_alloc : memref<!tpu.dma_semaphore, #tpu.memory_space<semaphore_mem>>
      tpu.enqueue_dma source(%arg6 : memref<128x10xf32, #tpu.memory_space<hbm>>) target(%arg10 : memref<128x10xf32, #tpu.memory_space<vmem>>) target_semaphore(%run_scoped3A : memref<!tpu.dma_semaphore, #tpu.memory_space<semaphore_mem>>)
      tpu.wait_dma2 semaphore(%run_scoped3A : memref<!tpu.dma_semaphore, #tpu.memory_space<semaphore_mem>>) src(%arg6 : memref<128x10xf32, #tpu.memory_space<hbm>>) dst(%arg10 : memref<128x10xf32, #tpu.memory_space<vmem>>)
      tpu.yield
    }) : () -> ()
    %scan3A_193 = arith.constant 0 : i32
    %scan3A_194 = arith.constant 0 : i32
    %scan3A_195 = arith.constant 34 : i32
    %scan3A_196 = arith.addi %scan3A_194, %scan3A_195 : i32
    %scan3A_197 = arith.constant 1 : i32
    scf.for %scan3A_214 = %scan3A_194 to %scan3A_196 step %scan3A_197  : i32 {
      %mul3A_215 = arith.constant 128 : i32
      %mul3A_216 = arith.muli %scan3A_214, %mul3A_215 : i32
      %add3A_217 = arith.addi %mul3A_131, %mul3A_216 : i32
      "tpu.region"() ({
        %run_scoped3A = tpu.sem_alloc : memref<!tpu.dma_semaphore, #tpu.memory_space<semaphore_mem>>
        %dma_start3A = arith.constant 0 : i32
        %dma_start3A_221 = tpu.memref_slice %arg18[%add3A_217, %dma_start3A] : memref<69632x10xf32, #tpu.memory_space<vmem_shared>> -> memref<128x10xf32, #tpu.memory_space<vmem_shared>>
        %dma_start3A_222 = arith.constant 0 : i32
        %dma_start3A_223 = tpu.memref_slice %arg18[%add3A_217, %dma_start3A_222] : memref<69632x10xf32, #tpu.memory_space<vmem_shared>> -> memref<128x10xf32, #tpu.memory_space<vmem_shared>>
        tpu.enqueue_dma source(%arg10 : memref<128x10xf32, #tpu.memory_space<vmem>>) target(%dma_start3A_223 : memref<128x10xf32, #tpu.memory_space<vmem_shared>>) target_semaphore(%run_scoped3A : memref<!tpu.dma_semaphore, #tpu.memory_space<semaphore_mem>>)
        %dma_wait3A = arith.constant 0 : i32
        %dma_wait3A_224 = tpu.memref_slice %arg18[%add3A_217, %dma_wait3A] : memref<69632x10xf32, #tpu.memory_space<vmem_shared>> -> memref<128x10xf32, #tpu.memory_space<vmem_shared>>
        %dma_wait3A_225 = arith.constant 0 : i32
        %dma_wait3A_226 = tpu.memref_slice %arg18[%add3A_217, %dma_wait3A_225] : memref<69632x10xf32, #tpu.memory_space<vmem_shared>> -> memref<128x10xf32, #tpu.memory_space<vmem_shared>>
        tpu.wait_dma2 semaphore(%run_scoped3A : memref<!tpu.dma_semaphore, #tpu.memory_space<semaphore_mem>>) src(%arg10 : memref<128x10xf32, #tpu.memory_space<vmem>>) dst(%dma_wait3A_226 : memref<128x10xf32, #tpu.memory_space<vmem_shared>>)
        tpu.yield
      }) : () -> ()
      %mul3A_218 = arith.constant 128 : i32
      %mul3A_219 = arith.muli %scan3A_214, %mul3A_218 : i32
      %add3A_220 = arith.addi %mul3A_131, %mul3A_219 : i32
      "tpu.region"() ({
        %run_scoped3A = tpu.sem_alloc : memref<!tpu.dma_semaphore, #tpu.memory_space<semaphore_mem>>
        %dma_start3A = tpu.memref_slice %arg19[%add3A_220] : memref<69632xf32, #tpu.memory_space<vmem_shared>> -> memref<128xf32, #tpu.memory_space<vmem_shared>>
        %dma_start3A_221 = tpu.memref_slice %arg19[%add3A_220] : memref<69632xf32, #tpu.memory_space<vmem_shared>> -> memref<128xf32, #tpu.memory_space<vmem_shared>>
        tpu.enqueue_dma source(%arg16 : memref<128xf32, #tpu.memory_space<vmem>>) target(%dma_start3A_221 : memref<128xf32, #tpu.memory_space<vmem_shared>>) target_semaphore(%run_scoped3A : memref<!tpu.dma_semaphore, #tpu.memory_space<semaphore_mem>>)
        %dma_wait3A = tpu.memref_slice %arg19[%add3A_220] : memref<69632xf32, #tpu.memory_space<vmem_shared>> -> memref<128xf32, #tpu.memory_space<vmem_shared>>
        %dma_wait3A_222 = tpu.memref_slice %arg19[%add3A_220] : memref<69632xf32, #tpu.memory_space<vmem_shared>> -> memref<128xf32, #tpu.memory_space<vmem_shared>>
        tpu.wait_dma2 semaphore(%run_scoped3A : memref<!tpu.dma_semaphore, #tpu.memory_space<semaphore_mem>>) src(%arg16 : memref<128xf32, #tpu.memory_space<vmem>>) dst(%dma_wait3A_222 : memref<128xf32, #tpu.memory_space<vmem_shared>>)
        tpu.yield
      }) : () -> ()
    }
    %scan3A_198 = arith.constant 34 : i32
    %barrier3A_199 = arith.constant 0 : index
    tpu.barrier barrier_id(%barrier3A_199)
    %scan3A_200 = arith.constant 0 : i32
    %scan3A_201 = arith.constant 0 : i32
    %scan3A_202 = arith.constant 64 : i32
    %scan3A_203 = arith.addi %scan3A_201, %scan3A_202 : i32
    %scan3A_204 = arith.constant 1 : i32
    scf.for %scan3A_214 = %scan3A_201 to %scan3A_203 step %scan3A_204  : i32 {
      %mul3A_215 = arith.constant 256 : i32
      %mul3A_216 = arith.muli %scan3A_214, %mul3A_215 : i32
      %add3A_217 = arith.addi %mul3A_129, %mul3A_216 : i32
      "tpu.region"() ({
        %run_scoped3A = tpu.sem_alloc : memref<!tpu.dma_semaphore, #tpu.memory_space<semaphore_mem>>
        %dma_start3A = tpu.memref_slice %arg2[%add3A_217] : memref<262144xi32, #tpu.memory_space<hbm>> -> memref<256xi32, #tpu.memory_space<hbm>>
        %dma_start3A_224 = tpu.memref_slice %arg2[%add3A_217] : memref<262144xi32, #tpu.memory_space<hbm>> -> memref<256xi32, #tpu.memory_space<hbm>>
        tpu.enqueue_dma source(%dma_start3A_224 : memref<256xi32, #tpu.memory_space<hbm>>) target(%arg11 : memref<256xi32, #tpu.memory_space<vmem>>) target_semaphore(%run_scoped3A : memref<!tpu.dma_semaphore, #tpu.memory_space<semaphore_mem>>)
        %dma_wait3A = tpu.memref_slice %arg2[%add3A_217] : memref<262144xi32, #tpu.memory_space<hbm>> -> memref<256xi32, #tpu.memory_space<hbm>>
        %dma_wait3A_225 = tpu.memref_slice %arg2[%add3A_217] : memref<262144xi32, #tpu.memory_space<hbm>> -> memref<256xi32, #tpu.memory_space<hbm>>
        tpu.wait_dma2 semaphore(%run_scoped3A : memref<!tpu.dma_semaphore, #tpu.memory_space<semaphore_mem>>) src(%dma_wait3A_225 : memref<256xi32, #tpu.memory_space<hbm>>) dst(%arg11 : memref<256xi32, #tpu.memory_space<vmem>>)
        tpu.yield
      }) : () -> ()
      "tpu.region"() ({
        %run_scoped3A = tpu.sem_alloc : memref<!tpu.dma_semaphore, #tpu.memory_space<semaphore_mem>>
        %dma_start3A = tpu.memref_slice %arg3[%add3A_217] : memref<262144xi32, #tpu.memory_space<hbm>> -> memref<256xi32, #tpu.memory_space<hbm>>
        %dma_start3A_224 = tpu.memref_slice %arg3[%add3A_217] : memref<262144xi32, #tpu.memory_space<hbm>> -> memref<256xi32, #tpu.memory_space<hbm>>
        tpu.enqueue_dma source(%dma_start3A_224 : memref<256xi32, #tpu.memory_space<hbm>>) target(%arg12 : memref<256xi32, #tpu.memory_space<vmem>>) target_semaphore(%run_scoped3A : memref<!tpu.dma_semaphore, #tpu.memory_space<semaphore_mem>>)
        %dma_wait3A = tpu.memref_slice %arg3[%add3A_217] : memref<262144xi32, #tpu.memory_space<hbm>> -> memref<256xi32, #tpu.memory_space<hbm>>
        %dma_wait3A_225 = tpu.memref_slice %arg3[%add3A_217] : memref<262144xi32, #tpu.memory_space<hbm>> -> memref<256xi32, #tpu.memory_space<hbm>>
        tpu.wait_dma2 semaphore(%run_scoped3A : memref<!tpu.dma_semaphore, #tpu.memory_space<semaphore_mem>>) src(%dma_wait3A_225 : memref<256xi32, #tpu.memory_space<hbm>>) dst(%arg12 : memref<256xi32, #tpu.memory_space<vmem>>)
        tpu.yield
      }) : () -> ()
      "tpu.region"() ({
        %run_scoped3A = tpu.sem_alloc : memref<!tpu.dma_semaphore, #tpu.memory_space<semaphore_mem>>
        %dma_start3A = tpu.memref_slice %arg4[%add3A_217] : memref<262144xi32, #tpu.memory_space<hbm>> -> memref<256xi32, #tpu.memory_space<hbm>>
        %dma_start3A_224 = tpu.memref_slice %arg4[%add3A_217] : memref<262144xi32, #tpu.memory_space<hbm>> -> memref<256xi32, #tpu.memory_space<hbm>>
        tpu.enqueue_dma source(%dma_start3A_224 : memref<256xi32, #tpu.memory_space<hbm>>) target(%arg13 : memref<256xi32, #tpu.memory_space<vmem>>) target_semaphore(%run_scoped3A : memref<!tpu.dma_semaphore, #tpu.memory_space<semaphore_mem>>)
        %dma_wait3A = tpu.memref_slice %arg4[%add3A_217] : memref<262144xi32, #tpu.memory_space<hbm>> -> memref<256xi32, #tpu.memory_space<hbm>>
        %dma_wait3A_225 = tpu.memref_slice %arg4[%add3A_217] : memref<262144xi32, #tpu.memory_space<hbm>> -> memref<256xi32, #tpu.memory_space<hbm>>
        tpu.wait_dma2 semaphore(%run_scoped3A : memref<!tpu.dma_semaphore, #tpu.memory_space<semaphore_mem>>) src(%dma_wait3A_225 : memref<256xi32, #tpu.memory_space<hbm>>) dst(%arg13 : memref<256xi32, #tpu.memory_space<vmem>>)
        tpu.yield
      }) : () -> ()
      %scan3A_218 = arith.constant 0 : i32
      %scan3A_219 = arith.constant 0 : i32
      %scan3A_220 = arith.constant 8 : i32
      %scan3A_221 = arith.addi %scan3A_219, %scan3A_220 : i32
      %scan3A_222 = arith.constant 1 : i32
      scf.for %scan3A_224 = %scan3A_219 to %scan3A_221 step %scan3A_222  : i32 {
        %mul3A_225 = arith.constant 32 : i32
        %mul3A_226 = arith.muli %scan3A_224, %mul3A_225 : i32
        %add3A_227 = arith.addi %add3A_217, %mul3A_226 : i32
        %mul3A_228 = arith.constant 8 : i32
        %mul3A_229 = arith.muli %add3A_227, %mul3A_228 : i32
        %dma_start3A = arith.constant 0 : i32
        %dma_start3A_230 = tpu.memref_slice %arg5[%mul3A_229, %dma_start3A] : memref<2097152x10xf32, #tpu.memory_space<hbm>> -> memref<128x10xf32, #tpu.memory_space<hbm>>
        %dma_start3A_231 = arith.constant 0 : i32
        %dma_start3A_232 = tpu.memref_slice %arg5[%mul3A_229, %dma_start3A_231] : memref<2097152x10xf32, #tpu.memory_space<hbm>> -> memref<128x10xf32, #tpu.memory_space<hbm>>
        tpu.enqueue_dma source(%dma_start3A_232 : memref<128x10xf32, #tpu.memory_space<hbm>>) target(%arg9 : memref<128x10xf32, #tpu.memory_space<vmem>>) target_semaphore(%arg17 : memref<!tpu.dma_semaphore, #tpu.memory_space<semaphore_mem>>)
        %add3A_233 = arith.constant 128 : i32
        %add3A_234 = arith.addi %mul3A_229, %add3A_233 : i32
        %dma_start3A_235 = arith.constant 0 : i32
        %dma_start3A_236 = tpu.memref_slice %arg5[%add3A_234, %dma_start3A_235] : memref<2097152x10xf32, #tpu.memory_space<hbm>> -> memref<128x10xf32, #tpu.memory_space<hbm>>
        %dma_start3A_237 = arith.constant 0 : i32
        %dma_start3A_238 = tpu.memref_slice %arg5[%add3A_234, %dma_start3A_237] : memref<2097152x10xf32, #tpu.memory_space<hbm>> -> memref<128x10xf32, #tpu.memory_space<hbm>>
        tpu.enqueue_dma source(%dma_start3A_238 : memref<128x10xf32, #tpu.memory_space<hbm>>) target(%arg10 : memref<128x10xf32, #tpu.memory_space<vmem>>) target_semaphore(%arg17 : memref<!tpu.dma_semaphore, #tpu.memory_space<semaphore_mem>>)
        %get3A = arith.index_cast %mul3A_226 : i32 to index
        %get3A_239 = tpu.vector_load %arg11[%get3A] {strides = array<i32>} : memref<256xi32, #tpu.memory_space<vmem>>, vector<16xi32>,
        %get3A_240 = arith.index_cast %mul3A_226 : i32 to index
        %get3A_241 = tpu.vector_load %arg12[%get3A_240] {strides = array<i32>} : memref<256xi32, #tpu.memory_space<vmem>>, vector<16xi32>,
        %get3A_242 = arith.index_cast %mul3A_226 : i32 to index
        %get3A_243 = tpu.vector_load %arg13[%get3A_242] {strides = array<i32>} : memref<256xi32, #tpu.memory_space<vmem>>, vector<16xi32>,
        %mul3A_244 = arith.constant 4225 : i32
        %mul3A_245 = vector.broadcast %mul3A_244 : i32 to vector<16xi32>
        %mul3A_246 = arith.muli %get3A_239, %mul3A_245 : vector<16xi32>
        %mul3A_247 = arith.constant 65 : i32
        %mul3A_248 = vector.broadcast %mul3A_247 : i32 to vector<16xi32>
        %mul3A_249 = arith.muli %get3A_241, %mul3A_248 : vector<16xi32>
        %add3A_250 = arith.addi %mul3A_246, %mul3A_249 : vector<16xi32>
        %add3A_251 = arith.addi %add3A_250, %get3A_243 : vector<16xi32>
        %sub3A_252 = vector.broadcast %mul3A_182 : i32 to vector<16xi32>
        %sub3A_253 = arith.subi %add3A_251, %sub3A_252 : vector<16xi32>
        %broadcast_in_dim3A_254 = vector.shape_cast %select_n3A : vector<16xi32> to vector<16x1xi32>
        %gather3A = vector.shape_cast %broadcast_in_dim3A_254 : vector<16x1xi32> to vector<16xi32>
        %gather3A_255 = tpu.dynamic_gather %sub3A_253[%gather3A] in [0] : vector<16xi32>, vector<16xi32> -> vector<16xi32>
        %add3A_256 = arith.addi %gather3A_255, %add3A_96 : vector<16xi32>
        %bitcast3A = vector.bitcast %add3A_256 : vector<16xi32> to vector<16xi32>
        %lt3A_257 = vector.broadcast %min3A_186 : i32 to vector<16xi32>
        %lt3A_258 = arith.cmpi ult, %bitcast3A, %lt3A_257 : vector<16xi32>
        %mul3A_259 = arith.constant 8 : i32
        %mul3A_260 = arith.muli %scan3A_224, %mul3A_259 : i32
        %add3A_261 = arith.constant 0 : i32
        %add3A_262 = arith.addi %mul3A_260, %add3A_261 : i32
        %jit3A_263 = arith.constant 16 : i32
        %eq3A_264 = arith.constant 0 : i32
        %eq3A_265 = arith.cmpi eq, %jit3A_263, %eq3A_264 : i32
        %jit3A_266 = arith.constant 1 : i32
        %select_n3A_267 = arith.select %eq3A_265, %jit3A_266, %jit3A_263 : i32
        %rem3A_268 = arith.remsi %add3A_262, %select_n3A_267 : i32
        %ne3A_269 = arith.constant 0 : i32
        %ne3A_270 = arith.cmpi ne, %rem3A_268, %ne3A_269 : i32
        %lt3A_271 = arith.constant 0 : i32
        %lt3A_272 = arith.cmpi slt, %rem3A_268, %lt3A_271 : i32
        %lt3A_273 = arith.constant 0 : i32
        %lt3A_274 = arith.cmpi slt, %select_n3A_267, %lt3A_273 : i32
        %ne3A_275 = arith.xori %lt3A_272, %lt3A_274 : i1
        %and3A_276 = arith.andi %ne3A_275, %ne3A_270 : i1
        %add3A_277 = arith.addi %rem3A_268, %select_n3A_267 : i32
        %select_n3A_278 = arith.select %and3A_276, %add3A_277, %rem3A_268 : i32
        %mul3A_279 = arith.constant 16 : i32
        %mul3A_280 = arith.muli %select_n3A_278, %mul3A_279 : i32
        %add3A_281 = arith.constant 68736 : i32
        %add3A_282 = arith.addi %add3A_281, %mul3A_280 : i32
        %add3A_283 = vector.broadcast %add3A_282 : i32 to vector<16xi32>
        %add3A_284 = arith.addi %add3A_283, %iota3A : vector<16xi32>
        %select_n3A_285 = arith.select %lt3A_258, %add3A_256, %add3A_284 : vector<16xi1>, vector<16xi32>
        %swap3A_286 = arith.constant 0 : i32
        %swap3A_287 = arith.constant 0 : i32
        %swap3A_288 = tpu.memref_slice %arg14[%swap3A_286, %swap3A_287] : memref<2x128xi32, #tpu.memory_space<vmem>> -> memref<1x128xi32, #tpu.memory_space<vmem>>
        %swap3A_289 = tpu.memref_squeeze %swap3A_288 : memref<1x128xi32, #tpu.memory_space<vmem>> -> memref<128xi32, #tpu.memory_space<vmem>>
        %swap3A_290 = arith.constant 0 : index
        %swap3A_291 = tpu.vector_load %swap3A_289[%swap3A_290] {strides = array<i32>} : memref<128xi32, #tpu.memory_space<vmem>>, vector<16xi32>,
        tpu.vector_store %swap3A_289[%swap3A_290], %select_n3A_285 {strides = array<i32>} : memref<128xi32, #tpu.memory_space<vmem>>, vector<16xi32>,
        %broadcast_in_dim3A_292 = vector.shape_cast %select_n3A_13 : vector<16xi32> to vector<16x1xi32>
        %gather3A_293 = vector.shape_cast %broadcast_in_dim3A_292 : vector<16x1xi32> to vector<16xi32>
        %gather3A_294 = tpu.dynamic_gather %sub3A_253[%gather3A_293] in [0] : vector<16xi32>, vector<16xi32> -> vector<16xi32>
        %add3A_295 = arith.addi %gather3A_294, %add3A_96 : vector<16xi32>
        %bitcast3A_296 = vector.bitcast %add3A_295 : vector<16xi32> to vector<16xi32>
        %lt3A_297 = vector.broadcast %min3A_186 : i32 to vector<16xi32>
        %lt3A_298 = arith.cmpi ult, %bitcast3A_296, %lt3A_297 : vector<16xi32>
        %mul3A_299 = arith.constant 8 : i32
        %mul3A_300 = arith.muli %scan3A_224, %mul3A_299 : i32
        %add3A_301 = arith.constant 1 : i32
        %add3A_302 = arith.addi %mul3A_300, %add3A_301 : i32
        %jit3A_303 = arith.constant 16 : i32
        %eq3A_304 = arith.constant 0 : i32
        %eq3A_305 = arith.cmpi eq, %jit3A_303, %eq3A_304 : i32
        %jit3A_306 = arith.constant 1 : i32
        %select_n3A_307 = arith.select %eq3A_305, %jit3A_306, %jit3A_303 : i32
        %rem3A_308 = arith.remsi %add3A_302, %select_n3A_307 : i32
        %ne3A_309 = arith.constant 0 : i32
        %ne3A_310 = arith.cmpi ne, %rem3A_308, %ne3A_309 : i32
        %lt3A_311 = arith.constant 0 : i32
        %lt3A_312 = arith.cmpi slt, %rem3A_308, %lt3A_311 : i32
        %lt3A_313 = arith.constant 0 : i32
        %lt3A_314 = arith.cmpi slt, %select_n3A_307, %lt3A_313 : i32
        %ne3A_315 = arith.xori %lt3A_312, %lt3A_314 : i1
        %and3A_316 = arith.andi %ne3A_315, %ne3A_310 : i1
        %add3A_317 = arith.addi %rem3A_308, %select_n3A_307 : i32
        %select_n3A_318 = arith.select %and3A_316, %add3A_317, %rem3A_308 : i32
        %mul3A_319 = arith.constant 16 : i32
        %mul3A_320 = arith.muli %select_n3A_318, %mul3A_319 : i32
        %add3A_321 = arith.constant 68736 : i32
        %add3A_322 = arith.addi %add3A_321, %mul3A_320 : i32
        %add3A_323 = vector.broadcast %add3A_322 : i32 to vector<16xi32>
        %add3A_324 = arith.addi %add3A_323, %iota3A : vector<16xi32>
        %select_n3A_325 = arith.select %lt3A_298, %add3A_295, %add3A_324 : vector<16xi1>, vector<16xi32>
        %swap3A_326 = arith.constant 0 : i32
        %swap3A_327 = arith.constant 0 : i32
        %swap3A_328 = tpu.memref_slice %arg14[%swap3A_326, %swap3A_327] : memref<2x128xi32, #tpu.memory_space<vmem>> -> memref<1x128xi32, #tpu.memory_space<vmem>>
        %swap3A_329 = tpu.memref_squeeze %swap3A_328 : memref<1x128xi32, #tpu.memory_space<vmem>> -> memref<128xi32, #tpu.memory_space<vmem>>
        %swap3A_330 = arith.constant 16 : index
        %swap3A_331 = tpu.vector_load %swap3A_329[%swap3A_330] {strides = array<i32>} : memref<128xi32, #tpu.memory_space<vmem>>, vector<16xi32>,
        tpu.vector_store %swap3A_329[%swap3A_330], %select_n3A_325 {strides = array<i32>} : memref<128xi32, #tpu.memory_space<vmem>>, vector<16xi32>,
        %broadcast_in_dim3A_332 = vector.shape_cast %select_n3A_21 : vector<16xi32> to vector<16x1xi32>
        %gather3A_333 = vector.shape_cast %broadcast_in_dim3A_332 : vector<16x1xi32> to vector<16xi32>
        %gather3A_334 = tpu.dynamic_gather %sub3A_253[%gather3A_333] in [0] : vector<16xi32>, vector<16xi32> -> vector<16xi32>
        %add3A_335 = arith.addi %gather3A_334, %add3A_96 : vector<16xi32>
        %bitcast3A_336 = vector.bitcast %add3A_335 : vector<16xi32> to vector<16xi32>
        %lt3A_337 = vector.broadcast %min3A_186 : i32 to vector<16xi32>
        %lt3A_338 = arith.cmpi ult, %bitcast3A_336, %lt3A_337 : vector<16xi32>
        %mul3A_339 = arith.constant 8 : i32
        %mul3A_340 = arith.muli %scan3A_224, %mul3A_339 : i32
        %add3A_341 = arith.constant 2 : i32
        %add3A_342 = arith.addi %mul3A_340, %add3A_341 : i32
        %jit3A_343 = arith.constant 16 : i32
        %eq3A_344 = arith.constant 0 : i32
        %eq3A_345 = arith.cmpi eq, %jit3A_343, %eq3A_344 : i32
        %jit3A_346 = arith.constant 1 : i32
        %select_n3A_347 = arith.select %eq3A_345, %jit3A_346, %jit3A_343 : i32
        %rem3A_348 = arith.remsi %add3A_342, %select_n3A_347 : i32
        %ne3A_349 = arith.constant 0 : i32
        %ne3A_350 = arith.cmpi ne, %rem3A_348, %ne3A_349 : i32
        %lt3A_351 = arith.constant 0 : i32
        %lt3A_352 = arith.cmpi slt, %rem3A_348, %lt3A_351 : i32
        %lt3A_353 = arith.constant 0 : i32
        %lt3A_354 = arith.cmpi slt, %select_n3A_347, %lt3A_353 : i32
        %ne3A_355 = arith.xori %lt3A_352, %lt3A_354 : i1
        %and3A_356 = arith.andi %ne3A_355, %ne3A_350 : i1
        %add3A_357 = arith.addi %rem3A_348, %select_n3A_347 : i32
        %select_n3A_358 = arith.select %and3A_356, %add3A_357, %rem3A_348 : i32
        %mul3A_359 = arith.constant 16 : i32
        %mul3A_360 = arith.muli %select_n3A_358, %mul3A_359 : i32
        %add3A_361 = arith.constant 68736 : i32
        %add3A_362 = arith.addi %add3A_361, %mul3A_360 : i32
        %add3A_363 = vector.broadcast %add3A_362 : i32 to vector<16xi32>
        %add3A_364 = arith.addi %add3A_363, %iota3A : vector<16xi32>
        %select_n3A_365 = arith.select %lt3A_338, %add3A_335, %add3A_364 : vector<16xi1>, vector<16xi32>
        %swap3A_366 = arith.constant 0 : i32
        %swap3A_367 = arith.constant 0 : i32
        %swap3A_368 = tpu.memref_slice %arg14[%swap3A_366, %swap3A_367] : memref<2x128xi32, #tpu.memory_space<vmem>> -> memref<1x128xi32, #tpu.memory_space<vmem>>
        %swap3A_369 = tpu.memref_squeeze %swap3A_368 : memref<1x128xi32, #tpu.memory_space<vmem>> -> memref<128xi32, #tpu.memory_space<vmem>>
        %swap3A_370 = arith.constant 32 : index
        %swap3A_371 = tpu.vector_load %swap3A_369[%swap3A_370] {strides = array<i32>} : memref<128xi32, #tpu.memory_space<vmem>>, vector<16xi32>,
        tpu.vector_store %swap3A_369[%swap3A_370], %select_n3A_365 {strides = array<i32>} : memref<128xi32, #tpu.memory_space<vmem>>, vector<16xi32>,
        %broadcast_in_dim3A_372 = vector.shape_cast %select_n3A_29 : vector<16xi32> to vector<16x1xi32>
        %gather3A_373 = vector.shape_cast %broadcast_in_dim3A_372 : vector<16x1xi32> to vector<16xi32>
        %gather3A_374 = tpu.dynamic_gather %sub3A_253[%gather3A_373] in [0] : vector<16xi32>, vector<16xi32> -> vector<16xi32>
        %add3A_375 = arith.addi %gather3A_374, %add3A_96 : vector<16xi32>
        %bitcast3A_376 = vector.bitcast %add3A_375 : vector<16xi32> to vector<16xi32>
        %lt3A_377 = vector.broadcast %min3A_186 : i32 to vector<16xi32>
        %lt3A_378 = arith.cmpi ult, %bitcast3A_376, %lt3A_377 : vector<16xi32>
        %mul3A_379 = arith.constant 8 : i32
        %mul3A_380 = arith.muli %scan3A_224, %mul3A_379 : i32
        %add3A_381 = arith.constant 3 : i32
        %add3A_382 = arith.addi %mul3A_380, %add3A_381 : i32
        %jit3A_383 = arith.constant 16 : i32
        %eq3A_384 = arith.constant 0 : i32
        %eq3A_385 = arith.cmpi eq, %jit3A_383, %eq3A_384 : i32
        %jit3A_386 = arith.constant 1 : i32
        %select_n3A_387 = arith.select %eq3A_385, %jit3A_386, %jit3A_383 : i32
        %rem3A_388 = arith.remsi %add3A_382, %select_n3A_387 : i32
        %ne3A_389 = arith.constant 0 : i32
        %ne3A_390 = arith.cmpi ne, %rem3A_388, %ne3A_389 : i32
        %lt3A_391 = arith.constant 0 : i32
        %lt3A_392 = arith.cmpi slt, %rem3A_388, %lt3A_391 : i32
        %lt3A_393 = arith.constant 0 : i32
        %lt3A_394 = arith.cmpi slt, %select_n3A_387, %lt3A_393 : i32
        %ne3A_395 = arith.xori %lt3A_392, %lt3A_394 : i1
        %and3A_396 = arith.andi %ne3A_395, %ne3A_390 : i1
        %add3A_397 = arith.addi %rem3A_388, %select_n3A_387 : i32
        %select_n3A_398 = arith.select %and3A_396, %add3A_397, %rem3A_388 : i32
        %mul3A_399 = arith.constant 16 : i32
        %mul3A_400 = arith.muli %select_n3A_398, %mul3A_399 : i32
        %add3A_401 = arith.constant 68736 : i32
        %add3A_402 = arith.addi %add3A_401, %mul3A_400 : i32
        %add3A_403 = vector.broadcast %add3A_402 : i32 to vector<16xi32>
        %add3A_404 = arith.addi %add3A_403, %iota3A : vector<16xi32>
        %select_n3A_405 = arith.select %lt3A_378, %add3A_375, %add3A_404 : vector<16xi1>, vector<16xi32>
        %swap3A_406 = arith.constant 0 : i32
        %swap3A_407 = arith.constant 0 : i32
        %swap3A_408 = tpu.memref_slice %arg14[%swap3A_406, %swap3A_407] : memref<2x128xi32, #tpu.memory_space<vmem>> -> memref<1x128xi32, #tpu.memory_space<vmem>>
        %swap3A_409 = tpu.memref_squeeze %swap3A_408 : memref<1x128xi32, #tpu.memory_space<vmem>> -> memref<128xi32, #tpu.memory_space<vmem>>
        %swap3A_410 = arith.constant 48 : index
        %swap3A_411 = tpu.vector_load %swap3A_409[%swap3A_410] {strides = array<i32>} : memref<128xi32, #tpu.memory_space<vmem>>, vector<16xi32>,
        tpu.vector_store %swap3A_409[%swap3A_410], %select_n3A_405 {strides = array<i32>} : memref<128xi32, #tpu.memory_space<vmem>>, vector<16xi32>,
        %broadcast_in_dim3A_412 = vector.shape_cast %select_n3A_37 : vector<16xi32> to vector<16x1xi32>
        %gather3A_413 = vector.shape_cast %broadcast_in_dim3A_412 : vector<16x1xi32> to vector<16xi32>
        %gather3A_414 = tpu.dynamic_gather %sub3A_253[%gather3A_413] in [0] : vector<16xi32>, vector<16xi32> -> vector<16xi32>
        %add3A_415 = arith.addi %gather3A_414, %add3A_96 : vector<16xi32>
        %bitcast3A_416 = vector.bitcast %add3A_415 : vector<16xi32> to vector<16xi32>
        %lt3A_417 = vector.broadcast %min3A_186 : i32 to vector<16xi32>
        %lt3A_418 = arith.cmpi ult, %bitcast3A_416, %lt3A_417 : vector<16xi32>
        %mul3A_419 = arith.constant 8 : i32
        %mul3A_420 = arith.muli %scan3A_224, %mul3A_419 : i32
        %add3A_421 = arith.constant 4 : i32
        %add3A_422 = arith.addi %mul3A_420, %add3A_421 : i32
        %jit3A_423 = arith.constant 16 : i32
        %eq3A_424 = arith.constant 0 : i32
        %eq3A_425 = arith.cmpi eq, %jit3A_423, %eq3A_424 : i32
        %jit3A_426 = arith.constant 1 : i32
        %select_n3A_427 = arith.select %eq3A_425, %jit3A_426, %jit3A_423 : i32
        %rem3A_428 = arith.remsi %add3A_422, %select_n3A_427 : i32
        %ne3A_429 = arith.constant 0 : i32
        %ne3A_430 = arith.cmpi ne, %rem3A_428, %ne3A_429 : i32
        %lt3A_431 = arith.constant 0 : i32
        %lt3A_432 = arith.cmpi slt, %rem3A_428, %lt3A_431 : i32
        %lt3A_433 = arith.constant 0 : i32
        %lt3A_434 = arith.cmpi slt, %select_n3A_427, %lt3A_433 : i32
        %ne3A_435 = arith.xori %lt3A_432, %lt3A_434 : i1
        %and3A_436 = arith.andi %ne3A_435, %ne3A_430 : i1
        %add3A_437 = arith.addi %rem3A_428, %select_n3A_427 : i32
        %select_n3A_438 = arith.select %and3A_436, %add3A_437, %rem3A_428 : i32
        %mul3A_439 = arith.constant 16 : i32
        %mul3A_440 = arith.muli %select_n3A_438, %mul3A_439 : i32
        %add3A_441 = arith.constant 68736 : i32
        %add3A_442 = arith.addi %add3A_441, %mul3A_440 : i32
        %add3A_443 = vector.broadcast %add3A_442 : i32 to vector<16xi32>
        %add3A_444 = arith.addi %add3A_443, %iota3A : vector<16xi32>
        %select_n3A_445 = arith.select %lt3A_418, %add3A_415, %add3A_444 : vector<16xi1>, vector<16xi32>
        %swap3A_446 = arith.constant 0 : i32
        %swap3A_447 = arith.constant 0 : i32
        %swap3A_448 = tpu.memref_slice %arg14[%swap3A_446, %swap3A_447] : memref<2x128xi32, #tpu.memory_space<vmem>> -> memref<1x128xi32, #tpu.memory_space<vmem>>
        %swap3A_449 = tpu.memref_squeeze %swap3A_448 : memref<1x128xi32, #tpu.memory_space<vmem>> -> memref<128xi32, #tpu.memory_space<vmem>>
        %swap3A_450 = arith.constant 64 : index
        %swap3A_451 = tpu.vector_load %swap3A_449[%swap3A_450] {strides = array<i32>} : memref<128xi32, #tpu.memory_space<vmem>>, vector<16xi32>,
        tpu.vector_store %swap3A_449[%swap3A_450], %select_n3A_445 {strides = array<i32>} : memref<128xi32, #tpu.memory_space<vmem>>, vector<16xi32>,
        %broadcast_in_dim3A_452 = vector.shape_cast %select_n3A_45 : vector<16xi32> to vector<16x1xi32>
        %gather3A_453 = vector.shape_cast %broadcast_in_dim3A_452 : vector<16x1xi32> to vector<16xi32>
        %gather3A_454 = tpu.dynamic_gather %sub3A_253[%gather3A_453] in [0] : vector<16xi32>, vector<16xi32> -> vector<16xi32>
        %add3A_455 = arith.addi %gather3A_454, %add3A_96 : vector<16xi32>
        %bitcast3A_456 = vector.bitcast %add3A_455 : vector<16xi32> to vector<16xi32>
        %lt3A_457 = vector.broadcast %min3A_186 : i32 to vector<16xi32>
        %lt3A_458 = arith.cmpi ult, %bitcast3A_456, %lt3A_457 : vector<16xi32>
        %mul3A_459 = arith.constant 8 : i32
        %mul3A_460 = arith.muli %scan3A_224, %mul3A_459 : i32
        %add3A_461 = arith.constant 5 : i32
        %add3A_462 = arith.addi %mul3A_460, %add3A_461 : i32
        %jit3A_463 = arith.constant 16 : i32
        %eq3A_464 = arith.constant 0 : i32
        %eq3A_465 = arith.cmpi eq, %jit3A_463, %eq3A_464 : i32
        %jit3A_466 = arith.constant 1 : i32
        %select_n3A_467 = arith.select %eq3A_465, %jit3A_466, %jit3A_463 : i32
        %rem3A_468 = arith.remsi %add3A_462, %select_n3A_467 : i32
        %ne3A_469 = arith.constant 0 : i32
        %ne3A_470 = arith.cmpi ne, %rem3A_468, %ne3A_469 : i32
        %lt3A_471 = arith.constant 0 : i32
        %lt3A_472 = arith.cmpi slt, %rem3A_468, %lt3A_471 : i32
        %lt3A_473 = arith.constant 0 : i32
        %lt3A_474 = arith.cmpi slt, %select_n3A_467, %lt3A_473 : i32
        %ne3A_475 = arith.xori %lt3A_472, %lt3A_474 : i1
        %and3A_476 = arith.andi %ne3A_475, %ne3A_470 : i1
        %add3A_477 = arith.addi %rem3A_468, %select_n3A_467 : i32
        %select_n3A_478 = arith.select %and3A_476, %add3A_477, %rem3A_468 : i32
        %mul3A_479 = arith.constant 16 : i32
        %mul3A_480 = arith.muli %select_n3A_478, %mul3A_479 : i32
        %add3A_481 = arith.constant 68736 : i32
        %add3A_482 = arith.addi %add3A_481, %mul3A_480 : i32
        %add3A_483 = vector.broadcast %add3A_482 : i32 to vector<16xi32>
        %add3A_484 = arith.addi %add3A_483, %iota3A : vector<16xi32>
        %select_n3A_485 = arith.select %lt3A_458, %add3A_455, %add3A_484 : vector<16xi1>, vector<16xi32>
        %swap3A_486 = arith.constant 0 : i32
        %swap3A_487 = arith.constant 0 : i32
        %swap3A_488 = tpu.memref_slice %arg14[%swap3A_486, %swap3A_487] : memref<2x128xi32, #tpu.memory_space<vmem>> -> memref<1x128xi32, #tpu.memory_space<vmem>>
        %swap3A_489 = tpu.memref_squeeze %swap3A_488 : memref<1x128xi32, #tpu.memory_space<vmem>> -> memref<128xi32, #tpu.memory_space<vmem>>
        %swap3A_490 = arith.constant 80 : index
        %swap3A_491 = tpu.vector_load %swap3A_489[%swap3A_490] {strides = array<i32>} : memref<128xi32, #tpu.memory_space<vmem>>, vector<16xi32>,
        tpu.vector_store %swap3A_489[%swap3A_490], %select_n3A_485 {strides = array<i32>} : memref<128xi32, #tpu.memory_space<vmem>>, vector<16xi32>,
        %broadcast_in_dim3A_492 = vector.shape_cast %select_n3A_53 : vector<16xi32> to vector<16x1xi32>
        %gather3A_493 = vector.shape_cast %broadcast_in_dim3A_492 : vector<16x1xi32> to vector<16xi32>
        %gather3A_494 = tpu.dynamic_gather %sub3A_253[%gather3A_493] in [0] : vector<16xi32>, vector<16xi32> -> vector<16xi32>
        %add3A_495 = arith.addi %gather3A_494, %add3A_96 : vector<16xi32>
        %bitcast3A_496 = vector.bitcast %add3A_495 : vector<16xi32> to vector<16xi32>
        %lt3A_497 = vector.broadcast %min3A_186 : i32 to vector<16xi32>
        %lt3A_498 = arith.cmpi ult, %bitcast3A_496, %lt3A_497 : vector<16xi32>
        %mul3A_499 = arith.constant 8 : i32
        %mul3A_500 = arith.muli %scan3A_224, %mul3A_499 : i32
        %add3A_501 = arith.constant 6 : i32
        %add3A_502 = arith.addi %mul3A_500, %add3A_501 : i32
        %jit3A_503 = arith.constant 16 : i32
        %eq3A_504 = arith.constant 0 : i32
        %eq3A_505 = arith.cmpi eq, %jit3A_503, %eq3A_504 : i32
        %jit3A_506 = arith.constant 1 : i32
        %select_n3A_507 = arith.select %eq3A_505, %jit3A_506, %jit3A_503 : i32
        %rem3A_508 = arith.remsi %add3A_502, %select_n3A_507 : i32
        %ne3A_509 = arith.constant 0 : i32
        %ne3A_510 = arith.cmpi ne, %rem3A_508, %ne3A_509 : i32
        %lt3A_511 = arith.constant 0 : i32
        %lt3A_512 = arith.cmpi slt, %rem3A_508, %lt3A_511 : i32
        %lt3A_513 = arith.constant 0 : i32
        %lt3A_514 = arith.cmpi slt, %select_n3A_507, %lt3A_513 : i32
        %ne3A_515 = arith.xori %lt3A_512, %lt3A_514 : i1
        %and3A_516 = arith.andi %ne3A_515, %ne3A_510 : i1
        %add3A_517 = arith.addi %rem3A_508, %select_n3A_507 : i32
        %select_n3A_518 = arith.select %and3A_516, %add3A_517, %rem3A_508 : i32
        %mul3A_519 = arith.constant 16 : i32
        %mul3A_520 = arith.muli %select_n3A_518, %mul3A_519 : i32
        %add3A_521 = arith.constant 68736 : i32
        %add3A_522 = arith.addi %add3A_521, %mul3A_520 : i32
        %add3A_523 = vector.broadcast %add3A_522 : i32 to vector<16xi32>
        %add3A_524 = arith.addi %add3A_523, %iota3A : vector<16xi32>
        %select_n3A_525 = arith.select %lt3A_498, %add3A_495, %add3A_524 : vector<16xi1>, vector<16xi32>
        %swap3A_526 = arith.constant 0 : i32
        %swap3A_527 = arith.constant 0 : i32
        %swap3A_528 = tpu.memref_slice %arg14[%swap3A_526, %swap3A_527] : memref<2x128xi32, #tpu.memory_space<vmem>> -> memref<1x128xi32, #tpu.memory_space<vmem>>
        %swap3A_529 = tpu.memref_squeeze %swap3A_528 : memref<1x128xi32, #tpu.memory_space<vmem>> -> memref<128xi32, #tpu.memory_space<vmem>>
        %swap3A_530 = arith.constant 96 : index
        %swap3A_531 = tpu.vector_load %swap3A_529[%swap3A_530] {strides = array<i32>} : memref<128xi32, #tpu.memory_space<vmem>>, vector<16xi32>,
        tpu.vector_store %swap3A_529[%swap3A_530], %select_n3A_525 {strides = array<i32>} : memref<128xi32, #tpu.memory_space<vmem>>, vector<16xi32>,
        %broadcast_in_dim3A_532 = vector.shape_cast %select_n3A_61 : vector<16xi32> to vector<16x1xi32>
        %gather3A_533 = vector.shape_cast %broadcast_in_dim3A_532 : vector<16x1xi32> to vector<16xi32>
        %gather3A_534 = tpu.dynamic_gather %sub3A_253[%gather3A_533] in [0] : vector<16xi32>, vector<16xi32> -> vector<16xi32>
        %add3A_535 = arith.addi %gather3A_534, %add3A_96 : vector<16xi32>
        %bitcast3A_536 = vector.bitcast %add3A_535 : vector<16xi32> to vector<16xi32>
        %lt3A_537 = vector.broadcast %min3A_186 : i32 to vector<16xi32>
        %lt3A_538 = arith.cmpi ult, %bitcast3A_536, %lt3A_537 : vector<16xi32>
        %mul3A_539 = arith.constant 8 : i32
        %mul3A_540 = arith.muli %scan3A_224, %mul3A_539 : i32
        %add3A_541 = arith.constant 7 : i32
        %add3A_542 = arith.addi %mul3A_540, %add3A_541 : i32
        %jit3A_543 = arith.constant 16 : i32
        %eq3A_544 = arith.constant 0 : i32
        %eq3A_545 = arith.cmpi eq, %jit3A_543, %eq3A_544 : i32
        %jit3A_546 = arith.constant 1 : i32
        %select_n3A_547 = arith.select %eq3A_545, %jit3A_546, %jit3A_543 : i32
        %rem3A_548 = arith.remsi %add3A_542, %select_n3A_547 : i32
        %ne3A_549 = arith.constant 0 : i32
        %ne3A_550 = arith.cmpi ne, %rem3A_548, %ne3A_549 : i32
        %lt3A_551 = arith.constant 0 : i32
        %lt3A_552 = arith.cmpi slt, %rem3A_548, %lt3A_551 : i32
        %lt3A_553 = arith.constant 0 : i32
        %lt3A_554 = arith.cmpi slt, %select_n3A_547, %lt3A_553 : i32
        %ne3A_555 = arith.xori %lt3A_552, %lt3A_554 : i1
        %and3A_556 = arith.andi %ne3A_555, %ne3A_550 : i1
        %add3A_557 = arith.addi %rem3A_548, %select_n3A_547 : i32
        %select_n3A_558 = arith.select %and3A_556, %add3A_557, %rem3A_548 : i32
        %mul3A_559 = arith.constant 16 : i32
        %mul3A_560 = arith.muli %select_n3A_558, %mul3A_559 : i32
        %add3A_561 = arith.constant 68736 : i32
        %add3A_562 = arith.addi %add3A_561, %mul3A_560 : i32
        %add3A_563 = vector.broadcast %add3A_562 : i32 to vector<16xi32>
        %add3A_564 = arith.addi %add3A_563, %iota3A : vector<16xi32>
        %select_n3A_565 = arith.select %lt3A_538, %add3A_535, %add3A_564 : vector<16xi1>, vector<16xi32>
        %swap3A_566 = arith.constant 0 : i32
        %swap3A_567 = arith.constant 0 : i32
        %swap3A_568 = tpu.memref_slice %arg14[%swap3A_566, %swap3A_567] : memref<2x128xi32, #tpu.memory_space<vmem>> -> memref<1x128xi32, #tpu.memory_space<vmem>>
        %swap3A_569 = tpu.memref_squeeze %swap3A_568 : memref<1x128xi32, #tpu.memory_space<vmem>> -> memref<128xi32, #tpu.memory_space<vmem>>
        %swap3A_570 = arith.constant 112 : index
        %swap3A_571 = tpu.vector_load %swap3A_569[%swap3A_570] {strides = array<i32>} : memref<128xi32, #tpu.memory_space<vmem>>, vector<16xi32>,
        tpu.vector_store %swap3A_569[%swap3A_570], %select_n3A_565 {strides = array<i32>} : memref<128xi32, #tpu.memory_space<vmem>>, vector<16xi32>,
        %dma_wait3A = arith.constant 0 : i32
        %dma_wait3A_572 = tpu.memref_slice %arg5[%mul3A_229, %dma_wait3A] : memref<2097152x10xf32, #tpu.memory_space<hbm>> -> memref<128x10xf32, #tpu.memory_space<hbm>>
        %dma_wait3A_573 = arith.constant 0 : i32
        %dma_wait3A_574 = tpu.memref_slice %arg5[%mul3A_229, %dma_wait3A_573] : memref<2097152x10xf32, #tpu.memory_space<hbm>> -> memref<128x10xf32, #tpu.memory_space<hbm>>
        tpu.wait_dma2 semaphore(%arg17 : memref<!tpu.dma_semaphore, #tpu.memory_space<semaphore_mem>>) src(%dma_wait3A_574 : memref<128x10xf32, #tpu.memory_space<hbm>>) dst(%arg9 : memref<128x10xf32, #tpu.memory_space<vmem>>)
        %dma_start3A_575 = arith.constant 0 : i32
        %dma_start3A_576 = arith.constant 0 : i32
        %dma_start3A_577 = tpu.memref_slice %arg14[%dma_start3A_575, %dma_start3A_576] : memref<2x128xi32, #tpu.memory_space<vmem>> -> memref<1x128xi32, #tpu.memory_space<vmem>>
        %dma_start3A_578 = tpu.memref_squeeze %dma_start3A_577 : memref<1x128xi32, #tpu.memory_space<vmem>> -> memref<128xi32, #tpu.memory_space<vmem>>
        %dma_start3A_579 = arith.constant 0 : i32
        %dma_start3A_580 = arith.constant 0 : i32
        %dma_start3A_581 = tpu.memref_slice %arg18[%dma_start3A_579, %dma_start3A_580] : memref<69632x10xf32, #tpu.memory_space<vmem_shared>> -> memref<69632x10xf32, #tpu.memory_space<vmem_shared>>
        tpu.enqueue_indirect_dma source(%arg9 : memref<128x10xf32, #tpu.memory_space<vmem>>) target(%dma_start3A_581 : memref<69632x10xf32, #tpu.memory_space<vmem_shared>>) offsets(%dma_start3A_578 : memref<128xi32, #tpu.memory_space<vmem>>) semaphore(%arg17 : memref<!tpu.dma_semaphore, #tpu.memory_space<semaphore_mem>>) {add = true}
        %dma_start3A_582 = arith.constant 0 : i32
        %dma_start3A_583 = arith.constant 0 : i32
        %dma_start3A_584 = tpu.memref_slice %arg14[%dma_start3A_582, %dma_start3A_583] : memref<2x128xi32, #tpu.memory_space<vmem>> -> memref<1x128xi32, #tpu.memory_space<vmem>>
        %dma_start3A_585 = tpu.memref_squeeze %dma_start3A_584 : memref<1x128xi32, #tpu.memory_space<vmem>> -> memref<128xi32, #tpu.memory_space<vmem>>
        %dma_start3A_586 = arith.constant 0 : i32
        %dma_start3A_587 = tpu.memref_slice %arg19[%dma_start3A_586] : memref<69632xf32, #tpu.memory_space<vmem_shared>> -> memref<69632xf32, #tpu.memory_space<vmem_shared>>
        tpu.enqueue_indirect_dma source(%arg15 : memref<128xf32, #tpu.memory_space<vmem>>) target(%dma_start3A_587 : memref<69632xf32, #tpu.memory_space<vmem_shared>>) offsets(%dma_start3A_585 : memref<128xi32, #tpu.memory_space<vmem>>) semaphore(%arg17 : memref<!tpu.dma_semaphore, #tpu.memory_space<semaphore_mem>>) {add = true}
        %add3A_588 = arith.constant 16 : i32
        %add3A_589 = arith.addi %mul3A_226, %add3A_588 : i32
        %add3A_590 = arith.constant 1 : i32
        %add3A_591 = arith.addi %scan3A_224, %add3A_590 : i32
        %get3A_592 = arith.index_cast %add3A_589 : i32 to index
        %get3A_593 = tpu.vector_load %arg11[%get3A_592] {strides = array<i32>} : memref<256xi32, #tpu.memory_space<vmem>>, vector<16xi32>,
        %get3A_594 = arith.index_cast %add3A_589 : i32 to index
        %get3A_595 = tpu.vector_load %arg12[%get3A_594] {strides = array<i32>} : memref<256xi32, #tpu.memory_space<vmem>>, vector<16xi32>,
        %get3A_596 = arith.index_cast %add3A_589 : i32 to index
        %get3A_597 = tpu.vector_load %arg13[%get3A_596] {strides = array<i32>} : memref<256xi32, #tpu.memory_space<vmem>>, vector<16xi32>,
        %mul3A_598 = arith.constant 4225 : i32
        %mul3A_599 = vector.broadcast %mul3A_598 : i32 to vector<16xi32>
        %mul3A_600 = arith.muli %get3A_593, %mul3A_599 : vector<16xi32>
        %mul3A_601 = arith.constant 65 : i32
        %mul3A_602 = vector.broadcast %mul3A_601 : i32 to vector<16xi32>
        %mul3A_603 = arith.muli %get3A_595, %mul3A_602 : vector<16xi32>
        %add3A_604 = arith.addi %mul3A_600, %mul3A_603 : vector<16xi32>
        %add3A_605 = arith.addi %add3A_604, %get3A_597 : vector<16xi32>
        %sub3A_606 = vector.broadcast %mul3A_182 : i32 to vector<16xi32>
        %sub3A_607 = arith.subi %add3A_605, %sub3A_606 : vector<16xi32>
        %broadcast_in_dim3A_608 = vector.shape_cast %select_n3A : vector<16xi32> to vector<16x1xi32>
        %gather3A_609 = vector.shape_cast %broadcast_in_dim3A_608 : vector<16x1xi32> to vector<16xi32>
        %gather3A_610 = tpu.dynamic_gather %sub3A_607[%gather3A_609] in [0] : vector<16xi32>, vector<16xi32> -> vector<16xi32>
        %add3A_611 = arith.addi %gather3A_610, %add3A_96 : vector<16xi32>
        %bitcast3A_612 = vector.bitcast %add3A_611 : vector<16xi32> to vector<16xi32>
        %lt3A_613 = vector.broadcast %min3A_186 : i32 to vector<16xi32>
        %lt3A_614 = arith.cmpi ult, %bitcast3A_612, %lt3A_613 : vector<16xi32>
        %mul3A_615 = arith.constant 8 : i32
        %mul3A_616 = arith.muli %add3A_591, %mul3A_615 : i32
        %add3A_617 = arith.constant 0 : i32
        %add3A_618 = arith.addi %mul3A_616, %add3A_617 : i32
        %jit3A_619 = arith.constant 16 : i32
        %eq3A_620 = arith.constant 0 : i32
        %eq3A_621 = arith.cmpi eq, %jit3A_619, %eq3A_620 : i32
        %jit3A_622 = arith.constant 1 : i32
        %select_n3A_623 = arith.select %eq3A_621, %jit3A_622, %jit3A_619 : i32
        %rem3A_624 = arith.remsi %add3A_618, %select_n3A_623 : i32
        %ne3A_625 = arith.constant 0 : i32
        %ne3A_626 = arith.cmpi ne, %rem3A_624, %ne3A_625 : i32
        %lt3A_627 = arith.constant 0 : i32
        %lt3A_628 = arith.cmpi slt, %rem3A_624, %lt3A_627 : i32
        %lt3A_629 = arith.constant 0 : i32
        %lt3A_630 = arith.cmpi slt, %select_n3A_623, %lt3A_629 : i32
        %ne3A_631 = arith.xori %lt3A_628, %lt3A_630 : i1
        %and3A_632 = arith.andi %ne3A_631, %ne3A_626 : i1
        %add3A_633 = arith.addi %rem3A_624, %select_n3A_623 : i32
        %select_n3A_634 = arith.select %and3A_632, %add3A_633, %rem3A_624 : i32
        %mul3A_635 = arith.constant 16 : i32
        %mul3A_636 = arith.muli %select_n3A_634, %mul3A_635 : i32
        %add3A_637 = arith.constant 68736 : i32
        %add3A_638 = arith.addi %add3A_637, %mul3A_636 : i32
        %add3A_639 = vector.broadcast %add3A_638 : i32 to vector<16xi32>
        %add3A_640 = arith.addi %add3A_639, %iota3A : vector<16xi32>
        %select_n3A_641 = arith.select %lt3A_614, %add3A_611, %add3A_640 : vector<16xi1>, vector<16xi32>
        %swap3A_642 = arith.constant 1 : i32
        %swap3A_643 = arith.constant 0 : i32
        %swap3A_644 = tpu.memref_slice %arg14[%swap3A_642, %swap3A_643] : memref<2x128xi32, #tpu.memory_space<vmem>> -> memref<1x128xi32, #tpu.memory_space<vmem>>
        %swap3A_645 = tpu.memref_squeeze %swap3A_644 : memref<1x128xi32, #tpu.memory_space<vmem>> -> memref<128xi32, #tpu.memory_space<vmem>>
        %swap3A_646 = arith.constant 0 : index
        %swap3A_647 = tpu.vector_load %swap3A_645[%swap3A_646] {strides = array<i32>} : memref<128xi32, #tpu.memory_space<vmem>>, vector<16xi32>,
        tpu.vector_store %swap3A_645[%swap3A_646], %select_n3A_641 {strides = array<i32>} : memref<128xi32, #tpu.memory_space<vmem>>, vector<16xi32>,
        %broadcast_in_dim3A_648 = vector.shape_cast %select_n3A_13 : vector<16xi32> to vector<16x1xi32>
        %gather3A_649 = vector.shape_cast %broadcast_in_dim3A_648 : vector<16x1xi32> to vector<16xi32>
        %gather3A_650 = tpu.dynamic_gather %sub3A_607[%gather3A_649] in [0] : vector<16xi32>, vector<16xi32> -> vector<16xi32>
        %add3A_651 = arith.addi %gather3A_650, %add3A_96 : vector<16xi32>
        %bitcast3A_652 = vector.bitcast %add3A_651 : vector<16xi32> to vector<16xi32>
        %lt3A_653 = vector.broadcast %min3A_186 : i32 to vector<16xi32>
        %lt3A_654 = arith.cmpi ult, %bitcast3A_652, %lt3A_653 : vector<16xi32>
        %mul3A_655 = arith.constant 8 : i32
        %mul3A_656 = arith.muli %add3A_591, %mul3A_655 : i32
        %add3A_657 = arith.constant 1 : i32
        %add3A_658 = arith.addi %mul3A_656, %add3A_657 : i32
        %jit3A_659 = arith.constant 16 : i32
        %eq3A_660 = arith.constant 0 : i32
        %eq3A_661 = arith.cmpi eq, %jit3A_659, %eq3A_660 : i32
        %jit3A_662 = arith.constant 1 : i32
        %select_n3A_663 = arith.select %eq3A_661, %jit3A_662, %jit3A_659 : i32
        %rem3A_664 = arith.remsi %add3A_658, %select_n3A_663 : i32
        %ne3A_665 = arith.constant 0 : i32
        %ne3A_666 = arith.cmpi ne, %rem3A_664, %ne3A_665 : i32
        %lt3A_667 = arith.constant 0 : i32
        %lt3A_668 = arith.cmpi slt, %rem3A_664, %lt3A_667 : i32
        %lt3A_669 = arith.constant 0 : i32
        %lt3A_670 = arith.cmpi slt, %select_n3A_663, %lt3A_669 : i32
        %ne3A_671 = arith.xori %lt3A_668, %lt3A_670 : i1
        %and3A_672 = arith.andi %ne3A_671, %ne3A_666 : i1
        %add3A_673 = arith.addi %rem3A_664, %select_n3A_663 : i32
        %select_n3A_674 = arith.select %and3A_672, %add3A_673, %rem3A_664 : i32
        %mul3A_675 = arith.constant 16 : i32
        %mul3A_676 = arith.muli %select_n3A_674, %mul3A_675 : i32
        %add3A_677 = arith.constant 68736 : i32
        %add3A_678 = arith.addi %add3A_677, %mul3A_676 : i32
        %add3A_679 = vector.broadcast %add3A_678 : i32 to vector<16xi32>
        %add3A_680 = arith.addi %add3A_679, %iota3A : vector<16xi32>
        %select_n3A_681 = arith.select %lt3A_654, %add3A_651, %add3A_680 : vector<16xi1>, vector<16xi32>
        %swap3A_682 = arith.constant 1 : i32
        %swap3A_683 = arith.constant 0 : i32
        %swap3A_684 = tpu.memref_slice %arg14[%swap3A_682, %swap3A_683] : memref<2x128xi32, #tpu.memory_space<vmem>> -> memref<1x128xi32, #tpu.memory_space<vmem>>
        %swap3A_685 = tpu.memref_squeeze %swap3A_684 : memref<1x128xi32, #tpu.memory_space<vmem>> -> memref<128xi32, #tpu.memory_space<vmem>>
        %swap3A_686 = arith.constant 16 : index
        %swap3A_687 = tpu.vector_load %swap3A_685[%swap3A_686] {strides = array<i32>} : memref<128xi32, #tpu.memory_space<vmem>>, vector<16xi32>,
        tpu.vector_store %swap3A_685[%swap3A_686], %select_n3A_681 {strides = array<i32>} : memref<128xi32, #tpu.memory_space<vmem>>, vector<16xi32>,
        %broadcast_in_dim3A_688 = vector.shape_cast %select_n3A_21 : vector<16xi32> to vector<16x1xi32>
        %gather3A_689 = vector.shape_cast %broadcast_in_dim3A_688 : vector<16x1xi32> to vector<16xi32>
        %gather3A_690 = tpu.dynamic_gather %sub3A_607[%gather3A_689] in [0] : vector<16xi32>, vector<16xi32> -> vector<16xi32>
        %add3A_691 = arith.addi %gather3A_690, %add3A_96 : vector<16xi32>
        %bitcast3A_692 = vector.bitcast %add3A_691 : vector<16xi32> to vector<16xi32>
        %lt3A_693 = vector.broadcast %min3A_186 : i32 to vector<16xi32>
        %lt3A_694 = arith.cmpi ult, %bitcast3A_692, %lt3A_693 : vector<16xi32>
        %mul3A_695 = arith.constant 8 : i32
        %mul3A_696 = arith.muli %add3A_591, %mul3A_695 : i32
        %add3A_697 = arith.constant 2 : i32
        %add3A_698 = arith.addi %mul3A_696, %add3A_697 : i32
        %jit3A_699 = arith.constant 16 : i32
        %eq3A_700 = arith.constant 0 : i32
        %eq3A_701 = arith.cmpi eq, %jit3A_699, %eq3A_700 : i32
        %jit3A_702 = arith.constant 1 : i32
        %select_n3A_703 = arith.select %eq3A_701, %jit3A_702, %jit3A_699 : i32
        %rem3A_704 = arith.remsi %add3A_698, %select_n3A_703 : i32
        %ne3A_705 = arith.constant 0 : i32
        %ne3A_706 = arith.cmpi ne, %rem3A_704, %ne3A_705 : i32
        %lt3A_707 = arith.constant 0 : i32
        %lt3A_708 = arith.cmpi slt, %rem3A_704, %lt3A_707 : i32
        %lt3A_709 = arith.constant 0 : i32
        %lt3A_710 = arith.cmpi slt, %select_n3A_703, %lt3A_709 : i32
        %ne3A_711 = arith.xori %lt3A_708, %lt3A_710 : i1
        %and3A_712 = arith.andi %ne3A_711, %ne3A_706 : i1
        %add3A_713 = arith.addi %rem3A_704, %select_n3A_703 : i32
        %select_n3A_714 = arith.select %and3A_712, %add3A_713, %rem3A_704 : i32
        %mul3A_715 = arith.constant 16 : i32
        %mul3A_716 = arith.muli %select_n3A_714, %mul3A_715 : i32
        %add3A_717 = arith.constant 68736 : i32
        %add3A_718 = arith.addi %add3A_717, %mul3A_716 : i32
        %add3A_719 = vector.broadcast %add3A_718 : i32 to vector<16xi32>
        %add3A_720 = arith.addi %add3A_719, %iota3A : vector<16xi32>
        %select_n3A_721 = arith.select %lt3A_694, %add3A_691, %add3A_720 : vector<16xi1>, vector<16xi32>
        %swap3A_722 = arith.constant 1 : i32
        %swap3A_723 = arith.constant 0 : i32
        %swap3A_724 = tpu.memref_slice %arg14[%swap3A_722, %swap3A_723] : memref<2x128xi32, #tpu.memory_space<vmem>> -> memref<1x128xi32, #tpu.memory_space<vmem>>
        %swap3A_725 = tpu.memref_squeeze %swap3A_724 : memref<1x128xi32, #tpu.memory_space<vmem>> -> memref<128xi32, #tpu.memory_space<vmem>>
        %swap3A_726 = arith.constant 32 : index
        %swap3A_727 = tpu.vector_load %swap3A_725[%swap3A_726] {strides = array<i32>} : memref<128xi32, #tpu.memory_space<vmem>>, vector<16xi32>,
        tpu.vector_store %swap3A_725[%swap3A_726], %select_n3A_721 {strides = array<i32>} : memref<128xi32, #tpu.memory_space<vmem>>, vector<16xi32>,
        %broadcast_in_dim3A_728 = vector.shape_cast %select_n3A_29 : vector<16xi32> to vector<16x1xi32>
        %gather3A_729 = vector.shape_cast %broadcast_in_dim3A_728 : vector<16x1xi32> to vector<16xi32>
        %gather3A_730 = tpu.dynamic_gather %sub3A_607[%gather3A_729] in [0] : vector<16xi32>, vector<16xi32> -> vector<16xi32>
        %add3A_731 = arith.addi %gather3A_730, %add3A_96 : vector<16xi32>
        %bitcast3A_732 = vector.bitcast %add3A_731 : vector<16xi32> to vector<16xi32>
        %lt3A_733 = vector.broadcast %min3A_186 : i32 to vector<16xi32>
        %lt3A_734 = arith.cmpi ult, %bitcast3A_732, %lt3A_733 : vector<16xi32>
        %mul3A_735 = arith.constant 8 : i32
        %mul3A_736 = arith.muli %add3A_591, %mul3A_735 : i32
        %add3A_737 = arith.constant 3 : i32
        %add3A_738 = arith.addi %mul3A_736, %add3A_737 : i32
        %jit3A_739 = arith.constant 16 : i32
        %eq3A_740 = arith.constant 0 : i32
        %eq3A_741 = arith.cmpi eq, %jit3A_739, %eq3A_740 : i32
        %jit3A_742 = arith.constant 1 : i32
        %select_n3A_743 = arith.select %eq3A_741, %jit3A_742, %jit3A_739 : i32
        %rem3A_744 = arith.remsi %add3A_738, %select_n3A_743 : i32
        %ne3A_745 = arith.constant 0 : i32
        %ne3A_746 = arith.cmpi ne, %rem3A_744, %ne3A_745 : i32
        %lt3A_747 = arith.constant 0 : i32
        %lt3A_748 = arith.cmpi slt, %rem3A_744, %lt3A_747 : i32
        %lt3A_749 = arith.constant 0 : i32
        %lt3A_750 = arith.cmpi slt, %select_n3A_743, %lt3A_749 : i32
        %ne3A_751 = arith.xori %lt3A_748, %lt3A_750 : i1
        %and3A_752 = arith.andi %ne3A_751, %ne3A_746 : i1
        %add3A_753 = arith.addi %rem3A_744, %select_n3A_743 : i32
        %select_n3A_754 = arith.select %and3A_752, %add3A_753, %rem3A_744 : i32
        %mul3A_755 = arith.constant 16 : i32
        %mul3A_756 = arith.muli %select_n3A_754, %mul3A_755 : i32
        %add3A_757 = arith.constant 68736 : i32
        %add3A_758 = arith.addi %add3A_757, %mul3A_756 : i32
        %add3A_759 = vector.broadcast %add3A_758 : i32 to vector<16xi32>
        %add3A_760 = arith.addi %add3A_759, %iota3A : vector<16xi32>
        %select_n3A_761 = arith.select %lt3A_734, %add3A_731, %add3A_760 : vector<16xi1>, vector<16xi32>
        %swap3A_762 = arith.constant 1 : i32
        %swap3A_763 = arith.constant 0 : i32
        %swap3A_764 = tpu.memref_slice %arg14[%swap3A_762, %swap3A_763] : memref<2x128xi32, #tpu.memory_space<vmem>> -> memref<1x128xi32, #tpu.memory_space<vmem>>
        %swap3A_765 = tpu.memref_squeeze %swap3A_764 : memref<1x128xi32, #tpu.memory_space<vmem>> -> memref<128xi32, #tpu.memory_space<vmem>>
        %swap3A_766 = arith.constant 48 : index
        %swap3A_767 = tpu.vector_load %swap3A_765[%swap3A_766] {strides = array<i32>} : memref<128xi32, #tpu.memory_space<vmem>>, vector<16xi32>,
        tpu.vector_store %swap3A_765[%swap3A_766], %select_n3A_761 {strides = array<i32>} : memref<128xi32, #tpu.memory_space<vmem>>, vector<16xi32>,
        %broadcast_in_dim3A_768 = vector.shape_cast %select_n3A_37 : vector<16xi32> to vector<16x1xi32>
        %gather3A_769 = vector.shape_cast %broadcast_in_dim3A_768 : vector<16x1xi32> to vector<16xi32>
        %gather3A_770 = tpu.dynamic_gather %sub3A_607[%gather3A_769] in [0] : vector<16xi32>, vector<16xi32> -> vector<16xi32>
        %add3A_771 = arith.addi %gather3A_770, %add3A_96 : vector<16xi32>
        %bitcast3A_772 = vector.bitcast %add3A_771 : vector<16xi32> to vector<16xi32>
        %lt3A_773 = vector.broadcast %min3A_186 : i32 to vector<16xi32>
        %lt3A_774 = arith.cmpi ult, %bitcast3A_772, %lt3A_773 : vector<16xi32>
        %mul3A_775 = arith.constant 8 : i32
        %mul3A_776 = arith.muli %add3A_591, %mul3A_775 : i32
        %add3A_777 = arith.constant 4 : i32
        %add3A_778 = arith.addi %mul3A_776, %add3A_777 : i32
        %jit3A_779 = arith.constant 16 : i32
        %eq3A_780 = arith.constant 0 : i32
        %eq3A_781 = arith.cmpi eq, %jit3A_779, %eq3A_780 : i32
        %jit3A_782 = arith.constant 1 : i32
        %select_n3A_783 = arith.select %eq3A_781, %jit3A_782, %jit3A_779 : i32
        %rem3A_784 = arith.remsi %add3A_778, %select_n3A_783 : i32
        %ne3A_785 = arith.constant 0 : i32
        %ne3A_786 = arith.cmpi ne, %rem3A_784, %ne3A_785 : i32
        %lt3A_787 = arith.constant 0 : i32
        %lt3A_788 = arith.cmpi slt, %rem3A_784, %lt3A_787 : i32
        %lt3A_789 = arith.constant 0 : i32
        %lt3A_790 = arith.cmpi slt, %select_n3A_783, %lt3A_789 : i32
        %ne3A_791 = arith.xori %lt3A_788, %lt3A_790 : i1
        %and3A_792 = arith.andi %ne3A_791, %ne3A_786 : i1
        %add3A_793 = arith.addi %rem3A_784, %select_n3A_783 : i32
        %select_n3A_794 = arith.select %and3A_792, %add3A_793, %rem3A_784 : i32
        %mul3A_795 = arith.constant 16 : i32
        %mul3A_796 = arith.muli %select_n3A_794, %mul3A_795 : i32
        %add3A_797 = arith.constant 68736 : i32
        %add3A_798 = arith.addi %add3A_797, %mul3A_796 : i32
        %add3A_799 = vector.broadcast %add3A_798 : i32 to vector<16xi32>
        %add3A_800 = arith.addi %add3A_799, %iota3A : vector<16xi32>
        %select_n3A_801 = arith.select %lt3A_774, %add3A_771, %add3A_800 : vector<16xi1>, vector<16xi32>
        %swap3A_802 = arith.constant 1 : i32
        %swap3A_803 = arith.constant 0 : i32
        %swap3A_804 = tpu.memref_slice %arg14[%swap3A_802, %swap3A_803] : memref<2x128xi32, #tpu.memory_space<vmem>> -> memref<1x128xi32, #tpu.memory_space<vmem>>
        %swap3A_805 = tpu.memref_squeeze %swap3A_804 : memref<1x128xi32, #tpu.memory_space<vmem>> -> memref<128xi32, #tpu.memory_space<vmem>>
        %swap3A_806 = arith.constant 64 : index
        %swap3A_807 = tpu.vector_load %swap3A_805[%swap3A_806] {strides = array<i32>} : memref<128xi32, #tpu.memory_space<vmem>>, vector<16xi32>,
        tpu.vector_store %swap3A_805[%swap3A_806], %select_n3A_801 {strides = array<i32>} : memref<128xi32, #tpu.memory_space<vmem>>, vector<16xi32>,
        %broadcast_in_dim3A_808 = vector.shape_cast %select_n3A_45 : vector<16xi32> to vector<16x1xi32>
        %gather3A_809 = vector.shape_cast %broadcast_in_dim3A_808 : vector<16x1xi32> to vector<16xi32>
        %gather3A_810 = tpu.dynamic_gather %sub3A_607[%gather3A_809] in [0] : vector<16xi32>, vector<16xi32> -> vector<16xi32>
        %add3A_811 = arith.addi %gather3A_810, %add3A_96 : vector<16xi32>
        %bitcast3A_812 = vector.bitcast %add3A_811 : vector<16xi32> to vector<16xi32>
        %lt3A_813 = vector.broadcast %min3A_186 : i32 to vector<16xi32>
        %lt3A_814 = arith.cmpi ult, %bitcast3A_812, %lt3A_813 : vector<16xi32>
        %mul3A_815 = arith.constant 8 : i32
        %mul3A_816 = arith.muli %add3A_591, %mul3A_815 : i32
        %add3A_817 = arith.constant 5 : i32
        %add3A_818 = arith.addi %mul3A_816, %add3A_817 : i32
        %jit3A_819 = arith.constant 16 : i32
        %eq3A_820 = arith.constant 0 : i32
        %eq3A_821 = arith.cmpi eq, %jit3A_819, %eq3A_820 : i32
        %jit3A_822 = arith.constant 1 : i32
        %select_n3A_823 = arith.select %eq3A_821, %jit3A_822, %jit3A_819 : i32
        %rem3A_824 = arith.remsi %add3A_818, %select_n3A_823 : i32
        %ne3A_825 = arith.constant 0 : i32
        %ne3A_826 = arith.cmpi ne, %rem3A_824, %ne3A_825 : i32
        %lt3A_827 = arith.constant 0 : i32
        %lt3A_828 = arith.cmpi slt, %rem3A_824, %lt3A_827 : i32
        %lt3A_829 = arith.constant 0 : i32
        %lt3A_830 = arith.cmpi slt, %select_n3A_823, %lt3A_829 : i32
        %ne3A_831 = arith.xori %lt3A_828, %lt3A_830 : i1
        %and3A_832 = arith.andi %ne3A_831, %ne3A_826 : i1
        %add3A_833 = arith.addi %rem3A_824, %select_n3A_823 : i32
        %select_n3A_834 = arith.select %and3A_832, %add3A_833, %rem3A_824 : i32
        %mul3A_835 = arith.constant 16 : i32
        %mul3A_836 = arith.muli %select_n3A_834, %mul3A_835 : i32
        %add3A_837 = arith.constant 68736 : i32
        %add3A_838 = arith.addi %add3A_837, %mul3A_836 : i32
        %add3A_839 = vector.broadcast %add3A_838 : i32 to vector<16xi32>
        %add3A_840 = arith.addi %add3A_839, %iota3A : vector<16xi32>
        %select_n3A_841 = arith.select %lt3A_814, %add3A_811, %add3A_840 : vector<16xi1>, vector<16xi32>
        %swap3A_842 = arith.constant 1 : i32
        %swap3A_843 = arith.constant 0 : i32
        %swap3A_844 = tpu.memref_slice %arg14[%swap3A_842, %swap3A_843] : memref<2x128xi32, #tpu.memory_space<vmem>> -> memref<1x128xi32, #tpu.memory_space<vmem>>
        %swap3A_845 = tpu.memref_squeeze %swap3A_844 : memref<1x128xi32, #tpu.memory_space<vmem>> -> memref<128xi32, #tpu.memory_space<vmem>>
        %swap3A_846 = arith.constant 80 : index
        %swap3A_847 = tpu.vector_load %swap3A_845[%swap3A_846] {strides = array<i32>} : memref<128xi32, #tpu.memory_space<vmem>>, vector<16xi32>,
        tpu.vector_store %swap3A_845[%swap3A_846], %select_n3A_841 {strides = array<i32>} : memref<128xi32, #tpu.memory_space<vmem>>, vector<16xi32>,
        %broadcast_in_dim3A_848 = vector.shape_cast %select_n3A_53 : vector<16xi32> to vector<16x1xi32>
        %gather3A_849 = vector.shape_cast %broadcast_in_dim3A_848 : vector<16x1xi32> to vector<16xi32>
        %gather3A_850 = tpu.dynamic_gather %sub3A_607[%gather3A_849] in [0] : vector<16xi32>, vector<16xi32> -> vector<16xi32>
        %add3A_851 = arith.addi %gather3A_850, %add3A_96 : vector<16xi32>
        %bitcast3A_852 = vector.bitcast %add3A_851 : vector<16xi32> to vector<16xi32>
        %lt3A_853 = vector.broadcast %min3A_186 : i32 to vector<16xi32>
        %lt3A_854 = arith.cmpi ult, %bitcast3A_852, %lt3A_853 : vector<16xi32>
        %mul3A_855 = arith.constant 8 : i32
        %mul3A_856 = arith.muli %add3A_591, %mul3A_855 : i32
        %add3A_857 = arith.constant 6 : i32
        %add3A_858 = arith.addi %mul3A_856, %add3A_857 : i32
        %jit3A_859 = arith.constant 16 : i32
        %eq3A_860 = arith.constant 0 : i32
        %eq3A_861 = arith.cmpi eq, %jit3A_859, %eq3A_860 : i32
        %jit3A_862 = arith.constant 1 : i32
        %select_n3A_863 = arith.select %eq3A_861, %jit3A_862, %jit3A_859 : i32
        %rem3A_864 = arith.remsi %add3A_858, %select_n3A_863 : i32
        %ne3A_865 = arith.constant 0 : i32
        %ne3A_866 = arith.cmpi ne, %rem3A_864, %ne3A_865 : i32
        %lt3A_867 = arith.constant 0 : i32
        %lt3A_868 = arith.cmpi slt, %rem3A_864, %lt3A_867 : i32
        %lt3A_869 = arith.constant 0 : i32
        %lt3A_870 = arith.cmpi slt, %select_n3A_863, %lt3A_869 : i32
        %ne3A_871 = arith.xori %lt3A_868, %lt3A_870 : i1
        %and3A_872 = arith.andi %ne3A_871, %ne3A_866 : i1
        %add3A_873 = arith.addi %rem3A_864, %select_n3A_863 : i32
        %select_n3A_874 = arith.select %and3A_872, %add3A_873, %rem3A_864 : i32
        %mul3A_875 = arith.constant 16 : i32
        %mul3A_876 = arith.muli %select_n3A_874, %mul3A_875 : i32
        %add3A_877 = arith.constant 68736 : i32
        %add3A_878 = arith.addi %add3A_877, %mul3A_876 : i32
        %add3A_879 = vector.broadcast %add3A_878 : i32 to vector<16xi32>
        %add3A_880 = arith.addi %add3A_879, %iota3A : vector<16xi32>
        %select_n3A_881 = arith.select %lt3A_854, %add3A_851, %add3A_880 : vector<16xi1>, vector<16xi32>
        %swap3A_882 = arith.constant 1 : i32
        %swap3A_883 = arith.constant 0 : i32
        %swap3A_884 = tpu.memref_slice %arg14[%swap3A_882, %swap3A_883] : memref<2x128xi32, #tpu.memory_space<vmem>> -> memref<1x128xi32, #tpu.memory_space<vmem>>
        %swap3A_885 = tpu.memref_squeeze %swap3A_884 : memref<1x128xi32, #tpu.memory_space<vmem>> -> memref<128xi32, #tpu.memory_space<vmem>>
        %swap3A_886 = arith.constant 96 : index
        %swap3A_887 = tpu.vector_load %swap3A_885[%swap3A_886] {strides = array<i32>} : memref<128xi32, #tpu.memory_space<vmem>>, vector<16xi32>,
        tpu.vector_store %swap3A_885[%swap3A_886], %select_n3A_881 {strides = array<i32>} : memref<128xi32, #tpu.memory_space<vmem>>, vector<16xi32>,
        %broadcast_in_dim3A_888 = vector.shape_cast %select_n3A_61 : vector<16xi32> to vector<16x1xi32>
        %gather3A_889 = vector.shape_cast %broadcast_in_dim3A_888 : vector<16x1xi32> to vector<16xi32>
        %gather3A_890 = tpu.dynamic_gather %sub3A_607[%gather3A_889] in [0] : vector<16xi32>, vector<16xi32> -> vector<16xi32>
        %add3A_891 = arith.addi %gather3A_890, %add3A_96 : vector<16xi32>
        %bitcast3A_892 = vector.bitcast %add3A_891 : vector<16xi32> to vector<16xi32>
        %lt3A_893 = vector.broadcast %min3A_186 : i32 to vector<16xi32>
        %lt3A_894 = arith.cmpi ult, %bitcast3A_892, %lt3A_893 : vector<16xi32>
        %mul3A_895 = arith.constant 8 : i32
        %mul3A_896 = arith.muli %add3A_591, %mul3A_895 : i32
        %add3A_897 = arith.constant 7 : i32
        %add3A_898 = arith.addi %mul3A_896, %add3A_897 : i32
        %jit3A_899 = arith.constant 16 : i32
        %eq3A_900 = arith.constant 0 : i32
        %eq3A_901 = arith.cmpi eq, %jit3A_899, %eq3A_900 : i32
        %jit3A_902 = arith.constant 1 : i32
        %select_n3A_903 = arith.select %eq3A_901, %jit3A_902, %jit3A_899 : i32
        %rem3A_904 = arith.remsi %add3A_898, %select_n3A_903 : i32
        %ne3A_905 = arith.constant 0 : i32
        %ne3A_906 = arith.cmpi ne, %rem3A_904, %ne3A_905 : i32
        %lt3A_907 = arith.constant 0 : i32
        %lt3A_908 = arith.cmpi slt, %rem3A_904, %lt3A_907 : i32
        %lt3A_909 = arith.constant 0 : i32
        %lt3A_910 = arith.cmpi slt, %select_n3A_903, %lt3A_909 : i32
        %ne3A_911 = arith.xori %lt3A_908, %lt3A_910 : i1
        %and3A_912 = arith.andi %ne3A_911, %ne3A_906 : i1
        %add3A_913 = arith.addi %rem3A_904, %select_n3A_903 : i32
        %select_n3A_914 = arith.select %and3A_912, %add3A_913, %rem3A_904 : i32
        %mul3A_915 = arith.constant 16 : i32
        %mul3A_916 = arith.muli %select_n3A_914, %mul3A_915 : i32
        %add3A_917 = arith.constant 68736 : i32
        %add3A_918 = arith.addi %add3A_917, %mul3A_916 : i32
        %add3A_919 = vector.broadcast %add3A_918 : i32 to vector<16xi32>
        %add3A_920 = arith.addi %add3A_919, %iota3A : vector<16xi32>
        %select_n3A_921 = arith.select %lt3A_894, %add3A_891, %add3A_920 : vector<16xi1>, vector<16xi32>
        %swap3A_922 = arith.constant 1 : i32
        %swap3A_923 = arith.constant 0 : i32
        %swap3A_924 = tpu.memref_slice %arg14[%swap3A_922, %swap3A_923] : memref<2x128xi32, #tpu.memory_space<vmem>> -> memref<1x128xi32, #tpu.memory_space<vmem>>
        %swap3A_925 = tpu.memref_squeeze %swap3A_924 : memref<1x128xi32, #tpu.memory_space<vmem>> -> memref<128xi32, #tpu.memory_space<vmem>>
        %swap3A_926 = arith.constant 112 : index
        %swap3A_927 = tpu.vector_load %swap3A_925[%swap3A_926] {strides = array<i32>} : memref<128xi32, #tpu.memory_space<vmem>>, vector<16xi32>,
        tpu.vector_store %swap3A_925[%swap3A_926], %select_n3A_921 {strides = array<i32>} : memref<128xi32, #tpu.memory_space<vmem>>, vector<16xi32>,
        %dma_wait3A_928 = arith.constant 0 : i32
        %dma_wait3A_929 = tpu.memref_slice %arg5[%add3A_234, %dma_wait3A_928] : memref<2097152x10xf32, #tpu.memory_space<hbm>> -> memref<128x10xf32, #tpu.memory_space<hbm>>
        %dma_wait3A_930 = arith.constant 0 : i32
        %dma_wait3A_931 = tpu.memref_slice %arg5[%add3A_234, %dma_wait3A_930] : memref<2097152x10xf32, #tpu.memory_space<hbm>> -> memref<128x10xf32, #tpu.memory_space<hbm>>
        tpu.wait_dma2 semaphore(%arg17 : memref<!tpu.dma_semaphore, #tpu.memory_space<semaphore_mem>>) src(%dma_wait3A_931 : memref<128x10xf32, #tpu.memory_space<hbm>>) dst(%arg10 : memref<128x10xf32, #tpu.memory_space<vmem>>)
        %dma_start3A_932 = arith.constant 1 : i32
        %dma_start3A_933 = arith.constant 0 : i32
        %dma_start3A_934 = tpu.memref_slice %arg14[%dma_start3A_932, %dma_start3A_933] : memref<2x128xi32, #tpu.memory_space<vmem>> -> memref<1x128xi32, #tpu.memory_space<vmem>>
        %dma_start3A_935 = tpu.memref_squeeze %dma_start3A_934 : memref<1x128xi32, #tpu.memory_space<vmem>> -> memref<128xi32, #tpu.memory_space<vmem>>
        %dma_start3A_936 = arith.constant 0 : i32
        %dma_start3A_937 = arith.constant 0 : i32
        %dma_start3A_938 = tpu.memref_slice %arg18[%dma_start3A_936, %dma_start3A_937] : memref<69632x10xf32, #tpu.memory_space<vmem_shared>> -> memref<69632x10xf32, #tpu.memory_space<vmem_shared>>
        tpu.enqueue_indirect_dma source(%arg10 : memref<128x10xf32, #tpu.memory_space<vmem>>) target(%dma_start3A_938 : memref<69632x10xf32, #tpu.memory_space<vmem_shared>>) offsets(%dma_start3A_935 : memref<128xi32, #tpu.memory_space<vmem>>) semaphore(%arg17 : memref<!tpu.dma_semaphore, #tpu.memory_space<semaphore_mem>>) {add = true}
        %dma_start3A_939 = arith.constant 1 : i32
        %dma_start3A_940 = arith.constant 0 : i32
        %dma_start3A_941 = tpu.memref_slice %arg14[%dma_start3A_939, %dma_start3A_940] : memref<2x128xi32, #tpu.memory_space<vmem>> -> memref<1x128xi32, #tpu.memory_space<vmem>>
        %dma_start3A_942 = tpu.memref_squeeze %dma_start3A_941 : memref<1x128xi32, #tpu.memory_space<vmem>> -> memref<128xi32, #tpu.memory_space<vmem>>
        %dma_start3A_943 = arith.constant 0 : i32
        %dma_start3A_944 = tpu.memref_slice %arg19[%dma_start3A_943] : memref<69632xf32, #tpu.memory_space<vmem_shared>> -> memref<69632xf32, #tpu.memory_space<vmem_shared>>
        tpu.enqueue_indirect_dma source(%arg15 : memref<128xf32, #tpu.memory_space<vmem>>) target(%dma_start3A_944 : memref<69632xf32, #tpu.memory_space<vmem_shared>>) offsets(%dma_start3A_942 : memref<128xi32, #tpu.memory_space<vmem>>) semaphore(%arg17 : memref<!tpu.dma_semaphore, #tpu.memory_space<semaphore_mem>>) {add = true}
        %dma_wait3A_945 = arith.constant 0 : i32
        %dma_wait3A_946 = arith.constant 0 : i32
        %dma_wait3A_947 = tpu.memref_slice %arg14[%dma_wait3A_945, %dma_wait3A_946] : memref<2x128xi32, #tpu.memory_space<vmem>> -> memref<1x128xi32, #tpu.memory_space<vmem>>
        %dma_wait3A_948 = tpu.memref_squeeze %dma_wait3A_947 : memref<1x128xi32, #tpu.memory_space<vmem>> -> memref<128xi32, #tpu.memory_space<vmem>>
        %dma_wait3A_949 = arith.constant 0 : i32
        %dma_wait3A_950 = arith.constant 0 : i32
        %dma_wait3A_951 = tpu.memref_slice %arg18[%dma_wait3A_949, %dma_wait3A_950] : memref<69632x10xf32, #tpu.memory_space<vmem_shared>> -> memref<69632x10xf32, #tpu.memory_space<vmem_shared>>
        tpu.wait_indirect_dma semaphore(%arg17 : memref<!tpu.dma_semaphore, #tpu.memory_space<semaphore_mem>>) src(%arg9 : memref<128x10xf32, #tpu.memory_space<vmem>>) dst(%dma_wait3A_951 : memref<69632x10xf32, #tpu.memory_space<vmem_shared>>)
        %dma_wait3A_952 = arith.constant 0 : i32
        %dma_wait3A_953 = arith.constant 0 : i32
        %dma_wait3A_954 = tpu.memref_slice %arg14[%dma_wait3A_952, %dma_wait3A_953] : memref<2x128xi32, #tpu.memory_space<vmem>> -> memref<1x128xi32, #tpu.memory_space<vmem>>
        %dma_wait3A_955 = tpu.memref_squeeze %dma_wait3A_954 : memref<1x128xi32, #tpu.memory_space<vmem>> -> memref<128xi32, #tpu.memory_space<vmem>>
        %dma_wait3A_956 = arith.constant 0 : i32
        %dma_wait3A_957 = tpu.memref_slice %arg19[%dma_wait3A_956] : memref<69632xf32, #tpu.memory_space<vmem_shared>> -> memref<69632xf32, #tpu.memory_space<vmem_shared>>
        tpu.wait_indirect_dma semaphore(%arg17 : memref<!tpu.dma_semaphore, #tpu.memory_space<semaphore_mem>>) src(%arg15 : memref<128xf32, #tpu.memory_space<vmem>>) dst(%dma_wait3A_957 : memref<69632xf32, #tpu.memory_space<vmem_shared>>)
        %dma_wait3A_958 = arith.constant 1 : i32
        %dma_wait3A_959 = arith.constant 0 : i32
        %dma_wait3A_960 = tpu.memref_slice %arg14[%dma_wait3A_958, %dma_wait3A_959] : memref<2x128xi32, #tpu.memory_space<vmem>> -> memref<1x128xi32, #tpu.memory_space<vmem>>
        %dma_wait3A_961 = tpu.memref_squeeze %dma_wait3A_960 : memref<1x128xi32, #tpu.memory_space<vmem>> -> memref<128xi32, #tpu.memory_space<vmem>>
        %dma_wait3A_962 = arith.constant 0 : i32
        %dma_wait3A_963 = arith.constant 0 : i32
        %dma_wait3A_964 = tpu.memref_slice %arg18[%dma_wait3A_962, %dma_wait3A_963] : memref<69632x10xf32, #tpu.memory_space<vmem_shared>> -> memref<69632x10xf32, #tpu.memory_space<vmem_shared>>
        tpu.wait_indirect_dma semaphore(%arg17 : memref<!tpu.dma_semaphore, #tpu.memory_space<semaphore_mem>>) src(%arg10 : memref<128x10xf32, #tpu.memory_space<vmem>>) dst(%dma_wait3A_964 : memref<69632x10xf32, #tpu.memory_space<vmem_shared>>)
        %dma_wait3A_965 = arith.constant 1 : i32
        %dma_wait3A_966 = arith.constant 0 : i32
        %dma_wait3A_967 = tpu.memref_slice %arg14[%dma_wait3A_965, %dma_wait3A_966] : memref<2x128xi32, #tpu.memory_space<vmem>> -> memref<1x128xi32, #tpu.memory_space<vmem>>
        %dma_wait3A_968 = tpu.memref_squeeze %dma_wait3A_967 : memref<1x128xi32, #tpu.memory_space<vmem>> -> memref<128xi32, #tpu.memory_space<vmem>>
        %dma_wait3A_969 = arith.constant 0 : i32
        %dma_wait3A_970 = tpu.memref_slice %arg19[%dma_wait3A_969] : memref<69632xf32, #tpu.memory_space<vmem_shared>> -> memref<69632xf32, #tpu.memory_space<vmem_shared>>
        tpu.wait_indirect_dma semaphore(%arg17 : memref<!tpu.dma_semaphore, #tpu.memory_space<semaphore_mem>>) src(%arg15 : memref<128xf32, #tpu.memory_space<vmem>>) dst(%dma_wait3A_970 : memref<69632xf32, #tpu.memory_space<vmem_shared>>)
      }
      %scan3A_223 = arith.constant 8 : i32
    }
    %scan3A_205 = arith.constant 64 : i32
    %barrier3A_206 = arith.constant 0 : index
    tpu.barrier barrier_id(%barrier3A_206)
    %scan3A_207 = arith.constant 0 : i32
    %scan3A_208 = arith.constant 0 : i32
    %scan3A_209 = arith.constant 34 : i32
    %scan3A_210 = arith.addi %scan3A_208, %scan3A_209 : i32
    %scan3A_211 = arith.constant 1 : i32
    scf.for %scan3A_214 = %scan3A_208 to %scan3A_210 step %scan3A_211  : i32 {
      %lt3A_215 = arith.cmpi slt, %scan3A_214, %select_n3A_136 : i32
      %convert_element_type3A = arith.extui %lt3A_215 : i1 to i32
      %cond3A = arith.constant 0 : i32
      %cond3A_216 = arith.cmpi ne, %convert_element_type3A, %cond3A : i32
      scf.if %cond3A_216 {
        %mul3A_217 = arith.constant 128 : i32
        %mul3A_218 = arith.muli %scan3A_214, %mul3A_217 : i32
        %add3A_219 = arith.addi %mul3A_142, %mul3A_218 : i32
        "tpu.region"() ({
          %run_scoped3A = tpu.sem_alloc : memref<!tpu.dma_semaphore, #tpu.memory_space<semaphore_mem>>
          %dma_start3A = arith.constant 0 : i32
          %dma_start3A_222 = tpu.memref_slice %arg18[%add3A_219, %dma_start3A] : memref<69632x10xf32, #tpu.memory_space<vmem_shared>> -> memref<128x10xf32, #tpu.memory_space<vmem_shared>>
          %dma_start3A_223 = arith.constant 0 : i32
          %dma_start3A_224 = tpu.memref_slice %arg18[%add3A_219, %dma_start3A_223] : memref<69632x10xf32, #tpu.memory_space<vmem_shared>> -> memref<128x10xf32, #tpu.memory_space<vmem_shared>>
          tpu.enqueue_dma source(%dma_start3A_224 : memref<128x10xf32, #tpu.memory_space<vmem_shared>>) target(%arg9 : memref<128x10xf32, #tpu.memory_space<vmem>>) target_semaphore(%run_scoped3A : memref<!tpu.dma_semaphore, #tpu.memory_space<semaphore_mem>>)
          %dma_wait3A = arith.constant 0 : i32
          %dma_wait3A_225 = tpu.memref_slice %arg18[%add3A_219, %dma_wait3A] : memref<69632x10xf32, #tpu.memory_space<vmem_shared>> -> memref<128x10xf32, #tpu.memory_space<vmem_shared>>
          %dma_wait3A_226 = arith.constant 0 : i32
          %dma_wait3A_227 = tpu.memref_slice %arg18[%add3A_219, %dma_wait3A_226] : memref<69632x10xf32, #tpu.memory_space<vmem_shared>> -> memref<128x10xf32, #tpu.memory_space<vmem_shared>>
          tpu.wait_dma2 semaphore(%run_scoped3A : memref<!tpu.dma_semaphore, #tpu.memory_space<semaphore_mem>>) src(%dma_wait3A_227 : memref<128x10xf32, #tpu.memory_space<vmem_shared>>) dst(%arg9 : memref<128x10xf32, #tpu.memory_space<vmem>>)
          tpu.yield
        }) : () -> ()
        "tpu.region"() ({
          %run_scoped3A = tpu.sem_alloc : memref<!tpu.dma_semaphore, #tpu.memory_space<semaphore_mem>>
          %dma_start3A = tpu.memref_slice %arg19[%add3A_219] : memref<69632xf32, #tpu.memory_space<vmem_shared>> -> memref<128xf32, #tpu.memory_space<vmem_shared>>
          %dma_start3A_222 = tpu.memref_slice %arg19[%add3A_219] : memref<69632xf32, #tpu.memory_space<vmem_shared>> -> memref<128xf32, #tpu.memory_space<vmem_shared>>
          tpu.enqueue_dma source(%dma_start3A_222 : memref<128xf32, #tpu.memory_space<vmem_shared>>) target(%arg16 : memref<128xf32, #tpu.memory_space<vmem>>) target_semaphore(%run_scoped3A : memref<!tpu.dma_semaphore, #tpu.memory_space<semaphore_mem>>)
          %dma_wait3A = tpu.memref_slice %arg19[%add3A_219] : memref<69632xf32, #tpu.memory_space<vmem_shared>> -> memref<128xf32, #tpu.memory_space<vmem_shared>>
          %dma_wait3A_223 = tpu.memref_slice %arg19[%add3A_219] : memref<69632xf32, #tpu.memory_space<vmem_shared>> -> memref<128xf32, #tpu.memory_space<vmem_shared>>
          tpu.wait_dma2 semaphore(%run_scoped3A : memref<!tpu.dma_semaphore, #tpu.memory_space<semaphore_mem>>) src(%dma_wait3A_223 : memref<128xf32, #tpu.memory_space<vmem_shared>>) dst(%arg16 : memref<128xf32, #tpu.memory_space<vmem>>)
          tpu.yield
        }) : () -> ()
        %add3A_220 = arith.addi %mul3A_182, %add3A_219 : i32
        "tpu.region"() ({
          %run_scoped3A = tpu.sem_alloc : memref<!tpu.dma_semaphore, #tpu.memory_space<semaphore_mem>>
          %dma_start3A = arith.constant 0 : i32
          %dma_start3A_222 = tpu.memref_slice %arg7[%add3A_220, %dma_start3A] : memref<274944x10xf32, #tpu.memory_space<hbm>> -> memref<128x10xf32, #tpu.memory_space<hbm>>
          %dma_start3A_223 = arith.constant 0 : i32
          %dma_start3A_224 = tpu.memref_slice %arg7[%add3A_220, %dma_start3A_223] : memref<274944x10xf32, #tpu.memory_space<hbm>> -> memref<128x10xf32, #tpu.memory_space<hbm>>
          tpu.enqueue_dma source(%arg9 : memref<128x10xf32, #tpu.memory_space<vmem>>) target(%dma_start3A_224 : memref<128x10xf32, #tpu.memory_space<hbm>>) target_semaphore(%run_scoped3A : memref<!tpu.dma_semaphore, #tpu.memory_space<semaphore_mem>>)
          %dma_wait3A = arith.constant 0 : i32
          %dma_wait3A_225 = tpu.memref_slice %arg7[%add3A_220, %dma_wait3A] : memref<274944x10xf32, #tpu.memory_space<hbm>> -> memref<128x10xf32, #tpu.memory_space<hbm>>
          %dma_wait3A_226 = arith.constant 0 : i32
          %dma_wait3A_227 = tpu.memref_slice %arg7[%add3A_220, %dma_wait3A_226] : memref<274944x10xf32, #tpu.memory_space<hbm>> -> memref<128x10xf32, #tpu.memory_space<hbm>>
          tpu.wait_dma2 semaphore(%run_scoped3A : memref<!tpu.dma_semaphore, #tpu.memory_space<semaphore_mem>>) src(%arg9 : memref<128x10xf32, #tpu.memory_space<vmem>>) dst(%dma_wait3A_227 : memref<128x10xf32, #tpu.memory_space<hbm>>)
          tpu.yield
        }) : () -> ()
        %add3A_221 = arith.addi %mul3A_182, %add3A_219 : i32
        "tpu.region"() ({
          %run_scoped3A = tpu.sem_alloc : memref<!tpu.dma_semaphore, #tpu.memory_space<semaphore_mem>>
          %dma_start3A = tpu.memref_slice %arg8[%add3A_221] : memref<274944xf32, #tpu.memory_space<hbm>> -> memref<128xf32, #tpu.memory_space<hbm>>
          %dma_start3A_222 = tpu.memref_slice %arg8[%add3A_221] : memref<274944xf32, #tpu.memory_space<hbm>> -> memref<128xf32, #tpu.memory_space<hbm>>
          tpu.enqueue_dma source(%arg16 : memref<128xf32, #tpu.memory_space<vmem>>) target(%dma_start3A_222 : memref<128xf32, #tpu.memory_space<hbm>>) target_semaphore(%run_scoped3A : memref<!tpu.dma_semaphore, #tpu.memory_space<semaphore_mem>>)
          %dma_wait3A = tpu.memref_slice %arg8[%add3A_221] : memref<274944xf32, #tpu.memory_space<hbm>> -> memref<128xf32, #tpu.memory_space<hbm>>
          %dma_wait3A_223 = tpu.memref_slice %arg8[%add3A_221] : memref<274944xf32, #tpu.memory_space<hbm>> -> memref<128xf32, #tpu.memory_space<hbm>>
          tpu.wait_dma2 semaphore(%run_scoped3A : memref<!tpu.dma_semaphore, #tpu.memory_space<semaphore_mem>>) src(%arg16 : memref<128xf32, #tpu.memory_space<vmem>>) dst(%dma_wait3A_223 : memref<128xf32, #tpu.memory_space<hbm>>)
          tpu.yield
        }) : () -> ()
      } else {
      }
    }
    %scan3A_212 = arith.constant 34 : i32
    %barrier3A_213 = arith.constant 0 : index
    tpu.barrier barrier_id(%barrier3A_213)
    return
  }
}

module attributes {stable_mosaic.version = 14 : i64} {
  func.func @_div_body(%arg0: i32, %arg1: memref<2048x10xf32, #tpu.memory_space<vmem>>, %arg2: memref<2048x1xf32, #tpu.memory_space<vmem>>, %arg3: memref<2048x10xf32, #tpu.memory_space<vmem>>) attributes {dimension_semantics = [#tpu.dimension_semantics<arbitrary>], iteration_bounds = array<i64: 135>, scalar_prefetch = 0 : i64, scratch_operands = 0 : i64, tpu.core_type = #tpu.core_type<tc>, window_params = [{transform_indices = @transform_0, window_bounds = array<i64: 2048, 10>}, {transform_indices = @transform_1, window_bounds = array<i64: 2048, 1>}, {transform_indices = @transform_2, window_bounds = array<i64: 2048, 10>}]} {
    %get3A = arith.constant 0 : index
    %get3A_0 = arith.constant 0 : index
    %get3A_1 = vector.load %arg1[%get3A, %get3A_0] : memref<2048x10xf32, #tpu.memory_space<vmem>>, vector<2048x10xf32>
    %get3A_2 = arith.constant 0 : index
    %get3A_3 = arith.constant 0 : index
    %get3A_4 = vector.load %arg2[%get3A_2, %get3A_3] : memref<2048x1xf32, #tpu.memory_space<vmem>>, vector<2048x1xf32>
    %max3A = arith.constant 1.000000e+00 : f32
    %max3A_5 = vector.broadcast %max3A : f32 to vector<2048x1xf32>
    %max3A_6 = arith.maximumf %get3A_4, %max3A_5 : vector<2048x1xf32>
    %iota3A = tpu.iota {dimensions = array<i32: 1>} : vector<2048x10xi32>
    %eq3A = arith.constant 0 : i32
    %eq3A_7 = vector.broadcast %eq3A : i32 to vector<2048x10xi32>
    %eq3A_8 = arith.cmpi eq, %iota3A, %eq3A_7 : vector<2048x10xi32>
    %gt3A = arith.constant 0.000000e+00 : f32
    %gt3A_9 = vector.broadcast %gt3A : f32 to vector<2048x1xf32>
    %gt3A_10 = arith.cmpf ogt, %get3A_4, %gt3A_9 : vector<2048x1xf32>
    %and3A = vector.broadcast %gt3A_10 : vector<2048x1xi1> to vector<2048x10xi1>
    %and3A_11 = arith.andi %eq3A_8, %and3A : vector<2048x10xi1>
    %jit3A = arith.constant -1.562500e-02 : f32
    %jit3A_12 = arith.constant 0.000000e+00 : f32
    %broadcast_in_dim3A = vector.broadcast %jit3A : f32 to vector<2048x10xf32>
    %broadcast_in_dim3A_13 = vector.broadcast %jit3A_12 : f32 to vector<2048x10xf32>
    %select_n3A = arith.select %and3A_11, %broadcast_in_dim3A, %broadcast_in_dim3A_13 : vector<2048x10xi1>, vector<2048x10xf32>
    %div3A = vector.broadcast %max3A_6 : vector<2048x1xf32> to vector<2048x10xf32>
    %div3A_14 = arith.divf %get3A_1, %div3A : vector<2048x10xf32>
    %add3A = arith.addf %div3A_14, %select_n3A : vector<2048x10xf32>
    %swap3A = arith.constant 0 : index
    %swap3A_15 = arith.constant 0 : index
    %swap3A_16 = vector.load %arg3[%swap3A, %swap3A_15] : memref<2048x10xf32, #tpu.memory_space<vmem>>, vector<2048x10xf32>
    tpu.vector_store %arg3[%swap3A, %swap3A_15], %add3A {strides = array<i32>} : memref<2048x10xf32, #tpu.memory_space<vmem>>, vector<2048x10xf32>,
    return
  }
  func.func @transform_0(%arg0: i32) -> (i32, i32) {
    %c0_i32 = arith.constant 0 : i32
    %c0_i32_0 = arith.constant 0 : i32
    return %arg0, %c0_i32 : i32, i32
  }
  func.func @transform_1(%arg0: i32) -> (i32, i32) {
    %c0_i32 = arith.constant 0 : i32
    %c0_i32_0 = arith.constant 0 : i32
    return %arg0, %c0_i32 : i32, i32
  }
  func.func @transform_2(%arg0: i32) -> (i32, i32) {
    %c0_i32 = arith.constant 0 : i32
    %c0_i32_0 = arith.constant 0 : i32
    return %arg0, %c0_i32 : i32, i32
  }
}

</mosaic_0001>

<sc_bundles>
// kernel: _impl.4.cloned.1.call-start
scs
__scs_entry_jumppad:
0x0: {  	(pc) =	sbr.rel $0x88, $3  }
0x1: {  	(tag) =	ssettag $0x0;
	lr =	simm.s32 $0x1  }
0x2: {  	[smem:$0x3F9F] =	sst lr;
	_ =	strace $0xD0000000  }
0x3: {  	_ = 	snop  }
0x4: {  	_ = 	snop  }
0x5: {  	_ = 	snop  }
0x6: {  	_ = 	snop  }
0x7: {  	_ = 	snop  }
__scs_overlays_trampoline_lowered:
0x8: {  	[smem:$0x3FAE] =	sst s0  }
0x9: {  	[smem:$0x3FAF] =	sst s1  }
0xa: {  	[smem:$0x3FB0] =	sst s2  }
0xb: {  	[smem:$0x3FB1] =	sst s3  }
0xc: {  	[smem:$0x3FB2] =	sst s4  }
0xd: {  	[smem:$0x3FB3] =	sst s5  }
0xe: {  	[smem:$0x3FB4] =	sst s6  }
0xf: {  	[smem:$0x3FB5] =	sst s7  }
0x10: {  	[smem:$0x3FB6] =	sst s8  }
0x11: {  	[smem:$0x3FB7] =	sst s9;
	s0 =	simm.s32 @!p0 $0x0  }
0x12: {  	s1 =	sld [smem:$0x3F9D];
	s0 =	simm.s32 @p0 $0x1  }
0x13: {  	[smem:$0x3FB8] =	sst s0;
	s0 =	simm.s32 @!p1 $0x0  }
0x14: {  	s2 =	sld [smem:$0x3F9C];
	s0 =	simm.s32 @p1 $0x1  }
0x15: {  	[smem:$0x3FB9] =	sst s0;
	s0 =	simm.s32 @!p2 $0x0  }
0x16: {  	s3 =	sld [smem:$0x3FDB];
	s0 =	simm.s32 @p2 $0x1  }
0x17: {  	s4 =	simm.s32 $0x1BF5;
	[smem:$0x3FBB] =	sst s0  }
0x18: {  	s0 =	sld [smem:$0x3F9E];
	_ =	swait.ge [sflag:s4], $0x0  }
0x19: {  	s7 =	sld [smem:$0x3F9F]  }
0x1a: {  	s8 =	sadd.s32 $0xFFFFE003, lr  }
0x1b: {  	s9 =	sadd.s32 $0xFFFFFEF7, lr;
	s5 =	simm.s32 $0xFFFFFFFF;
	p2 =	slt.u32 s8, $0xFFFFF086  }
0x1c: {  	p1 =	slt.u32 s9, $0xF7A;
	s5 =	simm.s32 @!p2 $0x0  }
0x1d: {  	s5 =	simm.s32 @p1 $0x1;
	p0 =	seq.s32 s7, s2  }
0x1e: {  	s7 =	smul.u32 @!p0 $0xF7A, s2;
	p2 =	seq.s32 @!p0 s5, $0x0  }
0x1f: {  	s9 =	smul.u32 $0xF7A, s1;
	s8 =	simm.s32 @!p0 $0x1BF5;
	p2 =	por !p2, p0  }
0x20: {  	[sflag:s8] =	ssyncset.s32 @!p0 $0xFFFFF086;
	s6 =	sadd.s32 @!p0 s3, s7;
	s7 =	simm.s32 @!p0 $0x108  }
0x21: {  	s3 =	sadd.s32 s3, s9;
	s6 =	sadd.s32 @!p0 $0x88, s6;
	s7 =	simm.s32 @p2 $0x1082  }
0x22: {  	[simem:s7], [sflag:s8] =	dma.local @!p0 [hbm:s6], $0xF7A  }
0x23: {  	s9 =	sor.u32 $0xD0000000, s2;
	s6 =	simm.s32 $0x108;
	_ =	swait.ge @!p0 [sflag:s8], $0x0  }
0x24: {  	s3 =	sadd.s32 $0x88, s3;
	s6 =	simm.s32 @!p1 $0x1082;
	[sflag:s4] =	ssyncset.s32 $0xFFFFF086  }
0x25: {  	[simem:s6], [sflag:s4] =	dma.local [hbm:s3], $0xF7A  }
0x26: {  	[smem:$0x3F9F] =	sst s1;
	(tag) =	ssettag s2;
	_ =	strace s9  }
0x27: {  	s1 =	sld [smem:$0x3FAF]  }
0x28: {  	s2 =	sld [smem:$0x3FB0]  }
0x29: {  	s4 =	sld [smem:$0x3FB2]  }
0x2a: {  	p0 =	seq.s32 s5, $0x0;
	s5 =	sld [smem:$0x3FB3]  }
0x2b: {  	s6 =	sld [smem:$0x3FB4]  }
0x2c: {  	s7 =	sld [smem:$0x3FB5]  }
0x2d: {  	s3 =	simm.s32 $0x108;
	s8 =	sld [smem:$0x3FB6]  }
0x2e: {  	s3 =	simm.s32 @!p0 $0x1082;
	s9 =	sld [smem:$0x3FB7]  }
0x2f: {  	lr =	sadd.s32 s0, s3;
	s0 =	sld [smem:$0x3FAE]  }
0x30: {  	s3 =	sld [smem:$0x3FB1]  }
0x31: {  	[smem:$0x3FBA] =	sst s10  }
0x32: {  	s10 =	sld [smem:$0x3FB8];
	_ =	sdelay $0x3  }
0x33: {  	p0 =	seq.s32 s10, $0x1;
	s10 =	sld [smem:$0x3FBA];
	_ =	sdelay $0x3  }
0x34: {  	[smem:$0x3FBA] =	sst s10  }
0x35: {  	s10 =	sld [smem:$0x3FB9];
	_ =	sdelay $0x3  }
0x36: {  	p1 =	seq.s32 s10, $0x1;
	s10 =	sld [smem:$0x3FBA];
	_ =	sdelay $0x3  }
0x37: {  	[smem:$0x3FBA] =	sst s10  }
0x38: {  	s10 =	sld [smem:$0x3FBB]  }
0x39: {  	_ = 	snop;
	(pc) =	sbr.ind lr, $3  }
0x3a: {  	_ = 	snop  }
0x3b: {  	_ = 	snop  }
0x3c: {  	p2 =	seq.s32 s10, $0x1;
	s10 =	sld [smem:$0x3FBA]  }
0x3d: {  	_ =	shalt  }
0x3e: {  	_ =	shalt  }
0x3f: {  	_ =	shalt  }
0x40: {  	_ =	shalt  }
0x41: {  	_ =	shalt  }
0x42: {  	_ =	shalt  }
0x43: {  	_ =	shalt  }
0x44: {  	_ =	shalt  }
0x45: {  	_ =	shalt  }
0x46: {  	_ =	shalt  }
0x47: {  	_ =	shalt  }
0x48: {  	_ =	shalt  }
0x49: {  	_ =	shalt  }
0x4a: {  	_ =	shalt  }
0x4b: {  	_ =	shalt  }
0x4c: {  	_ =	shalt  }
0x4d: {  	_ =	shalt  }
0x4e: {  	_ =	shalt  }
0x4f: {  	_ =	shalt  }
0x50: {  	_ =	shalt  }
0x51: {  	_ =	shalt  }
0x52: {  	_ =	shalt  }
0x53: {  	_ =	shalt  }
0x54: {  	_ =	shalt  }
0x55: {  	_ =	shalt  }
0x56: {  	_ =	shalt  }
0x57: {  	_ =	shalt  }
0x58: {  	_ =	shalt  }
0x59: {  	_ =	shalt  }
0x5a: {  	_ =	shalt  }
0x5b: {  	_ =	shalt  }
0x5c: {  	_ =	shalt  }
0x5d: {  	_ =	shalt  }
0x5e: {  	_ =	shalt  }
0x5f: {  	_ =	shalt  }
0x60: {  	_ =	shalt  }
0x61: {  	_ =	shalt  }
0x62: {  	_ =	shalt  }
0x63: {  	_ =	shalt  }
0x64: {  	_ =	shalt  }
0x65: {  	_ =	shalt  }
0x66: {  	_ =	shalt  }
0x67: {  	_ =	shalt  }
0x68: {  	_ =	shalt  }
0x69: {  	_ =	shalt  }
0x6a: {  	_ =	shalt  }
0x6b: {  	_ =	shalt  }
0x6c: {  	_ =	shalt  }
0x6d: {  	_ =	shalt  }
0x6e: {  	_ =	shalt  }
0x6f: {  	_ =	shalt  }
0x70: {  	_ =	shalt  }
0x71: {  	_ =	shalt  }
0x72: {  	_ =	shalt  }
0x73: {  	_ =	shalt  }
0x74: {  	_ =	shalt  }
0x75: {  	_ =	shalt  }
0x76: {  	_ =	shalt  }
0x77: {  	_ =	shalt  }
0x78: {  	_ =	shalt  }
0x79: {  	_ =	shalt  }
0x7a: {  	_ =	shalt  }
0x7b: {  	_ =	shalt  }
0x7c: {  	_ =	shalt  }
0x7d: {  	_ =	shalt  }
0x7e: {  	_ =	shalt  }
0x7f: {  	_ =	shalt  }
0x80: {  	_ =	shalt  }
0x81: {  	_ =	shalt  }
0x82: {  	_ =	shalt  }
0x83: {  	_ =	shalt  }
0x84: {  	_ =	shalt  }
0x85: {  	_ =	shalt  }
0x86: {  	_ =	shalt  }
0x87: {  	_ =	shalt  }
.Lfunc_end0:
.L_simem_size_0:
called_computation_lowered:
.L_overlay_start_0:
0x88: {  	s2 =	sld [smem:$0x3FD9]  }
0x89: {  	s3 =	sld [smem:$0x3FFE];
	_ =	sdelay $0x1  }
0x8a: {  	s1 =	srdreg.scid  }
0x8b: {  	s0 =	sand.u32 $0x1, s1  }
0x8c: {  	s17 =	sshll.u32 s0, $0xA;
	s2 =	sadd.s32 s3, s2  }
0x8d: {  	s2 =	sadd.s32 s2, s17  }
0x8e: {  	[smem:$0x3FC6] =	sst s2  }
0x8f: {  	_ = 	snop  }
0x90: {  	s2 =	sld [smem:$0x3FD0];
	(tm) =	ssettm $0x1  }
0x91: {  	s18 =	sld [smem:$0x3FFB];
	_ =	sdelay $0x3  }
0x92: {  	_ =	strace s18  }
0x93: {  	s3 =	sld [smem:$0x3FFC];
	_ =	sdelay $0x3  }
0x94: {  	_ =	strace s3  }
0x95: {  	s3 =	sld [smem:$0x3FFD];
	_ =	sdelay $0x3  }
0x96: {  	_ =	strace s3  }
0x97: {  	_ =	strace $0x8FFFFFFF  }
0x98: {  	s19 =	sld [smem:$0x3FDB];
	_ =	sdelay $0x1  }
0x99: {  	s4 =	simm.s32 $_scs_section_size  }
0x9a: {  	s5 =	simm.s32 $_size__tile_overlayer_lowered;
	s6 =	simm.s32 $_tile_overlayer_lowered  }
0x9b: {  	s22 =	simm.s32 $0x1BFF;
	s21 =	sshll.u32 s6, $0x1;
	s3 =	sadd.s32 s4, s19  }
0x9c: {  	s7 =	simm.s32 $0x0;
	s20 =	sshll.u32 s5, $0x1;
	s5 =	sadd.s32 s21, s3  }
0x9d: {  	[timem:s7], [sflag:s22] =	dma.local [hbm:s5], s20  }
0x9e: {  	_ =	swait.ge [sflag:s22], s20  }
0x9f: {  	s4 =	ssub.s32 $0x0, s20;
	[sflag:s22] =	ssyncset.done $0x0  }
0xa0: {  	[sflag:s22] =	ssyncadd.s32 s4;
	_ =	sdelay $0x1  }
0xa1: {  	s23 =	simm.s32 $0x1B8B  }
0xa2: {  	_ =	swait.ge [sflag:s23], $0x1  }
0xa3: {  	[sflag:s23] =	ssyncset.done $0x0  }
0xa4: {  	s25 =	simm.s32 $0x1B8E;
	s24 =	sld [smem:$0x3FFE];
	[sflag:s23] =	ssyncadd.s32 $0xFFFFFFFF  }
0xa5: {  	s26 =	simm.s32 $execute0_lowered;
	[smem:$0x3FD2] =	sst s25  }
0xa6: {  	s5 =	sshll.u32 s26, $0x1;
	_ =	strace $0x80000046;
	[dreg:$0x1] =	wrdreg $0xFFFFFFFF  }
0xa7: {  	s28 =	simm.s32 $_size_execute0_lowered;
	s3 =	sadd.s32 s3, s5;
	[dreg:$0x0] =	wrdreg $0x0  }
0xa8: {  	s5 =	sshll.u32 s28, $0x1;
	[dreg:$0x2] =	wrdreg s3  }
0xa9: {  	[dreg:$0x3] =	wrdreg s5  }
0xaa: {  	[dreg:$0x4] =	wrdreg $0xC0  }
0xab: {  	_ =	task [dreg:s7], $0x5FFFF  }
0xac: {  	[dreg:$0x1] =	wrdreg $0xFFFFFFFF  }
0xad: {  	[dreg:$0x0] =	wrdreg $0x60  }
0xae: {  	[dreg:$0x2] =	wrdreg s24  }
0xaf: {  	[dreg:$0x3] =	wrdreg s2  }
0xb0: {  	[dreg:$0x4] =	wrdreg $0x15000  }
0xb1: {  	[dreg:$0x5] =	wrdreg $0xBF000  }
0xb2: {  	[dreg:$0x6] =	wrdreg $0x9  }
0xb3: {  	_ =	task.clear_ibuf [dreg:s7], $0x7FFFF;
	_ =	strace $0x90000046  }
0xb4: {  	s29 =	simm.s32 $0x9;
	_ =	strace $0x80000048  }
0xb5: {  	_ =	swait.ge [sflag:s29], $0x1  }
0xb6: {  	[sflag:s29] =	ssyncadd.s32 $0xFFFFFFFF  }
0xb7: {  	_ =	strace $0x90000048  }
0xb8: {  	_ =	sfence  }
0xb9: {  	s30 =	sld [smem:$0x0];
	_ =	sdelay $0x2  }
0xba: {  	s31 =	sshll.u32 s1, $0xD;
	s1 =	sshrl.u32 s1, $0x2  }
0xbb: {  	s3 =	sand.u32 $0x4000, s31;
	s1 =	sadd.s32 s1, s30  }
0xbc: {  	s0 =	sor.u32 s3, s0;
	s1 =	sshll.u32 s1, $0x11  }
0xbd: {  	s0 =	sor.u32 s1, s0  }
0xbe: {  	s0 =	sadd.s32 $0x8F2B, s0  }
0xbf: {  	[sflag:s0] =	ssyncadd.remote.s32 $0x1  }
0xc0: {  	_ =	sfence.sel $0xFFFF  }
0xc1: {  	[dreg:$0x0] =	wrdreg $0xFFFFFFFF;
	(pc) =	sbr.abs _section_cstart, $3  }
0xc2: {  	[dreg:$0x1] =	wrdreg $0xFFFFFFFF  }
0xc3: {  	_ =	task.clear_ibuf [dreg:s7], $0x2FFFF;
	_ =	strace $0x9FFFFFFF  }
0xc4: {  	(tm) =	ssettm $0x7FFFFFFF  }
0xc5: {  	_ =	shalt  }
tec
execute0_lowered:
.L_overlay_start_1:
0x0: {  	(tag) =	ssettag $0x1  }
0x1: {  	s4 =	rddreg [dreg:$0x0]  }
0x2: {  	s0 =	rddreg [dreg:$0x1]  }
0x3: {  	s1 =	rddreg [dreg:$0x2]  }
0x4: {  	s2 =	rddreg [dreg:$0x3]  }
0x5: {  	s3 =	simm.s32 $0x0;
	s7 =	srdreg.scid;
	s19 =	stileid.u32  }
0x6: {  	s28 =	simm.s32 $0x1;
	s29 =	simm.s32 $0x80;
	s30 =	simm.s32 $0x1300  }
0x7: {  	s31 =	simm.s32 $0x1400;
	[smem:$0x7FF] =	sst s3;
	s14 =	smul.u32 $0x4400, s19  }
0x8: {  	s5 =	sadd.s32 $0x10C00, s4;
	s6 =	sadd.s32 $0x8C00, s4;
	s17 =	smul.u32 $0x44000, s19  }
0x9: {  	s8 =	sand.u32 $0x1, s7;
	s7 =	sadd.s32 $0xC00, s4;
	s25 =	smul.u32 $0x42000, s19  }
0xa: {  	s9 =	sshll.u32 s19, $0x12;
	s21 =	sadd.s32 $0x418C00, s4;
	s18 =	smul.u32 $0x1080, s19  }
0xb: {  	p0 =	slt.u32 s19, $0x9;
	s13 =	smin.u32 s19, $0x9;
	s20 =	smul.u32 $0x4200, s19  }
0xc: {  	_ =	strace $0x80000047;
	s10 =	ssub.s32 $0x2, s8;
	s11 =	sadd.s32 s9, s4  }
0xd: {  	v0 =	vimm.s32 $0x10C3;
	vm0 =	vcmask $0x300;
	[dreg:$0x5] =	wrdreg s21;
	s4 =	sadd.s32 $0x418E00, s4;
	s9 =	sshll.u32 s19, $0xE  }
0xe: {  	vm15 =	vcmask $0x704;
	v0 =	vsel vm0, $0x0, v0;
	s8 =	smul.u32 $0x21900, s8;
	s26 =	sshll.u32 s13, $0xD;
	s21 =	sshll.u32 s13, $0x9  }
0xf: {  	vm4 =	vcmask $0xB08;
	v0 =	vsel vm15, $0x1081, v0;
	s13 =	sshll.u32 s13, $0x7;
	s22 =	sshrl.u32 s10, $0x1;
	s23 =	sshrl.u32 s14, $0x2  }
0x10: {  	vm5 =	vcmask $0xF0C;
	v0 =	vsel vm4, $0x41, v0;
	s24 =	sshrl.u32 s17, $0x2;
	s11 =	sadd.s32 $0x18D00, s11;
	s17 =	sadd.s32 s26, s25  }
0x11: {  	vm6 =	vcmask $0x1310;
	s12 =	ssub.s32 s10, s22;
	s10 =	simm.s32 $0x22;
	s15 =	sadd.s32 $0x10C80, s8;
	v1 =	vmov s8;
	v0 =	vsel vm5, $0x10C2, v0  }
0x12: {  	vm7 =	vcmask $0x1714;
	s16 =	ssub.s32 $0x32441, s8;
	s14 =	sadd.s32 s24, s1;
	[dreg:$0x8] =	wrdreg s11;
	v1 =	vsub.s32 $0x0, v1;
	v2 =	vsel vm6, $0x1, v0  }
0x13: {  	vm8 =	vcmask $0x1B18;
	s8 =	sadd.s32 s18, s8;
	s11 =	sshrl.u32 s17, $0x2;
	s10 =	simm.s32 @!p0 $0x21;
	v0 =	vbroadcast v1, $0x0;
	v1 =	vsel vm7, $0x1082, v2  }
0x14: {  	vm9 =	vcmask $0x2320;
	vm10 =	vcmask $0x2724;
	s16 =	smin.u32 s16, $0x10C80;
	s12 =	smax.u32 s12, $0x1;
	[dreg:$0x7] =	wrdreg s14;
	v1 =	vsel vm8, $0x42, v1  }
0x15: {  	vm11 =	vcmask $0x2B28;
	vm12 =	vcmask $0x2F2C;
	s14 =	sadd.s32 s21, s20;
	s8 =	sadd.s32 s13, s8;
	s11 =	sadd.s32 s11, s1;
	v3 =	vsel vm9, $0x0, v1  }
0x16: {  	vm13 =	vcmask $0x3330;
	s21 =	simm.s32 $0x800;
	[dreg:$0x6] =	wrdreg s12;
	s12 =	sadd.s32 s23, s2;
	v2 =	vmov s15;
	v3 =	vsel vm10, $0x1081, v3  }
0x17: {  	vm14 =	vcmask $0x3734;
	[dreg:$0x9] =	wrdreg s11;
	s22 =	sshrl.u32 s14, $0x2;
	s13 =	sshrl.u32 s8, $0x3;
	v2 =	vsub.s32 $0x0, v2;
	v4 =	vsel vm11, $0x41, v3  }
0x18: {  	vm15 =	vcmask $0x3B38;
	s24 =	sadd.s32 $0x10C80, s8;
	s8 =	sshll.u32 s8, $0x1;
	s11 =	sadd.s32 s22, s2;
	v1 =	vbroadcast v2, $0x0;
	v5 =	vsel vm12, $0x10C2, v4  }
0x19: {  	s23 =	sadd.s32 s13, s0;
	s25 =	sshrl.u32 s24, $0x3;
	v2 =	vmov s16;
	[dreg:$0xa] =	wrdreg s11;
	v4 =	vlaneseq.u32;
	v6 =	vsel vm13, $0x1, v5  }
0x1a: {  	s8 =	sadd.s32 s8, s4;
	s22 =	simm.s32 $0x2;
	[dreg:$0xb] =	wrdreg s23;
	v3 =	vimm.f32 $1.000000000e+00;
	v5 =	vshrl.u32 v4, $0x3;
	v7 =	vsel vm14, $0x1082, v6  }
0x1b: {  	s11 =	sshll.u32 s24, $0x1;
	[dreg:$0xc] =	wrdreg s8;
	s0 =	sadd.s32 s25, s0;
	v6 =	vimm.f32 $0.0e+00;
	v8 =	vor.u32 $0x2, v5;
	v9 =	vor.u32 $0x4, v5  }
0x1c: {  	s23 =	simm.s32 $0x1480;
	[dreg:$0xd] =	wrdreg s0;
	s26 =	sadd.s32 s11, s4;
	v10 =	vor.u32 $0x6, v5;
	v11 =	vor.u32 $0x8, v5;
	v12 =	vor.u32 $0xA, v5  }
0x1d: {  	s8 =	simm.s32 $0x0;
	s0 =	simm.s32 $0x1380;
	[dreg:$0xe] =	wrdreg s26;
	v13 =	vor.u32 $0xC, v5;
	v14 =	vor.u32 $0xE, v5;
	v7 =	vsel vm15, $0x42, v7  }
.LBB2_1:
0x1e: {  	[tilespmem:$0x1400] =	vst v3  }
0x1f: {  	[tilespmem:$0x1410] =	vst v3  }
0x20: {  	[tilespmem:$0x1420] =	vst v3  }
0x21: {  	[tilespmem:$0x1430] =	vst v3  }
0x22: {  	[tilespmem:$0x1440] =	vst v3  }
0x23: {  	[tilespmem:$0x1450] =	vst v3  }
0x24: {  	[tilespmem:$0x1460] =	vst v3  }
0x25: {  	[tilespmem:$0x1470] =	vst v3  }
0x26: {  	[tilespmem:$0x1480] =	vst v6  }
0x27: {  	[tilespmem:$0x1490] =	vst v6  }
0x28: {  	[tilespmem:$0x14A0] =	vst v6  }
0x29: {  	[tilespmem:$0x14B0] =	vst v6  }
0x2a: {  	[tilespmem:$0x14C0] =	vst v6  }
0x2b: {  	[tilespmem:$0x14D0] =	vst v6  }
0x2c: {  	[dreg:$0xf] =	wrdreg s8;
	[tilespmem:$0x14E0] =	vst v6  }
0x2d: {  	[tilespmem:$0x14F0] =	vst v6;
	s4 =	rddreg [dreg:$0x5]  }
0x2e: {  	[tilespmem:s21], [sflag:$0x2] =	stream.linear.gather [hbm4b:s4+s3], $0x800, $0x38;
	[tilespmem:$0xD000] =	vst v63  }
0x2f: {  	_ =	swait.ge [sflag:s22], $0x800  }
0x30: {  	[sflag:s22] =	ssyncset.done $0x0  }
0x31: {  	s11 =	rddreg [dreg:$0x7];
	[sflag:s22] =	ssyncadd.s32 $0xFFFFF800  }
0x32: {  	[spmem:s11] =	stream.linear.scatter [tilespmem:s21], [sflag:$0x2], $0x800, $0x38;
	[tilespmem:$0xD000] =	vst v63  }
0x33: {  	_ =	swait.ge [sflag:s22], $0x800  }
0x34: {  	[sflag:s22] =	ssyncset.done $0x0  }
0x35: {  	s26 =	sadd.s32 $0x0, s12;
	[sflag:s22] =	ssyncadd.s32 $0xFFFFF800  }
0x36: {  	[spmem:s26] =	stream.linear.scatter [tilespmem:s23], [sflag:$0x2], $0x80, $0x38;
	[tilespmem:$0xD000] =	vst v63  }
0x37: {  	_ =	swait.ge [sflag:s22], $0x80  }
0x38: {  	s8 =	simm.s32 $0x200;
	[sflag:s22] =	ssyncset.done $0x0  }
.LBB2_2:
0x39: {  	p0 =	sne.s32 s8, $0x4200;
	[sflag:s22] =	ssyncadd.s32 $0xFFFFFF80;
	s11 =	sadd.s32 $0x800, s11  }
0x3a: {  	[spmem:s11] =	stream.linear.scatter [tilespmem:s21], [sflag:$0x2], $0x800, $0x38;
	[tilespmem:$0xD000] =	vst v63  }
0x3b: {  	s13 =	smov.u32 s8;
	s8 =	sadd.s32 $0x200, s8;
	_ =	swait.ge [sflag:s22], $0x800  }
.Ltmp0:
0x3c: {  	s13 =	sshra.s32 s13, $0x2;
	[sflag:s22] =	ssyncset.done $0x0;
	(pc) =	sbr.rel @p0 .LBB2_2-.Ltmp0, $4  }
0x3d: {  	s13 =	sadd.s32 s13, s12;
	[sflag:s22] =	ssyncadd.s32 $0xFFFFF800  }
0x3e: {  	[spmem:s13] =	stream.linear.scatter [tilespmem:s23], [sflag:$0x2], $0x80, $0x38;
	[tilespmem:$0xD000] =	vst v63  }
0x3f: {  	_ =	swait.ge [sflag:s22], $0x80  }
0x40: {  	[sflag:s22] =	ssyncset.done $0x0  }
0x41: {  	[sflag:s22] =	ssyncadd.s32 $0xFFFFFF80  }
0x42: {  	[bflag:$0x0] =	sbarrier.arrive $0xFFFF  }
0x43: {  	s11 =	simm.s32 $0x0;
	s14 =	rddreg [dreg:$0x8]  }
.LBB2_4:
0x44: {  	s8 =	sshll.u32 s11, $0x8  }
0x45: {  	s8 =	sadd.s32 s9, s8  }
0x46: {  	s8 =	sshrl.u32 s8, $0x3  }
0x47: {  	s4 =	simm.s32 $0x1000;
	s13 =	sadd.s32 s5, s8  }
0x48: {  	[tilespmem:s4], [sflag:$0x2] =	stream.linear.gather [hbm4b:s13+s3], $0x100, $0x38;
	[tilespmem:$0xD000] =	vst v63  }
0x49: {  	_ =	swait.ge [sflag:s22], $0x100  }
0x4a: {  	[sflag:s22] =	ssyncset.done $0x0  }
0x4b: {  	s24 =	simm.s32 $0x1100;
	s20 =	sadd.s32 s6, s8;
	[sflag:s22] =	ssyncadd.s32 $0xFFFFFF00  }
0x4c: {  	[tilespmem:s24], [sflag:$0x2] =	stream.linear.gather [hbm4b:s20+s3], $0x100, $0x38;
	[tilespmem:$0xD000] =	vst v63  }
0x4d: {  	_ =	swait.ge [sflag:s22], $0x100  }
0x4e: {  	[sflag:s22] =	ssyncset.done $0x0  }
0x4f: {  	s25 =	simm.s32 $0x1200;
	s8 =	sadd.s32 s7, s8;
	[sflag:s22] =	ssyncadd.s32 $0xFFFFFF00  }
0x50: {  	[tilespmem:s25], [sflag:$0x2] =	stream.linear.gather [hbm4b:s8+s3], $0x100, $0x38;
	[tilespmem:$0xD000] =	vst v63  }
0x51: {  	_ =	swait.ge [sflag:s22], $0x100  }
0x52: {  	[sflag:s22] =	ssyncset.done $0x0  }
0x53: {  	s26 =	sadd.s32 $0xFFFFFF00, s14;
	[sflag:s22] =	ssyncadd.s32 $0xFFFFFF00  }
0x54: {  	[tilespmem:s3], [sflag:$0x1] =	stream.linear.gather [hbm4b:s26+s3], $0x800, $0x38;
	[tilespmem:$0xD000] =	vst v63  }
0x55: {  	s4 =	simm.s32 $0x20  }
0x56: {  	[tilespmem:s21], [sflag:$0x1] =	stream.linear.gather [hbm4b:s14+s3], $0x800, $0x38;
	[tilespmem:$0xD000] =	vst v63  }
0x57: {  	v15 =	vld [tilespmem:s4+$0xFE0]  }
0x58: {  	v16 =	vld [tilespmem:s4+$0x10E0];
	_ =	sdelay $0x2  }
0x59: {  	v17 =	vld [tilespmem:s4+$0x11E0]  }
0x5a: {  	s15 =	simm.s32 $0x0;
	v15 =	vmul.u32 $0x1081, v15  }
0x5b: {  	s13 =	sand.u32 $0x80, s15;
	v16 =	vmul.u32 $0x41, v16  }
0x5c: {  	s17 =	sadd.s32 $0x10C80, s13;
	v15 =	vadd.s32 v0, v15  }
0x5d: {  	s19 =	sadd.s32 $0x10CE0, s13;
	v18 =	vor.u32 s17, v4;
	s20 =	sadd.s32 $0x10CD0, s13;
	v15 =	vadd.s32 v16, v15  }
0x5e: {  	v19 =	vor.u32 s19, v4;
	s24 =	sadd.s32 $0x10CA0, s13;
	v22 =	vor.u32 s20, v4;
	s25 =	sadd.s32 $0x10CB0, s13;
	v15 =	vadd.s32 v17, v15  }
0x5f: {  	s18 =	sadd.s32 $0x10C90, s13;
	v26 =	vor.u32 s24, v4;
	v25 =	vor.u32 s25, v4;
	v20 =	vperm.xlane v15, v5  }
0x60: {  	s16 =	sadd.s32 $0x10CC0, s13;
	v16 =	vor.u32 s18, v4;
	v21 =	vperm.xlane v15, v8;
	v23 =	vperm.xlane v15, v9  }
0x61: {  	v17 =	vor.u32 s16, v4;
	v24 =	vperm.xlane v15, v10;
	v27 =	vperm.xlane v15, v11  }
0x62: {  	v28 =	vperm.xlane v15, v12;
	v29 =	vperm.xlane v15, v13;
	v23 =	vadd.s32 v7, v23  }
0x63: {  	v15 =	vperm.xlane v15, v14;
	v27 =	vadd.s32 v7, v27;
	vm0 =	vlt.u32 v23, $0x10C80  }
0x64: {  	v24 =	vadd.s32 v7, v24;
	vm10 =	vlt.u32 v27, $0x10C80;
	v23 =	vsel vm0, v23, v26  }
0x65: {  	v63 =	vadd.s32 v7, v28;
	vm1 =	vlt.u32 v24, $0x10C80;
	v17 =	vsel vm10, v27, v17;
	[tilespmem:$0x1320] =	vst v23  }
0x66: {  	v21 =	vadd.s32 v7, v21;
	vm11 =	vlt.u32 v63, $0x10C80;
	v24 =	vsel vm1, v24, v25;
	[tilespmem:$0x1340] =	vst v17  }
0x67: {  	vm13 =	vlt.u32 v21, $0x10C80;
	v22 =	vsel vm11, v63, v22;
	v17 =	vadd.s32 v7, v29;
	[tilespmem:$0x1330] =	vst v24  }
0x68: {  	v20 =	vadd.s32 v7, v20;
	v16 =	vsel vm13, v21, v16;
	[tilespmem:$0x1350] =	vst v22;
	vm12 =	vlt.u32 v17, $0x10C80  }
0x69: {  	s13 =	sadd.s32 $0x10CF0, s13;
	v15 =	vadd.s32 v7, v15;
	vm14 =	vlt.u32 v20, $0x10C80;
	[tilespmem:$0x1310] =	vst v16;
	v17 =	vsel vm12, v17, v19  }
0x6a: {  	vm15 =	vlt.u32 v15, $0x10C80;
	v18 =	vsel vm14, v20, v18;
	[tilespmem:$0x1360] =	vst v17;
	v17 =	vor.u32 s13, v4  }
0x6b: {  	[tilespmem:$0x1300] =	vst v18;
	v15 =	vsel vm15, v15, v17  }
0x6c: {  	[tilespmem:$0x1370] =	vst v15  }
0x6d: {  	_ =	swait.ge [sflag:s28], $0x800  }
0x6e: {  	[sflag:s28] =	ssyncset.done $0x0  }
0x6f: {  	[sflag:s28] =	ssyncadd.s32 $0xFFFFF800  }
0x70: {  	[spmem:s1] =	stream.indirect.scatter.add.f32 [tilespmem:s3], [sflag:$0x1], $0xA, s30, s29, $0xb8;
	[tilespmem:$0xD000] =	vst v63  }
0x71: {  	_ = 	snop  }
0x72: {  	[spmem:s2] =	stream.indirect.scatter.add.f32 [tilespmem:s31], [sflag:$0x1], $0x1, s30, s29, $0xb8;
	[tilespmem:$0xD000] =	vst v63  }
0x73: {  	v15 =	vld [tilespmem:s4+$0xFF0]  }
0x74: {  	v16 =	vld [tilespmem:s4+$0x10F0];
	_ =	sdelay $0x2  }
0x75: {  	v17 =	vld [tilespmem:s4+$0x11F0]  }
0x76: {  	v15 =	vmul.u32 $0x1081, v15  }
0x77: {  	v16 =	vmul.u32 $0x41, v16  }
0x78: {  	v15 =	vadd.s32 v0, v15  }
0x79: {  	s26 =	simm.s32 $0x80;
	v15 =	vadd.s32 v16, v15  }
0x7a: {  	s17 =	sadd.s32 $0x200, s14;
	s8 =	simm.s32 $0x100;
	s18 =	sand.u32 $0x80, s26;
	v15 =	vadd.s32 v17, v15  }
0x7b: {  	s20 =	sadd.s32 $0x10CA0, s18;
	s19 =	sadd.s32 $0x10CE0, s18;
	s13 =	sadd.s32 $0x10CB0, s18;
	v16 =	vperm.xlane v15, v10;
	v17 =	vperm.xlane v15, v14  }
.LBB2_5:
0x7c: {  	v18 =	vperm.xlane v15, v5;
	s15 =	sadd.s32 $0x10C80, s18;
	v19 =	vperm.xlane v15, v8;
	s16 =	sadd.s32 $0x10CC0, s18;
	s4 =	sadd.s32 $0x10CF0, s18  }
0x7d: {  	p0 =	sne.s32 s8, $0x400;
	s24 =	sadd.s32 $0x10C90, s18;
	v20 =	vperm.xlane v15, v9;
	v21 =	vor.u32 s20, v4;
	v22 =	vor.u32 s13, v4;
	s13 =	sadd.s32 $0x10CD0, s18  }
0x7e: {  	s18 =	smov.u32 s8;
	s8 =	sadd.s32 $0x80, s8;
	v23 =	vor.u32 s15, v4;
	v24 =	vor.u32 s13, v4;
	v19 =	vadd.s32 v7, v19  }
0x7f: {  	v26 =	vperm.xlane v15, v13;
	v25 =	vor.u32 s24, v4;
	v17 =	vadd.s32 v7, v17  }
0x80: {  	v27 =	vor.u32 s16, v4;
	v28 =	vor.u32 s4, v4  }
0x81: {  	v18 =	vadd.s32 v7, v18;
	vm0 =	vlt.u32 v19, $0x10C80  }
0x82: {  	v20 =	vadd.s32 v7, v20;
	vm1 =	vlt.u32 v18, $0x10C80;
	v19 =	vsel vm0, v19, v25  }
0x83: {  	v18 =	vsel vm1, v18, v23;
	vm0 =	vlt.u32 v17, $0x10C80;
	[tilespmem:$0x1390] =	vst v19;
	v19 =	vperm.xlane v15, v11  }
0x84: {  	vm1 =	vlt.u32 v20, $0x10C80;
	v17 =	vsel vm0, v17, v28;
	v15 =	vperm.xlane v15, v12;
	[tilespmem:$0x1380] =	vst v18  }
0x85: {  	v16 =	vadd.s32 v7, v16;
	v18 =	vsel vm1, v20, v21;
	v19 =	vadd.s32 v7, v19;
	[tilespmem:$0x13F0] =	vst v17  }
0x86: {  	vm0 =	vlt.u32 v16, $0x10C80;
	v15 =	vadd.s32 v7, v15;
	[tilespmem:$0x13A0] =	vst v18;
	vm1 =	vlt.u32 v19, $0x10C80  }
0x87: {  	v16 =	vsel vm0, v16, v22;
	vm0 =	vlt.u32 v15, $0x10C80;
	v17 =	vsel vm1, v19, v27  }
0x88: {  	v15 =	vsel vm0, v15, v24;
	[tilespmem:$0x13B0] =	vst v16;
	v16 =	vadd.s32 v7, v26  }
0x89: {  	[tilespmem:$0x13D0] =	vst v15;
	vm0 =	vlt.u32 v16, $0x10C80;
	v15 =	vor.u32 s19, v4  }
0x8a: {  	[tilespmem:$0x13C0] =	vst v17;
	v15 =	vsel vm0, v16, v15  }
0x8b: {  	[tilespmem:$0x13E0] =	vst v15  }
0x8c: {  	_ =	swait.ge [sflag:s28], $0x800  }
0x8d: {  	[sflag:s28] =	ssyncset.done $0x0  }
0x8e: {  	[sflag:s28] =	ssyncadd.s32 $0xFFFFF800  }
0x8f: {  	[spmem:s1] =	stream.indirect.scatter.add.f32 [tilespmem:s21], [sflag:$0x1], $0xA, s0, s29, $0xb8;
	[tilespmem:$0xD000] =	vst v63  }
0x90: {  	_ = 	snop  }
0x91: {  	[spmem:s2] =	stream.indirect.scatter.add.f32 [tilespmem:s31], [sflag:$0x1], $0x1, s0, s29, $0xb8;
	[tilespmem:$0xD000] =	vst v63  }
0x92: {  	_ =	swait.ge [sflag:s28], $0x500  }
0x93: {  	[sflag:s28] =	ssyncset.done $0x0  }
0x94: {  	[sflag:s28] =	ssyncadd.s32 $0xFFFFFB00  }
0x95: {  	_ =	swait.ge [sflag:s28], $0x80  }
0x96: {  	[sflag:s28] =	ssyncset.done $0x0  }
0x97: {  	[sflag:s28] =	ssyncadd.s32 $0xFFFFFF80  }
0x98: {  	_ =	swait.ge [sflag:s28], $0x500  }
0x99: {  	[sflag:s28] =	ssyncset.done $0x0  }
0x9a: {  	[sflag:s28] =	ssyncadd.s32 $0xFFFFFB00  }
0x9b: {  	_ =	swait.ge [sflag:s28], $0x80  }
0x9c: {  	[sflag:s28] =	ssyncset.done $0x0  }
0x9d: {  	s4 =	sadd.s32 $0xFFFFFF00, s17;
	s13 =	sadd.s32 $0xFFFFFF80, s18;
	[sflag:s28] =	ssyncadd.s32 $0xFFFFFF80  }
0x9e: {  	[tilespmem:s3], [sflag:$0x1] =	stream.linear.gather [hbm4b:s4+s3], $0x800, $0x38;
	[tilespmem:$0xD000] =	vst v63  }
0x9f: {  	s19 =	sshra.s32 s18, $0x2;
	s4 =	sand.u32 $0x80, s13  }
0xa0: {  	[tilespmem:s21], [sflag:$0x1] =	stream.linear.gather [hbm4b:s17+s3], $0x800, $0x38;
	[tilespmem:$0xD000] =	vst v63  }
0xa1: {  	s13 =	sadd.s32 $0x10CA0, s4;
	s15 =	sadd.s32 $0x10CB0, s4;
	s16 =	sadd.s32 $0x10CC0, s4;
	v15 =	vld [tilespmem:s19+$0xFE0]  }
0xa2: {  	s20 =	sadd.s32 $0x10C90, s4;
	s24 =	sadd.s32 $0x10CD0, s4;
	s25 =	sadd.s32 $0x10CE0, s4;
	v16 =	vld [tilespmem:s19+$0x10E0]  }
0xa3: {  	s26 =	sadd.s32 $0x10C80, s4;
	s4 =	sadd.s32 $0x10CF0, s4;
	v17 =	vld [tilespmem:s19+$0x11E0];
	_ =	sdelay $0x2  }
0xa4: {  	v15 =	vmul.u32 $0x1081, v15  }
0xa5: {  	v16 =	vmul.u32 $0x41, v16  }
0xa6: {  	v18 =	vor.u32 s26, v4;
	v19 =	vor.u32 s4, v4;
	v15 =	vadd.s32 v0, v15  }
0xa7: {  	v20 =	vor.u32 s25, v4;
	v15 =	vadd.s32 v16, v15;
	v16 =	vor.u32 s20, v4  }
0xa8: {  	v21 =	vor.u32 s24, v4;
	v15 =	vadd.s32 v17, v15;
	v17 =	vor.u32 s16, v4  }
0xa9: {  	v24 =	vor.u32 s15, v4;
	v22 =	vperm.xlane v15, v5;
	v23 =	vperm.xlane v15, v8  }
0xaa: {  	v26 =	vor.u32 s13, v4;
	v25 =	vperm.xlane v15, v9;
	v27 =	vperm.xlane v15, v10  }
0xab: {  	v28 =	vperm.xlane v15, v11;
	v29 =	vperm.xlane v15, v12;
	v22 =	vadd.s32 v7, v22  }
0xac: {  	v30 =	vperm.xlane v15, v13;
	v25 =	vadd.s32 v7, v25;
	v27 =	vadd.s32 v7, v27  }
0xad: {  	v28 =	vadd.s32 v7, v28;
	vm0 =	vlt.u32 v25, $0x10C80;
	vm1 =	vlt.u32 v27, $0x10C80  }
0xae: {  	v25 =	vsel vm0, v25, v26;
	v24 =	vsel vm1, v27, v24;
	vm0 =	vlt.u32 v28, $0x10C80  }
0xaf: {  	v15 =	vperm.xlane v15, v14;
	v17 =	vsel vm0, v28, v17;
	[tilespmem:$0x1320] =	vst v25;
	v25 =	vadd.s32 v7, v29  }
0xb0: {  	v23 =	vadd.s32 v7, v23;
	[tilespmem:$0x1340] =	vst v17;
	vm0 =	vlt.u32 v25, $0x10C80;
	v17 =	vadd.s32 v7, v30  }
0xb1: {  	v15 =	vadd.s32 v7, v15;
	[tilespmem:$0x1330] =	vst v24;
	v21 =	vsel vm0, v25, v21;
	vm0 =	vlt.u32 v17, $0x10C80  }
0xb2: {  	vm1 =	vlt.u32 v23, $0x10C80;
	[tilespmem:$0x1350] =	vst v21;
	v17 =	vsel vm0, v17, v20;
	vm0 =	vlt.u32 v15, $0x10C80  }
0xb3: {  	vm2 =	vlt.u32 v22, $0x10C80;
	v16 =	vsel vm1, v23, v16;
	[tilespmem:$0x1360] =	vst v17;
	v15 =	vsel vm0, v15, v19  }
0xb4: {  	v17 =	vsel vm2, v22, v18;
	[tilespmem:$0x1310] =	vst v16  }
0xb5: {  	[tilespmem:$0x1300] =	vst v17  }
0xb6: {  	[tilespmem:$0x1370] =	vst v15  }
0xb7: {  	_ =	swait.ge [sflag:s28], $0x800  }
0xb8: {  	[sflag:s28] =	ssyncset.done $0x0  }
0xb9: {  	[sflag:s28] =	ssyncadd.s32 $0xFFFFF800  }
0xba: {  	[spmem:s1] =	stream.indirect.scatter.add.f32 [tilespmem:s3], [sflag:$0x1], $0xA, s30, s29, $0xb8;
	[tilespmem:$0xD000] =	vst v63  }
0xbb: {  	_ = 	snop  }
0xbc: {  	[spmem:s2] =	stream.indirect.scatter.add.f32 [tilespmem:s31], [sflag:$0x1], $0x1, s30, s29, $0xb8;
	[tilespmem:$0xD000] =	vst v63  }
0xbd: {  	v15 =	vld [tilespmem:s19+$0xFF0]  }
0xbe: {  	v16 =	vld [tilespmem:s19+$0x10F0];
	_ =	sdelay $0x2  }
0xbf: {  	v17 =	vld [tilespmem:s19+$0x11F0]  }
0xc0: {  	v15 =	vmul.u32 $0x1081, v15  }
.Ltmp1:
0xc1: {  	v16 =	vmul.u32 $0x41, v16;
	(pc) =	sbr.rel @p0 .LBB2_5-.Ltmp1, $4  }
0xc2: {  	v15 =	vadd.s32 v0, v15  }
0xc3: {  	v15 =	vadd.s32 v16, v15  }
0xc4: {  	s18 =	sand.u32 $0x80, s18;
	s17 =	sadd.s32 $0x200, s17;
	v15 =	vadd.s32 v17, v15  }
0xc5: {  	s13 =	sadd.s32 $0x10CB0, s18;
	s20 =	sadd.s32 $0x10CA0, s18;
	s19 =	sadd.s32 $0x10CE0, s18;
	v16 =	vperm.xlane v15, v10;
	v17 =	vperm.xlane v15, v14  }
0xc6: {  	v18 =	vperm.xlane v15, v8  }
0xc7: {  	v19 =	vperm.xlane v15, v5;
	v20 =	vperm.xlane v15, v9;
	v21 =	vor.u32 s20, v4  }
0xc8: {  	s4 =	sadd.s32 $0x10C80, s18;
	v22 =	vor.u32 s13, v4;
	s24 =	sadd.s32 $0x10CD0, s18;
	v26 =	vperm.xlane v15, v13;
	v60 =	vperm.xlane v15, v11  }
0xc9: {  	s8 =	sadd.s32 $0x10C90, s18;
	s25 =	sadd.s32 $0x10CC0, s18;
	v15 =	vperm.xlane v15, v12;
	v23 =	vor.u32 s4, v4;
	v24 =	vor.u32 s24, v4  }
0xca: {  	s26 =	sadd.s32 $0x10CF0, s18;
	v25 =	vor.u32 s8, v4;
	v17 =	vadd.s32 v7, v17;
	v27 =	vor.u32 s25, v4  }
0xcb: {  	v28 =	vor.u32 s26, v4;
	v16 =	vadd.s32 v7, v16;
	vm10 =	vlt.u32 v17, $0x10C80  }
0xcc: {  	v18 =	vadd.s32 v7, v18;
	vm12 =	vlt.u32 v16, $0x10C80;
	v17 =	vsel vm10, v17, v28  }
0xcd: {  	v19 =	vadd.s32 v7, v19;
	vm0 =	vlt.u32 v18, $0x10C80;
	v16 =	vsel vm12, v16, v22;
	[tilespmem:$0x13F0] =	vst v17  }
0xce: {  	v20 =	vadd.s32 v7, v20;
	vm1 =	vlt.u32 v19, $0x10C80;
	v18 =	vsel vm0, v18, v25;
	[tilespmem:$0x13B0] =	vst v16  }
0xcf: {  	v15 =	vadd.s32 v7, v15;
	vm11 =	vlt.u32 v20, $0x10C80;
	v19 =	vsel vm1, v19, v23;
	[tilespmem:$0x1390] =	vst v18  }
0xd0: {  	v62 =	vadd.s32 v7, v60;
	vm13 =	vlt.u32 v15, $0x10C80;
	v61 =	vsel vm11, v20, v21;
	[tilespmem:$0x1380] =	vst v19  }
0xd1: {  	v63 =	vadd.s32 v7, v26;
	vm14 =	vlt.u32 v62, $0x10C80;
	v15 =	vsel vm13, v15, v24;
	[tilespmem:$0x13A0] =	vst v61  }
0xd2: {  	vm15 =	vlt.u32 v63, $0x10C80;
	v17 =	vsel vm14, v62, v27;
	[tilespmem:$0x13D0] =	vst v15;
	v15 =	vor.u32 s19, v4  }
0xd3: {  	[tilespmem:$0x13C0] =	vst v17;
	v15 =	vsel vm15, v63, v15  }
0xd4: {  	[tilespmem:$0x13E0] =	vst v15  }
0xd5: {  	_ =	swait.ge [sflag:s28], $0x800  }
0xd6: {  	[sflag:s28] =	ssyncset.done $0x0  }
0xd7: {  	[sflag:s28] =	ssyncadd.s32 $0xFFFFF800  }
0xd8: {  	[spmem:s1] =	stream.indirect.scatter.add.f32 [tilespmem:s21], [sflag:$0x1], $0xA, s0, s29, $0xb8;
	[tilespmem:$0xD000] =	vst v63  }
0xd9: {  	_ = 	snop  }
0xda: {  	[spmem:s2] =	stream.indirect.scatter.add.f32 [tilespmem:s31], [sflag:$0x1], $0x1, s0, s29, $0xb8;
	[tilespmem:$0xD000] =	vst v63  }
0xdb: {  	_ =	swait.ge [sflag:s28], $0x500  }
0xdc: {  	[sflag:s28] =	ssyncset.done $0x0  }
0xdd: {  	[sflag:s28] =	ssyncadd.s32 $0xFFFFFB00  }
0xde: {  	_ =	swait.ge [sflag:s28], $0x80  }
0xdf: {  	[sflag:s28] =	ssyncset.done $0x0  }
0xe0: {  	s11 =	sadd.s32 $0x1, s11;
	[sflag:s28] =	ssyncadd.s32 $0xFFFFFF80  }
0xe1: {  	p0 =	sne.s32 s11, $0x40;
	_ =	swait.ge [sflag:s28], $0x500  }
.Ltmp2:
0xe2: {  	[sflag:s28] =	ssyncset.done $0x0;
	(pc) =	sbr.rel @p0 .LBB2_4-.Ltmp2, $4  }
0xe3: {  	[sflag:s28] =	ssyncadd.s32 $0xFFFFFB00  }
0xe4: {  	_ =	swait.ge [sflag:s28], $0x80  }
0xe5: {  	[sflag:s28] =	ssyncset.done $0x0  }
0xe6: {  	s14 =	sadd.s32 $0x1000, s14;
	[sflag:s28] =	ssyncadd.s32 $0xFFFFFF80  }
0xe7: {  	p0 =	sle.u32 s10, $0x0;
	[bflag:$0x0] =	sbarrier.arrive $0xFFFF  }
0xe8: {  	s4 =	simm.s32 @!p0 $0x0;
	s8 =	simm.s32 @!p0 $0x3;
	s15 =	rddreg [dreg:$0x9]  }
0xe9: {  	[tilespmem:s4], [sflag:$0x3] =	stream.linear.gather @!p0 [spmem:s15], $0x800, $0x38;
	[tilespmem:$0xD000] =	vst v63  }
0xea: {  	_ =	swait.ge @!p0 [sflag:s8], $0x800  }
0xeb: {  	[sflag:s8] =	ssyncset.done @!p0 $0x0;
	p0 =	por p0, p0  }
0xec: {  	s14 =	rddreg [dreg:$0xa];
	[sflag:s8] =	ssyncadd.s32 @!p0 $0xFFFFF800;
	s13 =	simm.s32 @!p0 $0x1480  }
0xed: {  	[tilespmem:s13], [sflag:$0x3] =	stream.linear.gather @!p0 [spmem:s14], $0x80, $0x38;
	[tilespmem:$0xD000] =	vst v63  }
0xee: {  	_ =	swait.ge @!p0 [sflag:s8], $0x80  }
0xef: {  	[sflag:s8] =	ssyncset.done @!p0 $0x0  }
0xf0: {  	s11 =	rddreg [dreg:$0xc];
	[sflag:s8] =	ssyncadd.s32 @!p0 $0xFFFFFF80  }
0xf1: {  	[hbm4b:s11+s4] =	stream.linear.scatter @!p0 [tilespmem:s4], [sflag:$0x3], $0x800, $0x38;
	[tilespmem:$0xD000] =	vst v63  }
0xf2: {  	_ =	swait.ge @!p0 [sflag:s8], $0x800  }
0xf3: {  	s17 =	simm.s32 $0x2;
	p2 =	sle.u32 s10, $0x1;
	[sflag:s8] =	ssyncset.done @!p0 $0x0  }
0xf4: {  	s19 =	simm.s32 @!p0 $0x2;
	[sflag:s8] =	ssyncadd.s32 @!p0 $0xFFFFF800;
	s8 =	rddreg [dreg:$0xb]  }
0xf5: {  	[hbm4b:s8+s4] =	stream.linear.scatter @!p0 [tilespmem:s13], [sflag:$0x2], $0x80, $0x38;
	[tilespmem:$0xD000] =	vst v63  }
0xf6: {  	s18 =	sadd.s32 $0x800, s15;
	s14 =	sadd.s32 $0x80, s14;
	_ =	swait.ge @!p0 [sflag:s19], $0x80  }
0xf7: {  	s11 =	sadd.s32 $0x100, s11;
	s8 =	sadd.s32 $0x10, s8;
	[sflag:s19] =	ssyncset.done @!p0 $0x0  }
.LBB2_8:
0xf8: {  	s4 =	simm.s32 @!p2 $0x0;
	s13 =	simm.s32 @!p2 $0x3;
	[sflag:s19] =	ssyncadd.s32 @!p0 $0xFFFFFF80  }
0xf9: {  	[tilespmem:s4], [sflag:$0x3] =	stream.linear.gather @!p2 [spmem:s18], $0x800, $0x38;
	[tilespmem:$0xD000] =	vst v63  }
0xfa: {  	s15 =	smov.u32 s17;
	s17 =	sadd.s32 $0x1, s17;
	_ =	swait.ge @!p2 [sflag:s13], $0x800  }
0xfb: {  	p0 =	por p2, p2;
	p1 =	sne.s32 s17, $0x22;
	[sflag:s13] =	ssyncset.done @!p2 $0x0  }
0xfc: {  	s16 =	simm.s32 @!p0 $0x1480;
	[sflag:s13] =	ssyncadd.s32 @!p0 $0xFFFFF800  }
0xfd: {  	[tilespmem:s16], [sflag:$0x3] =	stream.linear.gather @!p0 [spmem:s14], $0x80, $0x38;
	[tilespmem:$0xD000] =	vst v63  }
0xfe: {  	_ =	swait.ge @!p0 [sflag:s13], $0x80  }
0xff: {  	[sflag:s13] =	ssyncset.done @!p0 $0x0  }
0x100: {  	[sflag:s13] =	ssyncadd.s32 @!p0 $0xFFFFFF80  }
0x101: {  	[hbm4b:s11+s4] =	stream.linear.scatter @!p0 [tilespmem:s4], [sflag:$0x3], $0x800, $0x38;
	[tilespmem:$0xD000] =	vst v63  }
0x102: {  	_ =	swait.ge @!p0 [sflag:s13], $0x800  }
.Ltmp3:
0x103: {  	[sflag:s13] =	ssyncset.done @!p0 $0x0;
	(pc) =	sbr.rel @p1 .LBB2_8-.Ltmp3, $4  }
0x104: {  	s19 =	simm.s32 @!p0 $0x2;
	s11 =	sadd.s32 $0x100, s11;
	[sflag:s13] =	ssyncadd.s32 @!p0 $0xFFFFF800  }
0x105: {  	[hbm4b:s8+s4] =	stream.linear.scatter @!p0 [tilespmem:s16], [sflag:$0x2], $0x80, $0x38;
	[tilespmem:$0xD000] =	vst v63  }
0x106: {  	s14 =	sadd.s32 $0x80, s14;
	s8 =	sadd.s32 $0x10, s8;
	_ =	swait.ge @!p0 [sflag:s19], $0x80  }
0x107: {  	s18 =	sadd.s32 $0x800, s18;
	p2 =	sge.u32 s15, s10;
	[sflag:s19] =	ssyncset.done @!p0 $0x0  }
0x108: {  	s4 =	simm.s32 @!p2 $0x0;
	s13 =	simm.s32 @!p2 $0x3;
	[sflag:s19] =	ssyncadd.s32 @!p0 $0xFFFFFF80  }
0x109: {  	[tilespmem:s4], [sflag:$0x3] =	stream.linear.gather @!p2 [spmem:s18], $0x800, $0x38;
	[tilespmem:$0xD000] =	vst v63  }
0x10a: {  	_ =	swait.ge @!p2 [sflag:s13], $0x800  }
0x10b: {  	p0 =	por p2, p2;
	[sflag:s13] =	ssyncset.done @!p2 $0x0  }
0x10c: {  	s15 =	simm.s32 @!p0 $0x1480;
	[sflag:s13] =	ssyncadd.s32 @!p0 $0xFFFFF800  }
0x10d: {  	[tilespmem:s15], [sflag:$0x3] =	stream.linear.gather @!p0 [spmem:s14], $0x80, $0x38;
	[tilespmem:$0xD000] =	vst v63  }
0x10e: {  	_ =	swait.ge @!p0 [sflag:s13], $0x80  }
0x10f: {  	[sflag:s13] =	ssyncset.done @!p0 $0x0  }
0x110: {  	[sflag:s13] =	ssyncadd.s32 @!p0 $0xFFFFFF80  }
0x111: {  	[hbm4b:s11+s4] =	stream.linear.scatter @!p0 [tilespmem:s4], [sflag:$0x3], $0x800, $0x38;
	[tilespmem:$0xD000] =	vst v63  }
0x112: {  	_ =	swait.ge @!p0 [sflag:s13], $0x800  }
0x113: {  	[sflag:s13] =	ssyncset.done @!p0 $0x0  }
0x114: {  	s11 =	simm.s32 @!p0 $0x2;
	[sflag:s13] =	ssyncadd.s32 @!p0 $0xFFFFF800  }
0x115: {  	[hbm4b:s8+s4] =	stream.linear.scatter @!p0 [tilespmem:s15], [sflag:$0x2], $0x80, $0x38;
	[tilespmem:$0xD000] =	vst v63  }
0x116: {  	_ =	swait.ge @!p0 [sflag:s11], $0x80  }
0x117: {  	[sflag:s11] =	ssyncset.done @!p0 $0x0  }
0x118: {  	[sflag:s11] =	ssyncadd.s32 @!p0 $0xFFFFFF80  }
0x119: {  	[bflag:$0x0] =	sbarrier.arrive $0xFFFF  }
0x11a: {  	[tilespmem:$0x1480] =	vst v6  }
0x11b: {  	[tilespmem:$0x1490] =	vst v6  }
0x11c: {  	[tilespmem:$0x14A0] =	vst v6  }
0x11d: {  	[tilespmem:$0x14B0] =	vst v6  }
0x11e: {  	[tilespmem:$0x14C0] =	vst v6  }
0x11f: {  	[tilespmem:$0x14D0] =	vst v6  }
0x120: {  	[tilespmem:$0x14E0] =	vst v6  }
0x121: {  	s24 =	simm.s32 $0x0;
	[tilespmem:$0x14F0] =	vst v6;
	s25 =	rddreg [dreg:$0x5]  }
0x122: {  	[tilespmem:s21], [sflag:$0x2] =	stream.linear.gather [hbm4b:s25+s24], $0x800, $0x38;
	[tilespmem:$0xD000] =	vst v63  }
0x123: {  	_ =	swait.ge [sflag:s22], $0x800  }
0x124: {  	[sflag:s22] =	ssyncset.done $0x0  }
0x125: {  	s11 =	rddreg [dreg:$0x7];
	[sflag:s22] =	ssyncadd.s32 $0xFFFFF800  }
0x126: {  	[spmem:s11] =	stream.linear.scatter [tilespmem:s21], [sflag:$0x2], $0x800, $0x38;
	[tilespmem:$0xD000] =	vst v63  }
0x127: {  	_ =	swait.ge [sflag:s22], $0x800  }
0x128: {  	[sflag:s22] =	ssyncset.done $0x0  }
0x129: {  	s26 =	sadd.s32 $0x0, s12;
	[sflag:s22] =	ssyncadd.s32 $0xFFFFF800  }
0x12a: {  	[spmem:s26] =	stream.linear.scatter [tilespmem:s23], [sflag:$0x2], $0x80, $0x38;
	[tilespmem:$0xD000] =	vst v63  }
0x12b: {  	_ =	swait.ge [sflag:s22], $0x80  }
0x12c: {  	s8 =	simm.s32 $0x200;
	[sflag:s22] =	ssyncset.done $0x0  }
.LBB2_10:
0x12d: {  	p0 =	sne.s32 s8, $0x4200;
	[sflag:s22] =	ssyncadd.s32 $0xFFFFFF80;
	s11 =	sadd.s32 $0x800, s11  }
0x12e: {  	[spmem:s11] =	stream.linear.scatter [tilespmem:s21], [sflag:$0x2], $0x800, $0x38;
	[tilespmem:$0xD000] =	vst v63  }
0x12f: {  	s4 =	smov.u32 s8;
	s8 =	sadd.s32 $0x200, s8;
	_ =	swait.ge [sflag:s22], $0x800  }
.Ltmp4:
0x130: {  	s4 =	sshra.s32 s4, $0x2;
	[sflag:s22] =	ssyncset.done $0x0;
	(pc) =	sbr.rel @p0 .LBB2_10-.Ltmp4, $4  }
0x131: {  	s4 =	sadd.s32 s4, s12;
	[sflag:s22] =	ssyncadd.s32 $0xFFFFF800  }
0x132: {  	[spmem:s4] =	stream.linear.scatter [tilespmem:s23], [sflag:$0x2], $0x80, $0x38;
	[tilespmem:$0xD000] =	vst v63  }
0x133: {  	_ =	swait.ge [sflag:s22], $0x80  }
0x134: {  	[sflag:s22] =	ssyncset.done $0x0  }
0x135: {  	[sflag:s22] =	ssyncadd.s32 $0xFFFFFF80  }
0x136: {  	[bflag:$0x0] =	sbarrier.arrive $0xFFFF  }
0x137: {  	s11 =	simm.s32 $0x0;
	s14 =	rddreg [dreg:$0x8]  }
.LBB2_12:
0x138: {  	s4 =	sshll.u32 s11, $0x8  }
0x139: {  	s4 =	sadd.s32 s9, s4  }
0x13a: {  	s4 =	sshrl.u32 s4, $0x3  }
0x13b: {  	s13 =	simm.s32 $0x1000;
	s8 =	sadd.s32 s5, s4  }
0x13c: {  	[tilespmem:s13], [sflag:$0x2] =	stream.linear.gather [hbm4b:s8+s3], $0x100, $0x38;
	[tilespmem:$0xD000] =	vst v63  }
0x13d: {  	_ =	swait.ge [sflag:s22], $0x100  }
0x13e: {  	[sflag:s22] =	ssyncset.done $0x0  }
0x13f: {  	s20 =	simm.s32 $0x1100;
	s19 =	sadd.s32 s6, s4;
	[sflag:s22] =	ssyncadd.s32 $0xFFFFFF00  }
0x140: {  	[tilespmem:s20], [sflag:$0x2] =	stream.linear.gather [hbm4b:s19+s3], $0x100, $0x38;
	[tilespmem:$0xD000] =	vst v63  }
0x141: {  	_ =	swait.ge [sflag:s22], $0x100  }
0x142: {  	[sflag:s22] =	ssyncset.done $0x0  }
0x143: {  	s24 =	simm.s32 $0x1200;
	s4 =	sadd.s32 s7, s4;
	[sflag:s22] =	ssyncadd.s32 $0xFFFFFF00  }
0x144: {  	[tilespmem:s24], [sflag:$0x2] =	stream.linear.gather [hbm4b:s4+s3], $0x100, $0x38;
	[tilespmem:$0xD000] =	vst v63  }
0x145: {  	_ =	swait.ge [sflag:s22], $0x100  }
0x146: {  	[sflag:s22] =	ssyncset.done $0x0  }
0x147: {  	s25 =	sadd.s32 $0xFFFFFF00, s14;
	[sflag:s22] =	ssyncadd.s32 $0xFFFFFF00  }
0x148: {  	[tilespmem:s3], [sflag:$0x1] =	stream.linear.gather [hbm4b:s25+s3], $0x800, $0x38;
	[tilespmem:$0xD000] =	vst v63  }
0x149: {  	s26 =	simm.s32 $0x20  }
0x14a: {  	[tilespmem:s21], [sflag:$0x1] =	stream.linear.gather [hbm4b:s14+s3], $0x800, $0x38;
	[tilespmem:$0xD000] =	vst v63  }
0x14b: {  	v15 =	vld [tilespmem:s26+$0xFE0]  }
0x14c: {  	v16 =	vld [tilespmem:s26+$0x10E0];
	_ =	sdelay $0x2  }
0x14d: {  	v17 =	vld [tilespmem:s26+$0x11E0]  }
0x14e: {  	s17 =	simm.s32 $0x0;
	v15 =	vmul.u32 $0x1081, v15  }
0x14f: {  	s4 =	sand.u32 $0x80, s17;
	v16 =	vmul.u32 $0x41, v16  }
0x150: {  	s18 =	sadd.s32 $0x10C80, s4;
	v15 =	vadd.s32 v1, v15  }
0x151: {  	s16 =	sadd.s32 $0x10CE0, s4;
	s20 =	sadd.s32 $0x10CD0, s4;
	v18 =	vor.u32 s18, v4;
	v15 =	vadd.s32 v16, v15  }
0x152: {  	s24 =	sadd.s32 $0x10CA0, s4;
	v19 =	vor.u32 s16, v4;
	v22 =	vor.u32 s20, v4;
	s25 =	sadd.s32 $0x10CB0, s4;
	v15 =	vadd.s32 v17, v15  }
0x153: {  	s15 =	sadd.s32 $0x10C90, s4;
	v26 =	vor.u32 s24, v4;
	v25 =	vor.u32 s25, v4;
	v20 =	vperm.xlane v15, v5  }
0x154: {  	s19 =	sadd.s32 $0x10CC0, s4;
	v16 =	vor.u32 s15, v4;
	v21 =	vperm.xlane v15, v8;
	v23 =	vperm.xlane v15, v9  }
0x155: {  	v17 =	vor.u32 s19, v4;
	v24 =	vperm.xlane v15, v10;
	v27 =	vperm.xlane v15, v11  }
0x156: {  	v28 =	vperm.xlane v15, v12;
	v29 =	vperm.xlane v15, v13;
	v23 =	vadd.s32 v7, v23  }
0x157: {  	v15 =	vperm.xlane v15, v14;
	v27 =	vadd.s32 v7, v27;
	vm0 =	vlt.u32 v23, v2  }
0x158: {  	v24 =	vadd.s32 v7, v24;
	vm10 =	vlt.u32 v27, v2;
	v23 =	vsel vm0, v23, v26  }
0x159: {  	v63 =	vadd.s32 v7, v28;
	vm1 =	vlt.u32 v24, v2;
	v17 =	vsel vm10, v27, v17;
	[tilespmem:$0x1320] =	vst v23  }
0x15a: {  	v21 =	vadd.s32 v7, v21;
	vm11 =	vlt.u32 v63, v2;
	v24 =	vsel vm1, v24, v25;
	[tilespmem:$0x1340] =	vst v17  }
0x15b: {  	vm13 =	vlt.u32 v21, v2;
	v22 =	vsel vm11, v63, v22;
	v17 =	vadd.s32 v7, v29;
	[tilespmem:$0x1330] =	vst v24  }
0x15c: {  	v20 =	vadd.s32 v7, v20;
	v16 =	vsel vm13, v21, v16;
	[tilespmem:$0x1350] =	vst v22;
	vm12 =	vlt.u32 v17, v2  }
0x15d: {  	s4 =	sadd.s32 $0x10CF0, s4;
	v15 =	vadd.s32 v7, v15;
	vm14 =	vlt.u32 v20, v2;
	[tilespmem:$0x1310] =	vst v16;
	v17 =	vsel vm12, v17, v19  }
0x15e: {  	vm15 =	vlt.u32 v15, v2;
	v18 =	vsel vm14, v20, v18;
	[tilespmem:$0x1360] =	vst v17;
	v17 =	vor.u32 s4, v4  }
0x15f: {  	[tilespmem:$0x1300] =	vst v18;
	v15 =	vsel vm15, v15, v17  }
0x160: {  	[tilespmem:$0x1370] =	vst v15  }
0x161: {  	_ =	swait.ge [sflag:s28], $0x800  }
0x162: {  	[sflag:s28] =	ssyncset.done $0x0  }
0x163: {  	[sflag:s28] =	ssyncadd.s32 $0xFFFFF800  }
0x164: {  	[spmem:s1] =	stream.indirect.scatter.add.f32 [tilespmem:s3], [sflag:$0x1], $0xA, s30, s29, $0xb8;
	[tilespmem:$0xD000] =	vst v63  }
0x165: {  	_ = 	snop  }
0x166: {  	[spmem:s2] =	stream.indirect.scatter.add.f32 [tilespmem:s31], [sflag:$0x1], $0x1, s30, s29, $0xb8;
	[tilespmem:$0xD000] =	vst v63  }
0x167: {  	v15 =	vld [tilespmem:s26+$0xFF0]  }
0x168: {  	v16 =	vld [tilespmem:s26+$0x10F0];
	_ =	sdelay $0x2  }
0x169: {  	v17 =	vld [tilespmem:s26+$0x11F0]  }
0x16a: {  	v15 =	vmul.u32 $0x1081, v15  }
0x16b: {  	v16 =	vmul.u32 $0x41, v16  }
0x16c: {  	v15 =	vadd.s32 v1, v15  }
0x16d: {  	s26 =	simm.s32 $0x80;
	v15 =	vadd.s32 v16, v15  }
0x16e: {  	s8 =	simm.s32 $0x100;
	s17 =	sadd.s32 $0x200, s14;
	s18 =	sand.u32 $0x80, s26;
	v15 =	vadd.s32 v17, v15  }
0x16f: {  	s20 =	sadd.s32 $0x10CA0, s18;
	s13 =	sadd.s32 $0x10CB0, s18;
	s19 =	sadd.s32 $0x10CE0, s18;
	v16 =	vperm.xlane v15, v10;
	v17 =	vperm.xlane v15, v14  }
.LBB2_13:
0x170: {  	v18 =	vperm.xlane v15, v5;
	s4 =	sadd.s32 $0x10C80, s18;
	v19 =	vperm.xlane v15, v8;
	s15 =	sadd.s32 $0x10CC0, s18;
	s16 =	sadd.s32 $0x10CF0, s18  }
0x171: {  	p0 =	sne.s32 s8, $0x400;
	s24 =	sadd.s32 $0x10C90, s18;
	v20 =	vperm.xlane v15, v9;
	v21 =	vor.u32 s20, v4;
	v22 =	vor.u32 s13, v4;
	s13 =	sadd.s32 $0x10CD0, s18  }
0x172: {  	s18 =	smov.u32 s8;
	s8 =	sadd.s32 $0x80, s8;
	v23 =	vor.u32 s4, v4;
	v24 =	vor.u32 s13, v4;
	v19 =	vadd.s32 v7, v19  }
0x173: {  	v26 =	vperm.xlane v15, v13;
	v25 =	vor.u32 s24, v4;
	v17 =	vadd.s32 v7, v17  }
0x174: {  	v27 =	vor.u32 s15, v4;
	v28 =	vor.u32 s16, v4  }
0x175: {  	v18 =	vadd.s32 v7, v18;
	vm0 =	vlt.u32 v19, v2  }
0x176: {  	v20 =	vadd.s32 v7, v20;
	vm1 =	vlt.u32 v18, v2;
	v19 =	vsel vm0, v19, v25  }
0x177: {  	v18 =	vsel vm1, v18, v23;
	vm0 =	vlt.u32 v17, v2;
	[tilespmem:$0x1390] =	vst v19;
	v19 =	vperm.xlane v15, v11  }
0x178: {  	vm1 =	vlt.u32 v20, v2;
	v17 =	vsel vm0, v17, v28;
	v15 =	vperm.xlane v15, v12;
	[tilespmem:$0x1380] =	vst v18  }
0x179: {  	v16 =	vadd.s32 v7, v16;
	v18 =	vsel vm1, v20, v21;
	v19 =	vadd.s32 v7, v19;
	[tilespmem:$0x13F0] =	vst v17  }
0x17a: {  	vm0 =	vlt.u32 v16, v2;
	v15 =	vadd.s32 v7, v15;
	[tilespmem:$0x13A0] =	vst v18;
	vm1 =	vlt.u32 v19, v2  }
0x17b: {  	v16 =	vsel vm0, v16, v22;
	vm0 =	vlt.u32 v15, v2;
	v17 =	vsel vm1, v19, v27  }
0x17c: {  	v15 =	vsel vm0, v15, v24;
	[tilespmem:$0x13B0] =	vst v16;
	v16 =	vadd.s32 v7, v26  }
0x17d: {  	[tilespmem:$0x13D0] =	vst v15;
	vm0 =	vlt.u32 v16, v2;
	v15 =	vor.u32 s19, v4  }
0x17e: {  	[tilespmem:$0x13C0] =	vst v17;
	v15 =	vsel vm0, v16, v15  }
0x17f: {  	[tilespmem:$0x13E0] =	vst v15  }
0x180: {  	_ =	swait.ge [sflag:s28], $0x800  }
0x181: {  	[sflag:s28] =	ssyncset.done $0x0  }
0x182: {  	[sflag:s28] =	ssyncadd.s32 $0xFFFFF800  }
0x183: {  	[spmem:s1] =	stream.indirect.scatter.add.f32 [tilespmem:s21], [sflag:$0x1], $0xA, s0, s29, $0xb8;
	[tilespmem:$0xD000] =	vst v63  }
0x184: {  	_ = 	snop  }
0x185: {  	[spmem:s2] =	stream.indirect.scatter.add.f32 [tilespmem:s31], [sflag:$0x1], $0x1, s0, s29, $0xb8;
	[tilespmem:$0xD000] =	vst v63  }
0x186: {  	_ =	swait.ge [sflag:s28], $0x500  }
0x187: {  	[sflag:s28] =	ssyncset.done $0x0  }
0x188: {  	[sflag:s28] =	ssyncadd.s32 $0xFFFFFB00  }
0x189: {  	_ =	swait.ge [sflag:s28], $0x80  }
0x18a: {  	[sflag:s28] =	ssyncset.done $0x0  }
0x18b: {  	[sflag:s28] =	ssyncadd.s32 $0xFFFFFF80  }
0x18c: {  	_ =	swait.ge [sflag:s28], $0x500  }
0x18d: {  	[sflag:s28] =	ssyncset.done $0x0  }
0x18e: {  	[sflag:s28] =	ssyncadd.s32 $0xFFFFFB00  }
0x18f: {  	_ =	swait.ge [sflag:s28], $0x80  }
0x190: {  	[sflag:s28] =	ssyncset.done $0x0  }
0x191: {  	s4 =	sadd.s32 $0xFFFFFF00, s17;
	s13 =	sadd.s32 $0xFFFFFF80, s18;
	[sflag:s28] =	ssyncadd.s32 $0xFFFFFF80  }
0x192: {  	[tilespmem:s3], [sflag:$0x1] =	stream.linear.gather [hbm4b:s4+s3], $0x800, $0x38;
	[tilespmem:$0xD000] =	vst v63  }
0x193: {  	s19 =	sshra.s32 s18, $0x2;
	s4 =	sand.u32 $0x80, s13  }
0x194: {  	[tilespmem:s21], [sflag:$0x1] =	stream.linear.gather [hbm4b:s17+s3], $0x800, $0x38;
	[tilespmem:$0xD000] =	vst v63  }
0x195: {  	s13 =	sadd.s32 $0x10CA0, s4;
	s15 =	sadd.s32 $0x10CB0, s4;
	s16 =	sadd.s32 $0x10CC0, s4;
	v15 =	vld [tilespmem:s19+$0xFE0]  }
0x196: {  	s20 =	sadd.s32 $0x10C90, s4;
	s24 =	sadd.s32 $0x10CD0, s4;
	s25 =	sadd.s32 $0x10CE0, s4;
	v16 =	vld [tilespmem:s19+$0x10E0]  }
0x197: {  	s26 =	sadd.s32 $0x10C80, s4;
	s4 =	sadd.s32 $0x10CF0, s4;
	v17 =	vld [tilespmem:s19+$0x11E0];
	_ =	sdelay $0x2  }
0x198: {  	v15 =	vmul.u32 $0x1081, v15  }
0x199: {  	v16 =	vmul.u32 $0x41, v16  }
0x19a: {  	v18 =	vor.u32 s26, v4;
	v19 =	vor.u32 s4, v4;
	v15 =	vadd.s32 v1, v15  }
0x19b: {  	v20 =	vor.u32 s25, v4;
	v15 =	vadd.s32 v16, v15;
	v16 =	vor.u32 s20, v4  }
0x19c: {  	v21 =	vor.u32 s24, v4;
	v15 =	vadd.s32 v17, v15;
	v17 =	vor.u32 s16, v4  }
0x19d: {  	v24 =	vor.u32 s15, v4;
	v22 =	vperm.xlane v15, v5;
	v23 =	vperm.xlane v15, v8  }
0x19e: {  	v26 =	vor.u32 s13, v4;
	v25 =	vperm.xlane v15, v9;
	v27 =	vperm.xlane v15, v10  }
0x19f: {  	v28 =	vperm.xlane v15, v11;
	v29 =	vperm.xlane v15, v12;
	v22 =	vadd.s32 v7, v22  }
0x1a0: {  	v30 =	vperm.xlane v15, v13;
	v25 =	vadd.s32 v7, v25;
	v27 =	vadd.s32 v7, v27  }
0x1a1: {  	v28 =	vadd.s32 v7, v28;
	vm0 =	vlt.u32 v25, v2;
	vm1 =	vlt.u32 v27, v2  }
0x1a2: {  	v25 =	vsel vm0, v25, v26;
	v24 =	vsel vm1, v27, v24;
	vm0 =	vlt.u32 v28, v2  }
0x1a3: {  	v15 =	vperm.xlane v15, v14;
	v17 =	vsel vm0, v28, v17;
	[tilespmem:$0x1320] =	vst v25;
	v25 =	vadd.s32 v7, v29  }
0x1a4: {  	v23 =	vadd.s32 v7, v23;
	[tilespmem:$0x1340] =	vst v17;
	vm0 =	vlt.u32 v25, v2;
	v17 =	vadd.s32 v7, v30  }
0x1a5: {  	v15 =	vadd.s32 v7, v15;
	[tilespmem:$0x1330] =	vst v24;
	v21 =	vsel vm0, v25, v21;
	vm0 =	vlt.u32 v17, v2  }
0x1a6: {  	vm1 =	vlt.u32 v23, v2;
	[tilespmem:$0x1350] =	vst v21;
	v17 =	vsel vm0, v17, v20;
	vm0 =	vlt.u32 v15, v2  }
0x1a7: {  	vm2 =	vlt.u32 v22, v2;
	v16 =	vsel vm1, v23, v16;
	[tilespmem:$0x1360] =	vst v17;
	v15 =	vsel vm0, v15, v19  }
0x1a8: {  	v17 =	vsel vm2, v22, v18;
	[tilespmem:$0x1310] =	vst v16  }
0x1a9: {  	[tilespmem:$0x1300] =	vst v17  }
0x1aa: {  	[tilespmem:$0x1370] =	vst v15  }
0x1ab: {  	_ =	swait.ge [sflag:s28], $0x800  }
0x1ac: {  	[sflag:s28] =	ssyncset.done $0x0  }
0x1ad: {  	[sflag:s28] =	ssyncadd.s32 $0xFFFFF800  }
0x1ae: {  	[spmem:s1] =	stream.indirect.scatter.add.f32 [tilespmem:s3], [sflag:$0x1], $0xA, s30, s29, $0xb8;
	[tilespmem:$0xD000] =	vst v63  }
0x1af: {  	_ = 	snop  }
0x1b0: {  	[spmem:s2] =	stream.indirect.scatter.add.f32 [tilespmem:s31], [sflag:$0x1], $0x1, s30, s29, $0xb8;
	[tilespmem:$0xD000] =	vst v63  }
0x1b1: {  	v15 =	vld [tilespmem:s19+$0xFF0]  }
0x1b2: {  	v16 =	vld [tilespmem:s19+$0x10F0];
	_ =	sdelay $0x2  }
0x1b3: {  	v17 =	vld [tilespmem:s19+$0x11F0]  }
0x1b4: {  	v15 =	vmul.u32 $0x1081, v15  }
.Ltmp5:
0x1b5: {  	v16 =	vmul.u32 $0x41, v16;
	(pc) =	sbr.rel @p0 .LBB2_13-.Ltmp5, $4  }
0x1b6: {  	v15 =	vadd.s32 v1, v15  }
0x1b7: {  	v15 =	vadd.s32 v16, v15  }
0x1b8: {  	s18 =	sand.u32 $0x80, s18;
	s17 =	sadd.s32 $0x200, s17;
	v15 =	vadd.s32 v17, v15  }
0x1b9: {  	s13 =	sadd.s32 $0x10CB0, s18;
	s20 =	sadd.s32 $0x10CA0, s18;
	s19 =	sadd.s32 $0x10CE0, s18;
	v16 =	vperm.xlane v15, v10;
	v17 =	vperm.xlane v15, v14  }
0x1ba: {  	v18 =	vperm.xlane v15, v8  }
0x1bb: {  	v19 =	vperm.xlane v15, v5;
	v20 =	vperm.xlane v15, v9;
	v21 =	vor.u32 s20, v4  }
0x1bc: {  	s4 =	sadd.s32 $0x10C80, s18;
	v22 =	vor.u32 s13, v4;
	s24 =	sadd.s32 $0x10CD0, s18;
	v26 =	vperm.xlane v15, v13;
	v60 =	vperm.xlane v15, v11  }
0x1bd: {  	s8 =	sadd.s32 $0x10C90, s18;
	s25 =	sadd.s32 $0x10CC0, s18;
	v15 =	vperm.xlane v15, v12;
	v23 =	vor.u32 s4, v4;
	v24 =	vor.u32 s24, v4  }
0x1be: {  	s26 =	sadd.s32 $0x10CF0, s18;
	v25 =	vor.u32 s8, v4;
	v17 =	vadd.s32 v7, v17;
	v27 =	vor.u32 s25, v4  }
0x1bf: {  	v28 =	vor.u32 s26, v4;
	v16 =	vadd.s32 v7, v16;
	vm10 =	vlt.u32 v17, v2  }
0x1c0: {  	v18 =	vadd.s32 v7, v18;
	vm12 =	vlt.u32 v16, v2;
	v17 =	vsel vm10, v17, v28  }
0x1c1: {  	v19 =	vadd.s32 v7, v19;
	vm0 =	vlt.u32 v18, v2;
	v16 =	vsel vm12, v16, v22;
	[tilespmem:$0x13F0] =	vst v17  }
0x1c2: {  	v20 =	vadd.s32 v7, v20;
	vm1 =	vlt.u32 v19, v2;
	v18 =	vsel vm0, v18, v25;
	[tilespmem:$0x13B0] =	vst v16  }
0x1c3: {  	v15 =	vadd.s32 v7, v15;
	vm11 =	vlt.u32 v20, v2;
	v19 =	vsel vm1, v19, v23;
	[tilespmem:$0x1390] =	vst v18  }
0x1c4: {  	v62 =	vadd.s32 v7, v60;
	vm13 =	vlt.u32 v15, v2;
	v61 =	vsel vm11, v20, v21;
	[tilespmem:$0x1380] =	vst v19  }
0x1c5: {  	v63 =	vadd.s32 v7, v26;
	vm14 =	vlt.u32 v62, v2;
	v15 =	vsel vm13, v15, v24;
	[tilespmem:$0x13A0] =	vst v61  }
0x1c6: {  	vm15 =	vlt.u32 v63, v2;
	v17 =	vsel vm14, v62, v27;
	[tilespmem:$0x13D0] =	vst v15;
	v15 =	vor.u32 s19, v4  }
0x1c7: {  	[tilespmem:$0x13C0] =	vst v17;
	v15 =	vsel vm15, v63, v15  }
0x1c8: {  	[tilespmem:$0x13E0] =	vst v15  }
0x1c9: {  	_ =	swait.ge [sflag:s28], $0x800  }
0x1ca: {  	[sflag:s28] =	ssyncset.done $0x0  }
0x1cb: {  	[sflag:s28] =	ssyncadd.s32 $0xFFFFF800  }
0x1cc: {  	[spmem:s1] =	stream.indirect.scatter.add.f32 [tilespmem:s21], [sflag:$0x1], $0xA, s0, s29, $0xb8;
	[tilespmem:$0xD000] =	vst v63  }
0x1cd: {  	_ = 	snop  }
0x1ce: {  	[spmem:s2] =	stream.indirect.scatter.add.f32 [tilespmem:s31], [sflag:$0x1], $0x1, s0, s29, $0xb8;
	[tilespmem:$0xD000] =	vst v63  }
0x1cf: {  	_ =	swait.ge [sflag:s28], $0x500  }
0x1d0: {  	[sflag:s28] =	ssyncset.done $0x0  }
0x1d1: {  	[sflag:s28] =	ssyncadd.s32 $0xFFFFFB00  }
0x1d2: {  	_ =	swait.ge [sflag:s28], $0x80  }
0x1d3: {  	[sflag:s28] =	ssyncset.done $0x0  }
0x1d4: {  	s11 =	sadd.s32 $0x1, s11;
	[sflag:s28] =	ssyncadd.s32 $0xFFFFFF80  }
0x1d5: {  	p0 =	sne.s32 s11, $0x40;
	_ =	swait.ge [sflag:s28], $0x500  }
.Ltmp6:
0x1d6: {  	[sflag:s28] =	ssyncset.done $0x0;
	(pc) =	sbr.rel @p0 .LBB2_12-.Ltmp6, $4  }
0x1d7: {  	[sflag:s28] =	ssyncadd.s32 $0xFFFFFB00  }
0x1d8: {  	_ =	swait.ge [sflag:s28], $0x80  }
0x1d9: {  	[sflag:s28] =	ssyncset.done $0x0  }
0x1da: {  	s14 =	sadd.s32 $0x1000, s14;
	[sflag:s28] =	ssyncadd.s32 $0xFFFFFF80  }
0x1db: {  	p0 =	sle.u32 s10, $0x0;
	[bflag:$0x0] =	sbarrier.arrive $0xFFFF  }
0x1dc: {  	s4 =	simm.s32 @!p0 $0x0;
	s8 =	simm.s32 @!p0 $0x3;
	s15 =	rddreg [dreg:$0x9]  }
0x1dd: {  	[tilespmem:s4], [sflag:$0x3] =	stream.linear.gather @!p0 [spmem:s15], $0x800, $0x38;
	[tilespmem:$0xD000] =	vst v63  }
0x1de: {  	_ =	swait.ge @!p0 [sflag:s8], $0x800  }
0x1df: {  	[sflag:s8] =	ssyncset.done @!p0 $0x0;
	p0 =	por p0, p0  }
0x1e0: {  	s14 =	rddreg [dreg:$0xa];
	[sflag:s8] =	ssyncadd.s32 @!p0 $0xFFFFF800;
	s13 =	simm.s32 @!p0 $0x1480  }
0x1e1: {  	[tilespmem:s13], [sflag:$0x3] =	stream.linear.gather @!p0 [spmem:s14], $0x80, $0x38;
	[tilespmem:$0xD000] =	vst v63  }
0x1e2: {  	_ =	swait.ge @!p0 [sflag:s8], $0x80  }
0x1e3: {  	[sflag:s8] =	ssyncset.done @!p0 $0x0  }
0x1e4: {  	s11 =	rddreg [dreg:$0xe];
	[sflag:s8] =	ssyncadd.s32 @!p0 $0xFFFFFF80  }
0x1e5: {  	[hbm4b:s11+s4] =	stream.linear.scatter @!p0 [tilespmem:s4], [sflag:$0x3], $0x800, $0x38;
	[tilespmem:$0xD000] =	vst v63  }
0x1e6: {  	_ =	swait.ge @!p0 [sflag:s8], $0x800  }
0x1e7: {  	s17 =	simm.s32 $0x2;
	p2 =	sle.u32 s10, $0x1;
	[sflag:s8] =	ssyncset.done @!p0 $0x0  }
0x1e8: {  	s19 =	simm.s32 @!p0 $0x2;
	[sflag:s8] =	ssyncadd.s32 @!p0 $0xFFFFF800;
	s8 =	rddreg [dreg:$0xd]  }
0x1e9: {  	[hbm4b:s8+s4] =	stream.linear.scatter @!p0 [tilespmem:s13], [sflag:$0x2], $0x80, $0x38;
	[tilespmem:$0xD000] =	vst v63  }
0x1ea: {  	s18 =	sadd.s32 $0x800, s15;
	s14 =	sadd.s32 $0x80, s14;
	_ =	swait.ge @!p0 [sflag:s19], $0x80  }
0x1eb: {  	s11 =	sadd.s32 $0x100, s11;
	s8 =	sadd.s32 $0x10, s8;
	[sflag:s19] =	ssyncset.done @!p0 $0x0  }
.LBB2_16:
0x1ec: {  	s4 =	simm.s32 @!p2 $0x0;
	s13 =	simm.s32 @!p2 $0x3;
	[sflag:s19] =	ssyncadd.s32 @!p0 $0xFFFFFF80  }
0x1ed: {  	[tilespmem:s4], [sflag:$0x3] =	stream.linear.gather @!p2 [spmem:s18], $0x800, $0x38;
	[tilespmem:$0xD000] =	vst v63  }
0x1ee: {  	s15 =	smov.u32 s17;
	s17 =	sadd.s32 $0x1, s17;
	_ =	swait.ge @!p2 [sflag:s13], $0x800  }
0x1ef: {  	p0 =	por p2, p2;
	p1 =	sne.s32 s17, $0x22;
	[sflag:s13] =	ssyncset.done @!p2 $0x0  }
0x1f0: {  	s16 =	simm.s32 @!p0 $0x1480;
	[sflag:s13] =	ssyncadd.s32 @!p0 $0xFFFFF800  }
0x1f1: {  	[tilespmem:s16], [sflag:$0x3] =	stream.linear.gather @!p0 [spmem:s14], $0x80, $0x38;
	[tilespmem:$0xD000] =	vst v63  }
0x1f2: {  	_ =	swait.ge @!p0 [sflag:s13], $0x80  }
0x1f3: {  	[sflag:s13] =	ssyncset.done @!p0 $0x0  }
0x1f4: {  	[sflag:s13] =	ssyncadd.s32 @!p0 $0xFFFFFF80  }
0x1f5: {  	[hbm4b:s11+s4] =	stream.linear.scatter @!p0 [tilespmem:s4], [sflag:$0x3], $0x800, $0x38;
	[tilespmem:$0xD000] =	vst v63  }
0x1f6: {  	_ =	swait.ge @!p0 [sflag:s13], $0x800  }
.Ltmp7:
0x1f7: {  	[sflag:s13] =	ssyncset.done @!p0 $0x0;
	(pc) =	sbr.rel @p1 .LBB2_16-.Ltmp7, $4  }
0x1f8: {  	s19 =	simm.s32 @!p0 $0x2;
	s11 =	sadd.s32 $0x100, s11;
	[sflag:s13] =	ssyncadd.s32 @!p0 $0xFFFFF800  }
0x1f9: {  	[hbm4b:s8+s4] =	stream.linear.scatter @!p0 [tilespmem:s16], [sflag:$0x2], $0x80, $0x38;
	[tilespmem:$0xD000] =	vst v63  }
0x1fa: {  	s14 =	sadd.s32 $0x80, s14;
	s8 =	sadd.s32 $0x10, s8;
	_ =	swait.ge @!p0 [sflag:s19], $0x80  }
0x1fb: {  	s18 =	sadd.s32 $0x800, s18;
	p2 =	sge.u32 s15, s10;
	[sflag:s19] =	ssyncset.done @!p0 $0x0  }
0x1fc: {  	s4 =	simm.s32 @!p2 $0x0;
	s13 =	simm.s32 @!p2 $0x3;
	[sflag:s19] =	ssyncadd.s32 @!p0 $0xFFFFFF80  }
0x1fd: {  	[tilespmem:s4], [sflag:$0x3] =	stream.linear.gather @!p2 [spmem:s18], $0x800, $0x38;
	[tilespmem:$0xD000] =	vst v63  }
0x1fe: {  	_ =	swait.ge @!p2 [sflag:s13], $0x800  }
0x1ff: {  	p0 =	por p2, p2;
	[sflag:s13] =	ssyncset.done @!p2 $0x0  }
0x200: {  	s15 =	simm.s32 @!p0 $0x1480;
	[sflag:s13] =	ssyncadd.s32 @!p0 $0xFFFFF800  }
0x201: {  	[tilespmem:s15], [sflag:$0x3] =	stream.linear.gather @!p0 [spmem:s14], $0x80, $0x38;
	[tilespmem:$0xD000] =	vst v63  }
0x202: {  	_ =	swait.ge @!p0 [sflag:s13], $0x80  }
0x203: {  	[sflag:s13] =	ssyncset.done @!p0 $0x0  }
0x204: {  	[sflag:s13] =	ssyncadd.s32 @!p0 $0xFFFFFF80  }
0x205: {  	[hbm4b:s11+s4] =	stream.linear.scatter @!p0 [tilespmem:s4], [sflag:$0x3], $0x800, $0x38;
	[tilespmem:$0xD000] =	vst v63  }
0x206: {  	_ =	swait.ge @!p0 [sflag:s13], $0x800  }
0x207: {  	[sflag:s13] =	ssyncset.done @!p0 $0x0  }
0x208: {  	s11 =	simm.s32 @!p0 $0x2;
	[sflag:s13] =	ssyncadd.s32 @!p0 $0xFFFFF800  }
0x209: {  	[hbm4b:s8+s4] =	stream.linear.scatter @!p0 [tilespmem:s15], [sflag:$0x2], $0x80, $0x38;
	[tilespmem:$0xD000] =	vst v63  }
0x20a: {  	_ =	swait.ge @!p0 [sflag:s11], $0x80  }
0x20b: {  	s25 =	rddreg [dreg:$0xf]  }
0x20c: {  	[sflag:s11] =	ssyncset.done @!p0 $0x0;
	s26 =	rddreg [dreg:$0x6];
	s8 =	sadd.s32 $0x1, s25  }
0x20d: {  	[sflag:s11] =	ssyncadd.s32 @!p0 $0xFFFFFF80;
	p0 =	sne.s32 s8, s26  }
.Ltmp8:
0x20e: {  	_ = 	snop;
	(pc) =	sbr.rel @p0 .LBB2_1-.Ltmp8, $2  }
0x20f: {  	_ =	sdelay $0x1  }
0x210: {  	[bflag:$0x0] =	sbarrier.arrive $0xFFFF;
	_ =	sdelay $0x1  }
0x211: {  	_ =	sfence.sel $0x180000  }
0x212: {  	[bflag:$0x0] =	sbarrier.arrive $0xFFFF  }
0x213: {  	_ =	strace $0x90000047  }
0x214: {  	s0 =	stileid.u32;
	[bflag:$0x2] =	sbarrier.arrive $0xFFFF  }
0x215: {  	p0 =	sne.s32 s0, $0x0;
	s0 =	rddreg [dreg:$0x4]  }
0x216: {  	s0 =	sadd.s32 @!p0 $0x100000, s0  }
0x217: {  	[sflag:s0] =	ssyncadd.tile.s32 @!p0 $0x1;
	_ =	shalt  }
.Lfunc_end2:
_tile_overlayer_lowered:
.L_overlay_start_2:
0x218: {  	(tag) =	ssettag $0x2  }
0x219: {  	s0 =	rddreg [dreg:$0x0];
	s2 =	stileid.u32  }
0x21a: {  	s1 =	rddreg [dreg:$0x1];
	p0 =	sne.s32 s2, $0x0  }
0x21b: {  	s3 =	rddreg [dreg:$0x2];
	[bflag:$0x3] =	sbarrier.arrive $0xFFFF;
	s2 =	simm.s32 @!p0 $0x1C02  }
0x21c: {  	[timem:s3], [sflag:s2] =	dma.local @!p0 [hbm:s0], s1  }
0x21d: {  	s0 =	simm.s32 @!p0 $0x2  }
0x21e: {  	_ =	swait.ge @!p0 [sflag:s0], s1  }
0x21f: {  	s1 =	ssub.s32 @!p0 $0x0, s1;
	[sflag:s0] =	ssyncset.done @!p0 $0x0  }
0x220: {  	[sflag:s0] =	ssyncadd.s32 @!p0 s1  }
0x221: {  	[bflag:$0x3] =	sbarrier.arrive $0xFFFF  }
0x222: {  	_ =	shalt  }

</sc_bundles>
